<compile_context>
chip_gen: v7x
topology: tpu7x:2x2x1
jax: 0.10.2.dev20260603
libtpu: 0.0.44.dev20260713+nightly
codegen_flags: <defaults>
</compile_context>

<pallas_src>
import dataclasses
import functools

import jax
import jax.numpy as jnp
from jax import lax
from jax.experimental import pallas as pl
from jax.experimental.pallas import tpu as pltpu
from jax.experimental.pallas import tpu_sc as plsc

N_NODES = 10000
N_EDGES = 320000
N_GRAPHS = 64
N_CLASSES = 10

_NC = 2
_NS = 16
_NW = _NC * _NS
_K = 128
_N_CHUNKS = N_EDGES // _K
_CHUNKS_PER_W = (_N_CHUNKS + _NW - 1) // _NW
_ROWS_PER_TILE = 624
_ROWS_REM = N_NODES - _NS * _ROWS_PER_TILE

_HIGH = lax.Precision.HIGHEST


def _dot(a, b):
    return lax.dot_general(a, b, (((1,), (0,)), ((), ())),
                           preferred_element_type=jnp.float32,
                           precision=_HIGH)



def _mm(x, w):
    def body(x_ref, w_ref, o_ref):
        o_ref[...] = _dot(x_ref[...], w_ref[...])
    return pl.pallas_call(
        body,
        out_shape=jax.ShapeDtypeStruct((x.shape[0], w.shape[1]), jnp.float32),
    )(x, w)


def _fuse(acc, b, w):
    def body(a_ref, b_ref, w_ref, o_ref):
        h = jnp.maximum(a_ref[0] + a_ref[1] + b_ref[...], 0.0)
        o_ref[...] = _dot(h, w_ref[...])
    return pl.pallas_call(
        body,
        out_shape=jax.ShapeDtypeStruct((acc.shape[1], w.shape[1]), jnp.float32),
    )(acc, b.reshape(1, -1), w)


def _final(acc, b, batch2d, wlin, blin):
    def body(a_ref, b_ref, bt_ref, wl_ref, bl_ref, o_ref):
        out3 = a_ref[0] + a_ref[1] + b_ref[...]
        gi = lax.broadcasted_iota(jnp.int32, (N_NODES, N_GRAPHS), 1)
        onehot = (bt_ref[...] == gi).astype(jnp.float32)
        sums = lax.dot_general(onehot, out3, (((0,), (0,)), ((), ())),
                               preferred_element_type=jnp.float32,
                               precision=_HIGH)
        ones = jnp.ones((N_NODES, 1), jnp.float32)
        counts = lax.dot_general(onehot, ones, (((0,), (0,)), ((), ())),
                                 preferred_element_type=jnp.float32,
                                 precision=_HIGH)
        pooled = sums / jnp.maximum(counts, 1.0)
        o_ref[...] = _dot(pooled, wl_ref[...]) + bl_ref[...]
    return pl.pallas_call(
        body,
        out_shape=jax.ShapeDtypeStruct((N_GRAPHS, N_CLASSES), jnp.float32),
    )(acc, b.reshape(1, -1), batch2d, wlin, blin.reshape(1, -1))



def _make_scatter(d):
    mesh = plsc.VectorSubcoreMesh(core_axis_name="c", subcore_axis_name="s")
    cp = pltpu.CompilerParams()
    if "needs_layout_passes" in pltpu.CompilerParams.__dataclass_fields__:
        cp = dataclasses.replace(cp, needs_layout_passes=False)
    if d < 128 and "use_tc_tiling_on_sc" in pltpu.CompilerParams.__dataclass_fields__:
        cp = dataclasses.replace(cp, use_tc_tiling_on_sc=False)

    @functools.partial(
        pl.kernel,
        compiler_params=cp,
        out_type=jax.ShapeDtypeStruct((_NC, N_NODES, d), jnp.float32),
        mesh=mesh,
        scratch_types=[
            pltpu.VMEM((_K,), jnp.int32),
            pltpu.VMEM((_K,), jnp.int32),
            pltpu.VMEM((_K,), jnp.float32),
            pltpu.VMEM((_K, d), jnp.float32),
            pltpu.VMEM_SHARED((N_NODES, d), jnp.float32),
            pltpu.SemaphoreType.DMA,
            pltpu.SemaphoreType.DMA,
            pltpu.SemaphoreType.DMA,
        ],
    )
    def sc_kernel(h_hbm, src_hbm, dst_hbm, w_hbm, z_hbm, out_hbm,
                  srcv, dstv, wv, rows, acc, sem, sem_s, sem_dw):
        c = lax.axis_index("c")
        s = lax.axis_index("s")
        wid = s * _NC + c
        r0 = s * _ROWS_PER_TILE

        pltpu.sync_copy(z_hbm.at[pl.ds(r0, _ROWS_PER_TILE)],
                        acc.at[pl.ds(r0, _ROWS_PER_TILE)])

        @pl.when(s == _NS - 1)
        def _():
            pltpu.sync_copy(z_hbm.at[pl.ds(_NS * _ROWS_PER_TILE, _ROWS_REM)],
                            acc.at[pl.ds(_NS * _ROWS_PER_TILE, _ROWS_REM)])

        plsc.subcore_barrier()

        @pl.loop(0, _CHUNKS_PER_W)
        def _(i):
            ci = i * _NW + wid

            @pl.when(ci < _N_CHUNKS)
            def _():
                e0 = ci * _K
                cp_s = pltpu.async_copy(src_hbm.at[pl.ds(e0, _K)], srcv, sem_s)
                cp_d = pltpu.async_copy(dst_hbm.at[pl.ds(e0, _K)], dstv, sem_dw)
                cp_w = pltpu.async_copy(w_hbm.at[pl.ds(e0, _K)], wv, sem_dw)
                cp_s.wait()
                cp_g = pltpu.async_copy(h_hbm.at[srcv], rows, sem)
                cp_d.wait()
                cp_w.wait()
                cp_g.wait()

                @pl.loop(0, _K, step=4)
                def _(k0):
                    for kk in range(4):
                        k = k0 + kk
                        wb = plsc.load_gather(wv, [jnp.full((16,), 0, jnp.int32) + k])
                        for j in range(d // 16):
                            sl = (k, pl.ds(j * 16, 16))
                            rows[sl] = rows[sl] * wb

                pltpu.sync_copy(rows, acc.at[dstv], add=True)

        plsc.subcore_barrier()
        pltpu.sync_copy(acc.at[pl.ds(r0, _ROWS_PER_TILE)],
                        out_hbm.at[c, pl.ds(r0, _ROWS_PER_TILE)])

        @pl.when(s == _NS - 1)
        def _():
            pltpu.sync_copy(acc.at[pl.ds(_NS * _ROWS_PER_TILE, _ROWS_REM)],
                            out_hbm.at[c, pl.ds(_NS * _ROWS_PER_TILE, _ROWS_REM)])

    return sc_kernel


_scatter128 = _make_scatter(128)
_scatter64 = _make_scatter(64)


@jax.jit
def kernel(x, edge_index, batch, edge_weights, W1, b1, W2, b2, W3, b3,
           Wlin, blin):
    src = edge_index[0].astype(jnp.int32)
    dst = edge_index[1].astype(jnp.int32)
    z128 = jnp.zeros((N_NODES, 128), jnp.float32)
    z64 = jnp.zeros((N_NODES, 64), jnp.float32)
    batch2d = batch.astype(jnp.int32).reshape(N_NODES, 1)

    h1 = _mm(x, W1)
    a1 = _scatter128(h1, src, dst, edge_weights, z128)
    h2 = _fuse(a1, b1, W2)
    a2 = _scatter128(h2, src, dst, edge_weights, z128)
    h3 = _fuse(a2, b2, W3)
    a3 = _scatter64(h3, src, dst, edge_weights, z64)
    return _final(a3, b3, batch2d, Wlin, blin)

# --- scband reference (transcript-rebuilt; emitter-appended) ---
"""Pipeline reference for scband-gstar-model-32890859552794 (READ-ONLY COPY).

The authoritative reference and input builder live on the scoring server;
editing this copy changes nothing except your own understanding.
"""

import jax, jax.numpy as jnp
import numpy as np

N_NODES = 10000
N_EDGES = 320000
D_IN = 128
D_HID = 128
D_EMB = 64
N_GRAPHS = 64
N_CLASSES = 10


def setup_inputs(seed: int = 0) -> dict:
    key = jax.random.key(seed)
    ks = jax.random.split(key, 12)
    x = jax.random.normal(ks[0], (N_NODES, D_IN), dtype=jnp.float32)
    edge_index = jax.random.randint(ks[1], (2, N_EDGES), 0, N_NODES, dtype=jnp.int64 if jax.config.jax_enable_x64 else jnp.int32)
    batch = jnp.sort(jax.random.randint(ks[2], (N_NODES,), 0, N_GRAPHS, dtype=jnp.int32))
    edge_weights = jax.random.uniform(ks[3], (N_EDGES,), dtype=jnp.float32)
    W1 = jax.random.normal(ks[4], (D_IN, D_HID), dtype=jnp.float32) * (1.0 / np.sqrt(D_IN))
    b1 = jnp.zeros((D_HID,), dtype=jnp.float32)
    W2 = jax.random.normal(ks[5], (D_HID, D_HID), dtype=jnp.float32) * (1.0 / np.sqrt(D_HID))
    b2 = jnp.zeros((D_HID,), dtype=jnp.float32)
    W3 = jax.random.normal(ks[6], (D_HID, D_EMB), dtype=jnp.float32) * (1.0 / np.sqrt(D_HID))
    b3 = jnp.zeros((D_EMB,), dtype=jnp.float32)
    Wlin = jax.random.normal(ks[7], (D_EMB, N_CLASSES), dtype=jnp.float32) * (1.0 / np.sqrt(D_EMB))
    blin = jnp.zeros((N_CLASSES,), dtype=jnp.float32)
    return {"x": x, "edge_index": edge_index, "batch": batch, "edge_weights": edge_weights,
            "W1": W1, "b1": b1, "W2": W2, "b2": b2, "W3": W3, "b3": b3,
            "Wlin": Wlin, "blin": blin}


def _gcn_conv(x, edge_index, edge_weights, W, b):
    # linear transform then edge-weighted scatter-add aggregation (message passing)
    h = x @ W
    src = edge_index[0]
    dst = edge_index[1]
    msg = jnp.take(h, src, axis=0) * edge_weights[:, None]
    agg = jax.ops.segment_sum(msg, dst, num_segments=N_NODES)
    return agg + b


def reference(x, edge_index, batch, edge_weights, W1, b1, W2, b2, W3, b3, Wlin, blin):
    out1 = jax.nn.relu(_gcn_conv(x, edge_index, edge_weights, W1, b1))
    out2 = jax.nn.relu(_gcn_conv(out1, edge_index, edge_weights, W2, b2))
    out3 = _gcn_conv(out2, edge_index, edge_weights, W3, b3)
    # global mean pool over batch segment ids
    sums = jax.ops.segment_sum(out3, batch, num_segments=N_GRAPHS)
    counts = jax.ops.segment_sum(jnp.ones((N_NODES,), dtype=jnp.float32), batch, num_segments=N_GRAPHS)
    counts = jnp.maximum(counts, 1.0)
    pooled = sums / counts[:, None]
    return pooled @ Wlin + blin

if __name__ == "__main__":
    import jax
    _d = setup_inputs()
    print(jax.jit(kernel)(*tuple(_d.values())))

</pallas_src>

<mosaic_0001>
#map = affine_map<(d0, d1) -> (0, 0)>
#map1 = affine_map<(d0, d1) -> (0)>
#map2 = affine_map<(d0, d1) -> (0, 0, 0)>
module attributes {stable_mosaic.version = 14 : i64} {
  func.func @sc_kernel(%arg0: i32, %arg1: i32, %arg2: memref<10000x128xf32, #tpu.memory_space<hbm>>, %arg3: memref<320000xi32, #tpu.memory_space<hbm>>, %arg4: memref<320000xi32, #tpu.memory_space<hbm>>, %arg5: memref<320000xf32, #tpu.memory_space<hbm>>, %arg6: memref<10000x128xf32, #tpu.memory_space<hbm>>, %arg7: memref<2x10000x128xf32, #tpu.memory_space<hbm>>, %arg8: memref<128xi32, #tpu.memory_space<vmem>>, %arg9: memref<128xi32, #tpu.memory_space<vmem>>, %arg10: memref<128xf32, #tpu.memory_space<vmem>>, %arg11: memref<128x128xf32, #tpu.memory_space<vmem>>, %arg12: memref<10000x128xf32, #tpu.memory_space<vmem_shared>>, %arg13: memref<!tpu.dma_semaphore, #tpu.memory_space<semaphore_mem>>, %arg14: memref<!tpu.dma_semaphore, #tpu.memory_space<semaphore_mem>>, %arg15: memref<!tpu.dma_semaphore, #tpu.memory_space<semaphore_mem>>) attributes {dimension_semantics = [#tpu.dimension_semantics<core_parallel>, #tpu.dimension_semantics<subcore_parallel>], iteration_bounds = array<i64: 2, 16>, scalar_prefetch = 0 : i64, scratch_operands = 8 : i64, tpu.core_type = #tpu.core_type<sc_vector_subcore>, window_params = [{transform_indices = #map}, {transform_indices = #map1}, {transform_indices = #map1}, {transform_indices = #map1}, {transform_indices = #map}, {transform_indices = #map2}]} {
    %mul3A = arith.constant 2 : i32
    %mul3A_0 = arith.muli %arg1, %mul3A : i32
    %add3A = arith.addi %mul3A_0, %arg0 : i32
    %mul3A_1 = arith.constant 624 : i32
    %mul3A_2 = arith.muli %arg1, %mul3A_1 : i32
    "tpu.region"() ({
      %run_scoped3A = tpu.sem_alloc : memref<!tpu.dma_semaphore, #tpu.memory_space<semaphore_mem>>
      %dma_start3A = arith.constant 0 : i32
      %dma_start3A_15 = tpu.memref_slice %arg12[%mul3A_2, %dma_start3A] : memref<10000x128xf32, #tpu.memory_space<vmem_shared>> -> memref<624x128xf32, #tpu.memory_space<vmem_shared>>
      %dma_start3A_16 = arith.constant 0 : i32
      %dma_start3A_17 = tpu.memref_slice %arg6[%mul3A_2, %dma_start3A_16] : memref<10000x128xf32, #tpu.memory_space<hbm>> -> memref<624x128xf32, #tpu.memory_space<hbm>>
      tpu.enqueue_dma source(%dma_start3A_17 : memref<624x128xf32, #tpu.memory_space<hbm>>) target(%dma_start3A_15 : memref<624x128xf32, #tpu.memory_space<vmem_shared>>) target_semaphore(%run_scoped3A : memref<!tpu.dma_semaphore, #tpu.memory_space<semaphore_mem>>)
      %dma_wait3A = arith.constant 0 : i32
      %dma_wait3A_18 = tpu.memref_slice %arg12[%mul3A_2, %dma_wait3A] : memref<10000x128xf32, #tpu.memory_space<vmem_shared>> -> memref<624x128xf32, #tpu.memory_space<vmem_shared>>
      %dma_wait3A_19 = arith.constant 0 : i32
      %dma_wait3A_20 = tpu.memref_slice %arg6[%mul3A_2, %dma_wait3A_19] : memref<10000x128xf32, #tpu.memory_space<hbm>> -> memref<624x128xf32, #tpu.memory_space<hbm>>
      tpu.wait_dma2 semaphore(%run_scoped3A : memref<!tpu.dma_semaphore, #tpu.memory_space<semaphore_mem>>) src(%dma_wait3A_20 : memref<624x128xf32, #tpu.memory_space<hbm>>) dst(%dma_wait3A_18 : memref<624x128xf32, #tpu.memory_space<vmem_shared>>)
      tpu.yield
    }) : () -> ()
    %eq3A = arith.constant 15 : i32
    %eq3A_3 = arith.cmpi eq, %arg1, %eq3A : i32
    %convert_element_type3A = arith.extui %eq3A_3 : i1 to i32
    %cond3A = arith.constant 0 : i32
    %cond3A_4 = arith.cmpi ne, %convert_element_type3A, %cond3A : i32
    scf.if %cond3A_4 {
      "tpu.region"() ({
        %run_scoped3A = tpu.sem_alloc : memref<!tpu.dma_semaphore, #tpu.memory_space<semaphore_mem>>
        %dma_start3A = arith.constant 9984 : i32
        %dma_start3A_15 = arith.constant 0 : i32
        %dma_start3A_16 = tpu.memref_slice %arg12[%dma_start3A, %dma_start3A_15] : memref<10000x128xf32, #tpu.memory_space<vmem_shared>> -> memref<16x128xf32, #tpu.memory_space<vmem_shared>>
        %dma_start3A_17 = arith.constant 9984 : i32
        %dma_start3A_18 = arith.constant 0 : i32
        %dma_start3A_19 = tpu.memref_slice %arg6[%dma_start3A_17, %dma_start3A_18] : memref<10000x128xf32, #tpu.memory_space<hbm>> -> memref<16x128xf32, #tpu.memory_space<hbm>>
        tpu.enqueue_dma source(%dma_start3A_19 : memref<16x128xf32, #tpu.memory_space<hbm>>) target(%dma_start3A_16 : memref<16x128xf32, #tpu.memory_space<vmem_shared>>) target_semaphore(%run_scoped3A : memref<!tpu.dma_semaphore, #tpu.memory_space<semaphore_mem>>)
        %dma_wait3A = arith.constant 9984 : i32
        %dma_wait3A_20 = arith.constant 0 : i32
        %dma_wait3A_21 = tpu.memref_slice %arg12[%dma_wait3A, %dma_wait3A_20] : memref<10000x128xf32, #tpu.memory_space<vmem_shared>> -> memref<16x128xf32, #tpu.memory_space<vmem_shared>>
        %dma_wait3A_22 = arith.constant 9984 : i32
        %dma_wait3A_23 = arith.constant 0 : i32
        %dma_wait3A_24 = tpu.memref_slice %arg6[%dma_wait3A_22, %dma_wait3A_23] : memref<10000x128xf32, #tpu.memory_space<hbm>> -> memref<16x128xf32, #tpu.memory_space<hbm>>
        tpu.wait_dma2 semaphore(%run_scoped3A : memref<!tpu.dma_semaphore, #tpu.memory_space<semaphore_mem>>) src(%dma_wait3A_24 : memref<16x128xf32, #tpu.memory_space<hbm>>) dst(%dma_wait3A_21 : memref<16x128xf32, #tpu.memory_space<vmem_shared>>)
        tpu.yield
      }) : () -> ()
    } else {
    }
    %barrier3A = arith.constant 0 : index
    tpu.barrier barrier_id(%barrier3A)
    %scan3A = arith.constant 0 : i32
    %scan3A_5 = arith.constant 79 : i32
    %scan3A_6 = arith.addi %scan3A, %scan3A_5 : i32
    %scan3A_7 = arith.constant 1 : i32
    scf.for %scan3A_15 = %scan3A to %scan3A_6 step %scan3A_7  : i32 {
      %mul3A_16 = arith.constant 1 : i32
      %mul3A_17 = arith.muli %scan3A_15, %mul3A_16 : i32
      %add3A_18 = arith.constant 0 : i32
      %add3A_19 = arith.addi %add3A_18, %mul3A_17 : i32
      %mul3A_20 = arith.constant 32 : i32
      %mul3A_21 = arith.muli %add3A_19, %mul3A_20 : i32
      %add3A_22 = arith.addi %mul3A_21, %add3A : i32
      %lt3A = arith.constant 2500 : i32
      %lt3A_23 = arith.cmpi slt, %add3A_22, %lt3A : i32
      %convert_element_type3A_24 = arith.extui %lt3A_23 : i1 to i32
      %cond3A_25 = arith.constant 0 : i32
      %cond3A_26 = arith.cmpi ne, %convert_element_type3A_24, %cond3A_25 : i32
      scf.if %cond3A_26 {
        %mul3A_27 = arith.constant 128 : i32
        %mul3A_28 = arith.muli %add3A_22, %mul3A_27 : i32
        %dma_start3A = tpu.memref_slice %arg3[%mul3A_28] : memref<320000xi32, #tpu.memory_space<hbm>> -> memref<128xi32, #tpu.memory_space<hbm>>
        %dma_start3A_29 = tpu.memref_slice %arg3[%mul3A_28] : memref<320000xi32, #tpu.memory_space<hbm>> -> memref<128xi32, #tpu.memory_space<hbm>>
        tpu.enqueue_dma source(%dma_start3A_29 : memref<128xi32, #tpu.memory_space<hbm>>) target(%arg8 : memref<128xi32, #tpu.memory_space<vmem>>) target_semaphore(%arg14 : memref<!tpu.dma_semaphore, #tpu.memory_space<semaphore_mem>>)
        %dma_start3A_30 = tpu.memref_slice %arg4[%mul3A_28] : memref<320000xi32, #tpu.memory_space<hbm>> -> memref<128xi32, #tpu.memory_space<hbm>>
        %dma_start3A_31 = tpu.memref_slice %arg4[%mul3A_28] : memref<320000xi32, #tpu.memory_space<hbm>> -> memref<128xi32, #tpu.memory_space<hbm>>
        tpu.enqueue_dma source(%dma_start3A_31 : memref<128xi32, #tpu.memory_space<hbm>>) target(%arg9 : memref<128xi32, #tpu.memory_space<vmem>>) target_semaphore(%arg15 : memref<!tpu.dma_semaphore, #tpu.memory_space<semaphore_mem>>)
        %dma_start3A_32 = tpu.memref_slice %arg5[%mul3A_28] : memref<320000xf32, #tpu.memory_space<hbm>> -> memref<128xf32, #tpu.memory_space<hbm>>
        %dma_start3A_33 = tpu.memref_slice %arg5[%mul3A_28] : memref<320000xf32, #tpu.memory_space<hbm>> -> memref<128xf32, #tpu.memory_space<hbm>>
        tpu.enqueue_dma source(%dma_start3A_33 : memref<128xf32, #tpu.memory_space<hbm>>) target(%arg10 : memref<128xf32, #tpu.memory_space<vmem>>) target_semaphore(%arg15 : memref<!tpu.dma_semaphore, #tpu.memory_space<semaphore_mem>>)
        %dma_wait3A = tpu.memref_slice %arg3[%mul3A_28] : memref<320000xi32, #tpu.memory_space<hbm>> -> memref<128xi32, #tpu.memory_space<hbm>>
        %dma_wait3A_34 = tpu.memref_slice %arg3[%mul3A_28] : memref<320000xi32, #tpu.memory_space<hbm>> -> memref<128xi32, #tpu.memory_space<hbm>>
        tpu.wait_dma2 semaphore(%arg14 : memref<!tpu.dma_semaphore, #tpu.memory_space<semaphore_mem>>) src(%dma_wait3A_34 : memref<128xi32, #tpu.memory_space<hbm>>) dst(%arg8 : memref<128xi32, #tpu.memory_space<vmem>>)
        %dma_start3A_35 = arith.constant 0 : i32
        %dma_start3A_36 = arith.constant 0 : i32
        %dma_start3A_37 = tpu.memref_slice %arg2[%dma_start3A_35, %dma_start3A_36] : memref<10000x128xf32, #tpu.memory_space<hbm>> -> memref<10000x128xf32, #tpu.memory_space<hbm>>
        tpu.enqueue_indirect_dma source(%dma_start3A_37 : memref<10000x128xf32, #tpu.memory_space<hbm>>) target(%arg11 : memref<128x128xf32, #tpu.memory_space<vmem>>) offsets(%arg8 : memref<128xi32, #tpu.memory_space<vmem>>) semaphore(%arg13 : memref<!tpu.dma_semaphore, #tpu.memory_space<semaphore_mem>>)
        %dma_wait3A_38 = tpu.memref_slice %arg4[%mul3A_28] : memref<320000xi32, #tpu.memory_space<hbm>> -> memref<128xi32, #tpu.memory_space<hbm>>
        %dma_wait3A_39 = tpu.memref_slice %arg4[%mul3A_28] : memref<320000xi32, #tpu.memory_space<hbm>> -> memref<128xi32, #tpu.memory_space<hbm>>
        tpu.wait_dma2 semaphore(%arg15 : memref<!tpu.dma_semaphore, #tpu.memory_space<semaphore_mem>>) src(%dma_wait3A_39 : memref<128xi32, #tpu.memory_space<hbm>>) dst(%arg9 : memref<128xi32, #tpu.memory_space<vmem>>)
        %dma_wait3A_40 = tpu.memref_slice %arg5[%mul3A_28] : memref<320000xf32, #tpu.memory_space<hbm>> -> memref<128xf32, #tpu.memory_space<hbm>>
        %dma_wait3A_41 = tpu.memref_slice %arg5[%mul3A_28] : memref<320000xf32, #tpu.memory_space<hbm>> -> memref<128xf32, #tpu.memory_space<hbm>>
        tpu.wait_dma2 semaphore(%arg15 : memref<!tpu.dma_semaphore, #tpu.memory_space<semaphore_mem>>) src(%dma_wait3A_41 : memref<128xf32, #tpu.memory_space<hbm>>) dst(%arg10 : memref<128xf32, #tpu.memory_space<vmem>>)
        %dma_wait3A_42 = arith.constant 0 : i32
        %dma_wait3A_43 = arith.constant 0 : i32
        %dma_wait3A_44 = tpu.memref_slice %arg2[%dma_wait3A_42, %dma_wait3A_43] : memref<10000x128xf32, #tpu.memory_space<hbm>> -> memref<10000x128xf32, #tpu.memory_space<hbm>>
        tpu.wait_indirect_dma semaphore(%arg13 : memref<!tpu.dma_semaphore, #tpu.memory_space<semaphore_mem>>) src(%dma_wait3A_44 : memref<10000x128xf32, #tpu.memory_space<hbm>>) dst(%arg11 : memref<128x128xf32, #tpu.memory_space<vmem>>)
        %scan3A_45 = arith.constant 0 : i32
        %scan3A_46 = arith.constant 32 : i32
        %scan3A_47 = arith.addi %scan3A_45, %scan3A_46 : i32
        %scan3A_48 = arith.constant 1 : i32
        scf.for %scan3A_50 = %scan3A_45 to %scan3A_47 step %scan3A_48  : i32 {
          %mul3A_51 = arith.constant 4 : i32
          %mul3A_52 = arith.muli %scan3A_50, %mul3A_51 : i32
          %add3A_53 = arith.constant 0 : i32
          %add3A_54 = arith.addi %add3A_53, %mul3A_52 : i32
          %add3A_55 = arith.constant 0 : i32
          %add3A_56 = arith.addi %add3A_54, %add3A_55 : i32
          %broadcast_in_dim3A = arith.constant 0 : i32
          %broadcast_in_dim3A_57 = vector.broadcast %broadcast_in_dim3A : i32 to vector<16xi32>
          %add3A_58 = vector.broadcast %add3A_56 : i32 to vector<16xi32>
          %add3A_59 = arith.addi %broadcast_in_dim3A_57, %add3A_58 : vector<16xi32>
          %gather3A = tpu.vector_load_idx %arg10[%add3A_59] : memref<128xf32, #tpu.memory_space<vmem>>[vector<16xi32>], vector<16xf32>,
          %get3A = arith.index_cast %add3A_56 : i32 to index
          %get3A_60 = arith.constant 0 : index
          %get3A_61 = tpu.vector_load %arg11[%get3A, %get3A_60] {strides = array<i32>} : memref<128x128xf32, #tpu.memory_space<vmem>>, vector<16xf32>,
          %mul3A_62 = arith.mulf %get3A_61, %gather3A : vector<16xf32>
          %swap3A = arith.index_cast %add3A_56 : i32 to index
          %swap3A_63 = arith.constant 0 : index
          %swap3A_64 = tpu.vector_load %arg11[%swap3A, %swap3A_63] {strides = array<i32>} : memref<128x128xf32, #tpu.memory_space<vmem>>, vector<16xf32>,
          tpu.vector_store %arg11[%swap3A, %swap3A_63], %mul3A_62 {strides = array<i32>} : memref<128x128xf32, #tpu.memory_space<vmem>>, vector<16xf32>,
          %get3A_65 = arith.index_cast %add3A_56 : i32 to index
          %get3A_66 = arith.constant 16 : index
          %get3A_67 = tpu.vector_load %arg11[%get3A_65, %get3A_66] {strides = array<i32>} : memref<128x128xf32, #tpu.memory_space<vmem>>, vector<16xf32>,
          %mul3A_68 = arith.mulf %get3A_67, %gather3A : vector<16xf32>
          %swap3A_69 = arith.index_cast %add3A_56 : i32 to index
          %swap3A_70 = arith.constant 16 : index
          %swap3A_71 = tpu.vector_load %arg11[%swap3A_69, %swap3A_70] {strides = array<i32>} : memref<128x128xf32, #tpu.memory_space<vmem>>, vector<16xf32>,
          tpu.vector_store %arg11[%swap3A_69, %swap3A_70], %mul3A_68 {strides = array<i32>} : memref<128x128xf32, #tpu.memory_space<vmem>>, vector<16xf32>,
          %get3A_72 = arith.index_cast %add3A_56 : i32 to index
          %get3A_73 = arith.constant 32 : index
          %get3A_74 = tpu.vector_load %arg11[%get3A_72, %get3A_73] {strides = array<i32>} : memref<128x128xf32, #tpu.memory_space<vmem>>, vector<16xf32>,
          %mul3A_75 = arith.mulf %get3A_74, %gather3A : vector<16xf32>
          %swap3A_76 = arith.index_cast %add3A_56 : i32 to index
          %swap3A_77 = arith.constant 32 : index
          %swap3A_78 = tpu.vector_load %arg11[%swap3A_76, %swap3A_77] {strides = array<i32>} : memref<128x128xf32, #tpu.memory_space<vmem>>, vector<16xf32>,
          tpu.vector_store %arg11[%swap3A_76, %swap3A_77], %mul3A_75 {strides = array<i32>} : memref<128x128xf32, #tpu.memory_space<vmem>>, vector<16xf32>,
          %get3A_79 = arith.index_cast %add3A_56 : i32 to index
          %get3A_80 = arith.constant 48 : index
          %get3A_81 = tpu.vector_load %arg11[%get3A_79, %get3A_80] {strides = array<i32>} : memref<128x128xf32, #tpu.memory_space<vmem>>, vector<16xf32>,
          %mul3A_82 = arith.mulf %get3A_81, %gather3A : vector<16xf32>
          %swap3A_83 = arith.index_cast %add3A_56 : i32 to index
          %swap3A_84 = arith.constant 48 : index
          %swap3A_85 = tpu.vector_load %arg11[%swap3A_83, %swap3A_84] {strides = array<i32>} : memref<128x128xf32, #tpu.memory_space<vmem>>, vector<16xf32>,
          tpu.vector_store %arg11[%swap3A_83, %swap3A_84], %mul3A_82 {strides = array<i32>} : memref<128x128xf32, #tpu.memory_space<vmem>>, vector<16xf32>,
          %get3A_86 = arith.index_cast %add3A_56 : i32 to index
          %get3A_87 = arith.constant 64 : index
          %get3A_88 = tpu.vector_load %arg11[%get3A_86, %get3A_87] {strides = array<i32>} : memref<128x128xf32, #tpu.memory_space<vmem>>, vector<16xf32>,
          %mul3A_89 = arith.mulf %get3A_88, %gather3A : vector<16xf32>
          %swap3A_90 = arith.index_cast %add3A_56 : i32 to index
          %swap3A_91 = arith.constant 64 : index
          %swap3A_92 = tpu.vector_load %arg11[%swap3A_90, %swap3A_91] {strides = array<i32>} : memref<128x128xf32, #tpu.memory_space<vmem>>, vector<16xf32>,
          tpu.vector_store %arg11[%swap3A_90, %swap3A_91], %mul3A_89 {strides = array<i32>} : memref<128x128xf32, #tpu.memory_space<vmem>>, vector<16xf32>,
          %get3A_93 = arith.index_cast %add3A_56 : i32 to index
          %get3A_94 = arith.constant 80 : index
          %get3A_95 = tpu.vector_load %arg11[%get3A_93, %get3A_94] {strides = array<i32>} : memref<128x128xf32, #tpu.memory_space<vmem>>, vector<16xf32>,
          %mul3A_96 = arith.mulf %get3A_95, %gather3A : vector<16xf32>
          %swap3A_97 = arith.index_cast %add3A_56 : i32 to index
          %swap3A_98 = arith.constant 80 : index
          %swap3A_99 = tpu.vector_load %arg11[%swap3A_97, %swap3A_98] {strides = array<i32>} : memref<128x128xf32, #tpu.memory_space<vmem>>, vector<16xf32>,
          tpu.vector_store %arg11[%swap3A_97, %swap3A_98], %mul3A_96 {strides = array<i32>} : memref<128x128xf32, #tpu.memory_space<vmem>>, vector<16xf32>,
          %get3A_100 = arith.index_cast %add3A_56 : i32 to index
          %get3A_101 = arith.constant 96 : index
          %get3A_102 = tpu.vector_load %arg11[%get3A_100, %get3A_101] {strides = array<i32>} : memref<128x128xf32, #tpu.memory_space<vmem>>, vector<16xf32>,
          %mul3A_103 = arith.mulf %get3A_102, %gather3A : vector<16xf32>
          %swap3A_104 = arith.index_cast %add3A_56 : i32 to index
          %swap3A_105 = arith.constant 96 : index
          %swap3A_106 = tpu.vector_load %arg11[%swap3A_104, %swap3A_105] {strides = array<i32>} : memref<128x128xf32, #tpu.memory_space<vmem>>, vector<16xf32>,
          tpu.vector_store %arg11[%swap3A_104, %swap3A_105], %mul3A_103 {strides = array<i32>} : memref<128x128xf32, #tpu.memory_space<vmem>>, vector<16xf32>,
          %get3A_107 = arith.index_cast %add3A_56 : i32 to index
          %get3A_108 = arith.constant 112 : index
          %get3A_109 = tpu.vector_load %arg11[%get3A_107, %get3A_108] {strides = array<i32>} : memref<128x128xf32, #tpu.memory_space<vmem>>, vector<16xf32>,
          %mul3A_110 = arith.mulf %get3A_109, %gather3A : vector<16xf32>
          %swap3A_111 = arith.index_cast %add3A_56 : i32 to index
          %swap3A_112 = arith.constant 112 : index
          %swap3A_113 = tpu.vector_load %arg11[%swap3A_111, %swap3A_112] {strides = array<i32>} : memref<128x128xf32, #tpu.memory_space<vmem>>, vector<16xf32>,
          tpu.vector_store %arg11[%swap3A_111, %swap3A_112], %mul3A_110 {strides = array<i32>} : memref<128x128xf32, #tpu.memory_space<vmem>>, vector<16xf32>,
          %add3A_114 = arith.constant 1 : i32
          %add3A_115 = arith.addi %add3A_54, %add3A_114 : i32
          %broadcast_in_dim3A_116 = arith.constant 0 : i32
          %broadcast_in_dim3A_117 = vector.broadcast %broadcast_in_dim3A_116 : i32 to vector<16xi32>
          %add3A_118 = vector.broadcast %add3A_115 : i32 to vector<16xi32>
          %add3A_119 = arith.addi %broadcast_in_dim3A_117, %add3A_118 : vector<16xi32>
          %gather3A_120 = tpu.vector_load_idx %arg10[%add3A_119] : memref<128xf32, #tpu.memory_space<vmem>>[vector<16xi32>], vector<16xf32>,
          %get3A_121 = arith.index_cast %add3A_115 : i32 to index
          %get3A_122 = arith.constant 0 : index
          %get3A_123 = tpu.vector_load %arg11[%get3A_121, %get3A_122] {strides = array<i32>} : memref<128x128xf32, #tpu.memory_space<vmem>>, vector<16xf32>,
          %mul3A_124 = arith.mulf %get3A_123, %gather3A_120 : vector<16xf32>
          %swap3A_125 = arith.index_cast %add3A_115 : i32 to index
          %swap3A_126 = arith.constant 0 : index
          %swap3A_127 = tpu.vector_load %arg11[%swap3A_125, %swap3A_126] {strides = array<i32>} : memref<128x128xf32, #tpu.memory_space<vmem>>, vector<16xf32>,
          tpu.vector_store %arg11[%swap3A_125, %swap3A_126], %mul3A_124 {strides = array<i32>} : memref<128x128xf32, #tpu.memory_space<vmem>>, vector<16xf32>,
          %get3A_128 = arith.index_cast %add3A_115 : i32 to index
          %get3A_129 = arith.constant 16 : index
          %get3A_130 = tpu.vector_load %arg11[%get3A_128, %get3A_129] {strides = array<i32>} : memref<128x128xf32, #tpu.memory_space<vmem>>, vector<16xf32>,
          %mul3A_131 = arith.mulf %get3A_130, %gather3A_120 : vector<16xf32>
          %swap3A_132 = arith.index_cast %add3A_115 : i32 to index
          %swap3A_133 = arith.constant 16 : index
          %swap3A_134 = tpu.vector_load %arg11[%swap3A_132, %swap3A_133] {strides = array<i32>} : memref<128x128xf32, #tpu.memory_space<vmem>>, vector<16xf32>,
          tpu.vector_store %arg11[%swap3A_132, %swap3A_133], %mul3A_131 {strides = array<i32>} : memref<128x128xf32, #tpu.memory_space<vmem>>, vector<16xf32>,
          %get3A_135 = arith.index_cast %add3A_115 : i32 to index
          %get3A_136 = arith.constant 32 : index
          %get3A_137 = tpu.vector_load %arg11[%get3A_135, %get3A_136] {strides = array<i32>} : memref<128x128xf32, #tpu.memory_space<vmem>>, vector<16xf32>,
          %mul3A_138 = arith.mulf %get3A_137, %gather3A_120 : vector<16xf32>
          %swap3A_139 = arith.index_cast %add3A_115 : i32 to index
          %swap3A_140 = arith.constant 32 : index
          %swap3A_141 = tpu.vector_load %arg11[%swap3A_139, %swap3A_140] {strides = array<i32>} : memref<128x128xf32, #tpu.memory_space<vmem>>, vector<16xf32>,
          tpu.vector_store %arg11[%swap3A_139, %swap3A_140], %mul3A_138 {strides = array<i32>} : memref<128x128xf32, #tpu.memory_space<vmem>>, vector<16xf32>,
          %get3A_142 = arith.index_cast %add3A_115 : i32 to index
          %get3A_143 = arith.constant 48 : index
          %get3A_144 = tpu.vector_load %arg11[%get3A_142, %get3A_143] {strides = array<i32>} : memref<128x128xf32, #tpu.memory_space<vmem>>, vector<16xf32>,
          %mul3A_145 = arith.mulf %get3A_144, %gather3A_120 : vector<16xf32>
          %swap3A_146 = arith.index_cast %add3A_115 : i32 to index
          %swap3A_147 = arith.constant 48 : index
          %swap3A_148 = tpu.vector_load %arg11[%swap3A_146, %swap3A_147] {strides = array<i32>} : memref<128x128xf32, #tpu.memory_space<vmem>>, vector<16xf32>,
          tpu.vector_store %arg11[%swap3A_146, %swap3A_147], %mul3A_145 {strides = array<i32>} : memref<128x128xf32, #tpu.memory_space<vmem>>, vector<16xf32>,
          %get3A_149 = arith.index_cast %add3A_115 : i32 to index
          %get3A_150 = arith.constant 64 : index
          %get3A_151 = tpu.vector_load %arg11[%get3A_149, %get3A_150] {strides = array<i32>} : memref<128x128xf32, #tpu.memory_space<vmem>>, vector<16xf32>,
          %mul3A_152 = arith.mulf %get3A_151, %gather3A_120 : vector<16xf32>
          %swap3A_153 = arith.index_cast %add3A_115 : i32 to index
          %swap3A_154 = arith.constant 64 : index
          %swap3A_155 = tpu.vector_load %arg11[%swap3A_153, %swap3A_154] {strides = array<i32>} : memref<128x128xf32, #tpu.memory_space<vmem>>, vector<16xf32>,
          tpu.vector_store %arg11[%swap3A_153, %swap3A_154], %mul3A_152 {strides = array<i32>} : memref<128x128xf32, #tpu.memory_space<vmem>>, vector<16xf32>,
          %get3A_156 = arith.index_cast %add3A_115 : i32 to index
          %get3A_157 = arith.constant 80 : index
          %get3A_158 = tpu.vector_load %arg11[%get3A_156, %get3A_157] {strides = array<i32>} : memref<128x128xf32, #tpu.memory_space<vmem>>, vector<16xf32>,
          %mul3A_159 = arith.mulf %get3A_158, %gather3A_120 : vector<16xf32>
          %swap3A_160 = arith.index_cast %add3A_115 : i32 to index
          %swap3A_161 = arith.constant 80 : index
          %swap3A_162 = tpu.vector_load %arg11[%swap3A_160, %swap3A_161] {strides = array<i32>} : memref<128x128xf32, #tpu.memory_space<vmem>>, vector<16xf32>,
          tpu.vector_store %arg11[%swap3A_160, %swap3A_161], %mul3A_159 {strides = array<i32>} : memref<128x128xf32, #tpu.memory_space<vmem>>, vector<16xf32>,
          %get3A_163 = arith.index_cast %add3A_115 : i32 to index
          %get3A_164 = arith.constant 96 : index
          %get3A_165 = tpu.vector_load %arg11[%get3A_163, %get3A_164] {strides = array<i32>} : memref<128x128xf32, #tpu.memory_space<vmem>>, vector<16xf32>,
          %mul3A_166 = arith.mulf %get3A_165, %gather3A_120 : vector<16xf32>
          %swap3A_167 = arith.index_cast %add3A_115 : i32 to index
          %swap3A_168 = arith.constant 96 : index
          %swap3A_169 = tpu.vector_load %arg11[%swap3A_167, %swap3A_168] {strides = array<i32>} : memref<128x128xf32, #tpu.memory_space<vmem>>, vector<16xf32>,
          tpu.vector_store %arg11[%swap3A_167, %swap3A_168], %mul3A_166 {strides = array<i32>} : memref<128x128xf32, #tpu.memory_space<vmem>>, vector<16xf32>,
          %get3A_170 = arith.index_cast %add3A_115 : i32 to index
          %get3A_171 = arith.constant 112 : index
          %get3A_172 = tpu.vector_load %arg11[%get3A_170, %get3A_171] {strides = array<i32>} : memref<128x128xf32, #tpu.memory_space<vmem>>, vector<16xf32>,
          %mul3A_173 = arith.mulf %get3A_172, %gather3A_120 : vector<16xf32>
          %swap3A_174 = arith.index_cast %add3A_115 : i32 to index
          %swap3A_175 = arith.constant 112 : index
          %swap3A_176 = tpu.vector_load %arg11[%swap3A_174, %swap3A_175] {strides = array<i32>} : memref<128x128xf32, #tpu.memory_space<vmem>>, vector<16xf32>,
          tpu.vector_store %arg11[%swap3A_174, %swap3A_175], %mul3A_173 {strides = array<i32>} : memref<128x128xf32, #tpu.memory_space<vmem>>, vector<16xf32>,
          %add3A_177 = arith.constant 2 : i32
          %add3A_178 = arith.addi %add3A_54, %add3A_177 : i32
          %broadcast_in_dim3A_179 = arith.constant 0 : i32
          %broadcast_in_dim3A_180 = vector.broadcast %broadcast_in_dim3A_179 : i32 to vector<16xi32>
          %add3A_181 = vector.broadcast %add3A_178 : i32 to vector<16xi32>
          %add3A_182 = arith.addi %broadcast_in_dim3A_180, %add3A_181 : vector<16xi32>
          %gather3A_183 = tpu.vector_load_idx %arg10[%add3A_182] : memref<128xf32, #tpu.memory_space<vmem>>[vector<16xi32>], vector<16xf32>,
          %get3A_184 = arith.index_cast %add3A_178 : i32 to index
          %get3A_185 = arith.constant 0 : index
          %get3A_186 = tpu.vector_load %arg11[%get3A_184, %get3A_185] {strides = array<i32>} : memref<128x128xf32, #tpu.memory_space<vmem>>, vector<16xf32>,
          %mul3A_187 = arith.mulf %get3A_186, %gather3A_183 : vector<16xf32>
          %swap3A_188 = arith.index_cast %add3A_178 : i32 to index
          %swap3A_189 = arith.constant 0 : index
          %swap3A_190 = tpu.vector_load %arg11[%swap3A_188, %swap3A_189] {strides = array<i32>} : memref<128x128xf32, #tpu.memory_space<vmem>>, vector<16xf32>,
          tpu.vector_store %arg11[%swap3A_188, %swap3A_189], %mul3A_187 {strides = array<i32>} : memref<128x128xf32, #tpu.memory_space<vmem>>, vector<16xf32>,
          %get3A_191 = arith.index_cast %add3A_178 : i32 to index
          %get3A_192 = arith.constant 16 : index
          %get3A_193 = tpu.vector_load %arg11[%get3A_191, %get3A_192] {strides = array<i32>} : memref<128x128xf32, #tpu.memory_space<vmem>>, vector<16xf32>,
          %mul3A_194 = arith.mulf %get3A_193, %gather3A_183 : vector<16xf32>
          %swap3A_195 = arith.index_cast %add3A_178 : i32 to index
          %swap3A_196 = arith.constant 16 : index
          %swap3A_197 = tpu.vector_load %arg11[%swap3A_195, %swap3A_196] {strides = array<i32>} : memref<128x128xf32, #tpu.memory_space<vmem>>, vector<16xf32>,
          tpu.vector_store %arg11[%swap3A_195, %swap3A_196], %mul3A_194 {strides = array<i32>} : memref<128x128xf32, #tpu.memory_space<vmem>>, vector<16xf32>,
          %get3A_198 = arith.index_cast %add3A_178 : i32 to index
          %get3A_199 = arith.constant 32 : index
          %get3A_200 = tpu.vector_load %arg11[%get3A_198, %get3A_199] {strides = array<i32>} : memref<128x128xf32, #tpu.memory_space<vmem>>, vector<16xf32>,
          %mul3A_201 = arith.mulf %get3A_200, %gather3A_183 : vector<16xf32>
          %swap3A_202 = arith.index_cast %add3A_178 : i32 to index
          %swap3A_203 = arith.constant 32 : index
          %swap3A_204 = tpu.vector_load %arg11[%swap3A_202, %swap3A_203] {strides = array<i32>} : memref<128x128xf32, #tpu.memory_space<vmem>>, vector<16xf32>,
          tpu.vector_store %arg11[%swap3A_202, %swap3A_203], %mul3A_201 {strides = array<i32>} : memref<128x128xf32, #tpu.memory_space<vmem>>, vector<16xf32>,
          %get3A_205 = arith.index_cast %add3A_178 : i32 to index
          %get3A_206 = arith.constant 48 : index
          %get3A_207 = tpu.vector_load %arg11[%get3A_205, %get3A_206] {strides = array<i32>} : memref<128x128xf32, #tpu.memory_space<vmem>>, vector<16xf32>,
          %mul3A_208 = arith.mulf %get3A_207, %gather3A_183 : vector<16xf32>
          %swap3A_209 = arith.index_cast %add3A_178 : i32 to index
          %swap3A_210 = arith.constant 48 : index
          %swap3A_211 = tpu.vector_load %arg11[%swap3A_209, %swap3A_210] {strides = array<i32>} : memref<128x128xf32, #tpu.memory_space<vmem>>, vector<16xf32>,
          tpu.vector_store %arg11[%swap3A_209, %swap3A_210], %mul3A_208 {strides = array<i32>} : memref<128x128xf32, #tpu.memory_space<vmem>>, vector<16xf32>,
          %get3A_212 = arith.index_cast %add3A_178 : i32 to index
          %get3A_213 = arith.constant 64 : index
          %get3A_214 = tpu.vector_load %arg11[%get3A_212, %get3A_213] {strides = array<i32>} : memref<128x128xf32, #tpu.memory_space<vmem>>, vector<16xf32>,
          %mul3A_215 = arith.mulf %get3A_214, %gather3A_183 : vector<16xf32>
          %swap3A_216 = arith.index_cast %add3A_178 : i32 to index
          %swap3A_217 = arith.constant 64 : index
          %swap3A_218 = tpu.vector_load %arg11[%swap3A_216, %swap3A_217] {strides = array<i32>} : memref<128x128xf32, #tpu.memory_space<vmem>>, vector<16xf32>,
          tpu.vector_store %arg11[%swap3A_216, %swap3A_217], %mul3A_215 {strides = array<i32>} : memref<128x128xf32, #tpu.memory_space<vmem>>, vector<16xf32>,
          %get3A_219 = arith.index_cast %add3A_178 : i32 to index
          %get3A_220 = arith.constant 80 : index
          %get3A_221 = tpu.vector_load %arg11[%get3A_219, %get3A_220] {strides = array<i32>} : memref<128x128xf32, #tpu.memory_space<vmem>>, vector<16xf32>,
          %mul3A_222 = arith.mulf %get3A_221, %gather3A_183 : vector<16xf32>
          %swap3A_223 = arith.index_cast %add3A_178 : i32 to index
          %swap3A_224 = arith.constant 80 : index
          %swap3A_225 = tpu.vector_load %arg11[%swap3A_223, %swap3A_224] {strides = array<i32>} : memref<128x128xf32, #tpu.memory_space<vmem>>, vector<16xf32>,
          tpu.vector_store %arg11[%swap3A_223, %swap3A_224], %mul3A_222 {strides = array<i32>} : memref<128x128xf32, #tpu.memory_space<vmem>>, vector<16xf32>,
          %get3A_226 = arith.index_cast %add3A_178 : i32 to index
          %get3A_227 = arith.constant 96 : index
          %get3A_228 = tpu.vector_load %arg11[%get3A_226, %get3A_227] {strides = array<i32>} : memref<128x128xf32, #tpu.memory_space<vmem>>, vector<16xf32>,
          %mul3A_229 = arith.mulf %get3A_228, %gather3A_183 : vector<16xf32>
          %swap3A_230 = arith.index_cast %add3A_178 : i32 to index
          %swap3A_231 = arith.constant 96 : index
          %swap3A_232 = tpu.vector_load %arg11[%swap3A_230, %swap3A_231] {strides = array<i32>} : memref<128x128xf32, #tpu.memory_space<vmem>>, vector<16xf32>,
          tpu.vector_store %arg11[%swap3A_230, %swap3A_231], %mul3A_229 {strides = array<i32>} : memref<128x128xf32, #tpu.memory_space<vmem>>, vector<16xf32>,
          %get3A_233 = arith.index_cast %add3A_178 : i32 to index
          %get3A_234 = arith.constant 112 : index
          %get3A_235 = tpu.vector_load %arg11[%get3A_233, %get3A_234] {strides = array<i32>} : memref<128x128xf32, #tpu.memory_space<vmem>>, vector<16xf32>,
          %mul3A_236 = arith.mulf %get3A_235, %gather3A_183 : vector<16xf32>
          %swap3A_237 = arith.index_cast %add3A_178 : i32 to index
          %swap3A_238 = arith.constant 112 : index
          %swap3A_239 = tpu.vector_load %arg11[%swap3A_237, %swap3A_238] {strides = array<i32>} : memref<128x128xf32, #tpu.memory_space<vmem>>, vector<16xf32>,
          tpu.vector_store %arg11[%swap3A_237, %swap3A_238], %mul3A_236 {strides = array<i32>} : memref<128x128xf32, #tpu.memory_space<vmem>>, vector<16xf32>,
          %add3A_240 = arith.constant 3 : i32
          %add3A_241 = arith.addi %add3A_54, %add3A_240 : i32
          %broadcast_in_dim3A_242 = arith.constant 0 : i32
          %broadcast_in_dim3A_243 = vector.broadcast %broadcast_in_dim3A_242 : i32 to vector<16xi32>
          %add3A_244 = vector.broadcast %add3A_241 : i32 to vector<16xi32>
          %add3A_245 = arith.addi %broadcast_in_dim3A_243, %add3A_244 : vector<16xi32>
          %gather3A_246 = tpu.vector_load_idx %arg10[%add3A_245] : memref<128xf32, #tpu.memory_space<vmem>>[vector<16xi32>], vector<16xf32>,
          %get3A_247 = arith.index_cast %add3A_241 : i32 to index
          %get3A_248 = arith.constant 0 : index
          %get3A_249 = tpu.vector_load %arg11[%get3A_247, %get3A_248] {strides = array<i32>} : memref<128x128xf32, #tpu.memory_space<vmem>>, vector<16xf32>,
          %mul3A_250 = arith.mulf %get3A_249, %gather3A_246 : vector<16xf32>
          %swap3A_251 = arith.index_cast %add3A_241 : i32 to index
          %swap3A_252 = arith.constant 0 : index
          %swap3A_253 = tpu.vector_load %arg11[%swap3A_251, %swap3A_252] {strides = array<i32>} : memref<128x128xf32, #tpu.memory_space<vmem>>, vector<16xf32>,
          tpu.vector_store %arg11[%swap3A_251, %swap3A_252], %mul3A_250 {strides = array<i32>} : memref<128x128xf32, #tpu.memory_space<vmem>>, vector<16xf32>,
          %get3A_254 = arith.index_cast %add3A_241 : i32 to index
          %get3A_255 = arith.constant 16 : index
          %get3A_256 = tpu.vector_load %arg11[%get3A_254, %get3A_255] {strides = array<i32>} : memref<128x128xf32, #tpu.memory_space<vmem>>, vector<16xf32>,
          %mul3A_257 = arith.mulf %get3A_256, %gather3A_246 : vector<16xf32>
          %swap3A_258 = arith.index_cast %add3A_241 : i32 to index
          %swap3A_259 = arith.constant 16 : index
          %swap3A_260 = tpu.vector_load %arg11[%swap3A_258, %swap3A_259] {strides = array<i32>} : memref<128x128xf32, #tpu.memory_space<vmem>>, vector<16xf32>,
          tpu.vector_store %arg11[%swap3A_258, %swap3A_259], %mul3A_257 {strides = array<i32>} : memref<128x128xf32, #tpu.memory_space<vmem>>, vector<16xf32>,
          %get3A_261 = arith.index_cast %add3A_241 : i32 to index
          %get3A_262 = arith.constant 32 : index
          %get3A_263 = tpu.vector_load %arg11[%get3A_261, %get3A_262] {strides = array<i32>} : memref<128x128xf32, #tpu.memory_space<vmem>>, vector<16xf32>,
          %mul3A_264 = arith.mulf %get3A_263, %gather3A_246 : vector<16xf32>
          %swap3A_265 = arith.index_cast %add3A_241 : i32 to index
          %swap3A_266 = arith.constant 32 : index
          %swap3A_267 = tpu.vector_load %arg11[%swap3A_265, %swap3A_266] {strides = array<i32>} : memref<128x128xf32, #tpu.memory_space<vmem>>, vector<16xf32>,
          tpu.vector_store %arg11[%swap3A_265, %swap3A_266], %mul3A_264 {strides = array<i32>} : memref<128x128xf32, #tpu.memory_space<vmem>>, vector<16xf32>,
          %get3A_268 = arith.index_cast %add3A_241 : i32 to index
          %get3A_269 = arith.constant 48 : index
          %get3A_270 = tpu.vector_load %arg11[%get3A_268, %get3A_269] {strides = array<i32>} : memref<128x128xf32, #tpu.memory_space<vmem>>, vector<16xf32>,
          %mul3A_271 = arith.mulf %get3A_270, %gather3A_246 : vector<16xf32>
          %swap3A_272 = arith.index_cast %add3A_241 : i32 to index
          %swap3A_273 = arith.constant 48 : index
          %swap3A_274 = tpu.vector_load %arg11[%swap3A_272, %swap3A_273] {strides = array<i32>} : memref<128x128xf32, #tpu.memory_space<vmem>>, vector<16xf32>,
          tpu.vector_store %arg11[%swap3A_272, %swap3A_273], %mul3A_271 {strides = array<i32>} : memref<128x128xf32, #tpu.memory_space<vmem>>, vector<16xf32>,
          %get3A_275 = arith.index_cast %add3A_241 : i32 to index
          %get3A_276 = arith.constant 64 : index
          %get3A_277 = tpu.vector_load %arg11[%get3A_275, %get3A_276] {strides = array<i32>} : memref<128x128xf32, #tpu.memory_space<vmem>>, vector<16xf32>,
          %mul3A_278 = arith.mulf %get3A_277, %gather3A_246 : vector<16xf32>
          %swap3A_279 = arith.index_cast %add3A_241 : i32 to index
          %swap3A_280 = arith.constant 64 : index
          %swap3A_281 = tpu.vector_load %arg11[%swap3A_279, %swap3A_280] {strides = array<i32>} : memref<128x128xf32, #tpu.memory_space<vmem>>, vector<16xf32>,
          tpu.vector_store %arg11[%swap3A_279, %swap3A_280], %mul3A_278 {strides = array<i32>} : memref<128x128xf32, #tpu.memory_space<vmem>>, vector<16xf32>,
          %get3A_282 = arith.index_cast %add3A_241 : i32 to index
          %get3A_283 = arith.constant 80 : index
          %get3A_284 = tpu.vector_load %arg11[%get3A_282, %get3A_283] {strides = array<i32>} : memref<128x128xf32, #tpu.memory_space<vmem>>, vector<16xf32>,
          %mul3A_285 = arith.mulf %get3A_284, %gather3A_246 : vector<16xf32>
          %swap3A_286 = arith.index_cast %add3A_241 : i32 to index
          %swap3A_287 = arith.constant 80 : index
          %swap3A_288 = tpu.vector_load %arg11[%swap3A_286, %swap3A_287] {strides = array<i32>} : memref<128x128xf32, #tpu.memory_space<vmem>>, vector<16xf32>,
          tpu.vector_store %arg11[%swap3A_286, %swap3A_287], %mul3A_285 {strides = array<i32>} : memref<128x128xf32, #tpu.memory_space<vmem>>, vector<16xf32>,
          %get3A_289 = arith.index_cast %add3A_241 : i32 to index
          %get3A_290 = arith.constant 96 : index
          %get3A_291 = tpu.vector_load %arg11[%get3A_289, %get3A_290] {strides = array<i32>} : memref<128x128xf32, #tpu.memory_space<vmem>>, vector<16xf32>,
          %mul3A_292 = arith.mulf %get3A_291, %gather3A_246 : vector<16xf32>
          %swap3A_293 = arith.index_cast %add3A_241 : i32 to index
          %swap3A_294 = arith.constant 96 : index
          %swap3A_295 = tpu.vector_load %arg11[%swap3A_293, %swap3A_294] {strides = array<i32>} : memref<128x128xf32, #tpu.memory_space<vmem>>, vector<16xf32>,
          tpu.vector_store %arg11[%swap3A_293, %swap3A_294], %mul3A_292 {strides = array<i32>} : memref<128x128xf32, #tpu.memory_space<vmem>>, vector<16xf32>,
          %get3A_296 = arith.index_cast %add3A_241 : i32 to index
          %get3A_297 = arith.constant 112 : index
          %get3A_298 = tpu.vector_load %arg11[%get3A_296, %get3A_297] {strides = array<i32>} : memref<128x128xf32, #tpu.memory_space<vmem>>, vector<16xf32>,
          %mul3A_299 = arith.mulf %get3A_298, %gather3A_246 : vector<16xf32>
          %swap3A_300 = arith.index_cast %add3A_241 : i32 to index
          %swap3A_301 = arith.constant 112 : index
          %swap3A_302 = tpu.vector_load %arg11[%swap3A_300, %swap3A_301] {strides = array<i32>} : memref<128x128xf32, #tpu.memory_space<vmem>>, vector<16xf32>,
          tpu.vector_store %arg11[%swap3A_300, %swap3A_301], %mul3A_299 {strides = array<i32>} : memref<128x128xf32, #tpu.memory_space<vmem>>, vector<16xf32>,
        }
        %scan3A_49 = arith.constant 32 : i32
        "tpu.region"() ({
          %run_scoped3A = tpu.sem_alloc : memref<!tpu.dma_semaphore, #tpu.memory_space<semaphore_mem>>
          %dma_start3A_50 = arith.constant 0 : i32
          %dma_start3A_51 = arith.constant 0 : i32
          %dma_start3A_52 = tpu.memref_slice %arg12[%dma_start3A_50, %dma_start3A_51] : memref<10000x128xf32, #tpu.memory_space<vmem_shared>> -> memref<10000x128xf32, #tpu.memory_space<vmem_shared>>
          tpu.enqueue_indirect_dma source(%arg11 : memref<128x128xf32, #tpu.memory_space<vmem>>) target(%dma_start3A_52 : memref<10000x128xf32, #tpu.memory_space<vmem_shared>>) offsets(%arg9 : memref<128xi32, #tpu.memory_space<vmem>>) semaphore(%run_scoped3A : memref<!tpu.dma_semaphore, #tpu.memory_space<semaphore_mem>>) {add = true}
          %dma_wait3A_53 = arith.constant 0 : i32
          %dma_wait3A_54 = arith.constant 0 : i32
          %dma_wait3A_55 = tpu.memref_slice %arg12[%dma_wait3A_53, %dma_wait3A_54] : memref<10000x128xf32, #tpu.memory_space<vmem_shared>> -> memref<10000x128xf32, #tpu.memory_space<vmem_shared>>
          tpu.wait_indirect_dma semaphore(%run_scoped3A : memref<!tpu.dma_semaphore, #tpu.memory_space<semaphore_mem>>) src(%arg11 : memref<128x128xf32, #tpu.memory_space<vmem>>) dst(%dma_wait3A_55 : memref<10000x128xf32, #tpu.memory_space<vmem_shared>>)
          tpu.yield
        }) : () -> ()
      } else {
      }
    }
    %scan3A_8 = arith.constant 79 : i32
    %barrier3A_9 = arith.constant 0 : index
    tpu.barrier barrier_id(%barrier3A_9)
    "tpu.region"() ({
      %run_scoped3A = tpu.sem_alloc : memref<!tpu.dma_semaphore, #tpu.memory_space<semaphore_mem>>
      %dma_start3A = arith.constant 0 : i32
      %dma_start3A_15 = tpu.memref_slice %arg7[%arg0, %mul3A_2, %dma_start3A] : memref<2x10000x128xf32, #tpu.memory_space<hbm>> -> memref<1x624x128xf32, #tpu.memory_space<hbm>>
      %dma_start3A_16 = tpu.memref_squeeze %dma_start3A_15 : memref<1x624x128xf32, #tpu.memory_space<hbm>> -> memref<624x128xf32, #tpu.memory_space<hbm>>
      %dma_start3A_17 = arith.constant 0 : i32
      %dma_start3A_18 = tpu.memref_slice %arg12[%mul3A_2, %dma_start3A_17] : memref<10000x128xf32, #tpu.memory_space<vmem_shared>> -> memref<624x128xf32, #tpu.memory_space<vmem_shared>>
      tpu.enqueue_dma source(%dma_start3A_18 : memref<624x128xf32, #tpu.memory_space<vmem_shared>>) target(%dma_start3A_16 : memref<624x128xf32, #tpu.memory_space<hbm>>) target_semaphore(%run_scoped3A : memref<!tpu.dma_semaphore, #tpu.memory_space<semaphore_mem>>)
      %dma_wait3A = arith.constant 0 : i32
      %dma_wait3A_19 = tpu.memref_slice %arg7[%arg0, %mul3A_2, %dma_wait3A] : memref<2x10000x128xf32, #tpu.memory_space<hbm>> -> memref<1x624x128xf32, #tpu.memory_space<hbm>>
      %dma_wait3A_20 = tpu.memref_squeeze %dma_wait3A_19 : memref<1x624x128xf32, #tpu.memory_space<hbm>> -> memref<624x128xf32, #tpu.memory_space<hbm>>
      %dma_wait3A_21 = arith.constant 0 : i32
      %dma_wait3A_22 = tpu.memref_slice %arg12[%mul3A_2, %dma_wait3A_21] : memref<10000x128xf32, #tpu.memory_space<vmem_shared>> -> memref<624x128xf32, #tpu.memory_space<vmem_shared>>
      tpu.wait_dma2 semaphore(%run_scoped3A : memref<!tpu.dma_semaphore, #tpu.memory_space<semaphore_mem>>) src(%dma_wait3A_22 : memref<624x128xf32, #tpu.memory_space<vmem_shared>>) dst(%dma_wait3A_20 : memref<624x128xf32, #tpu.memory_space<hbm>>)
      tpu.yield
    }) : () -> ()
    %eq3A_10 = arith.constant 15 : i32
    %eq3A_11 = arith.cmpi eq, %arg1, %eq3A_10 : i32
    %convert_element_type3A_12 = arith.extui %eq3A_11 : i1 to i32
    %cond3A_13 = arith.constant 0 : i32
    %cond3A_14 = arith.cmpi ne, %convert_element_type3A_12, %cond3A_13 : i32
    scf.if %cond3A_14 {
      "tpu.region"() ({
        %run_scoped3A = tpu.sem_alloc : memref<!tpu.dma_semaphore, #tpu.memory_space<semaphore_mem>>
        %dma_start3A = arith.constant 9984 : i32
        %dma_start3A_15 = arith.constant 0 : i32
        %dma_start3A_16 = tpu.memref_slice %arg7[%arg0, %dma_start3A, %dma_start3A_15] : memref<2x10000x128xf32, #tpu.memory_space<hbm>> -> memref<1x16x128xf32, #tpu.memory_space<hbm>>
        %dma_start3A_17 = tpu.memref_squeeze %dma_start3A_16 : memref<1x16x128xf32, #tpu.memory_space<hbm>> -> memref<16x128xf32, #tpu.memory_space<hbm>>
        %dma_start3A_18 = arith.constant 9984 : i32
        %dma_start3A_19 = arith.constant 0 : i32
        %dma_start3A_20 = tpu.memref_slice %arg12[%dma_start3A_18, %dma_start3A_19] : memref<10000x128xf32, #tpu.memory_space<vmem_shared>> -> memref<16x128xf32, #tpu.memory_space<vmem_shared>>
        tpu.enqueue_dma source(%dma_start3A_20 : memref<16x128xf32, #tpu.memory_space<vmem_shared>>) target(%dma_start3A_17 : memref<16x128xf32, #tpu.memory_space<hbm>>) target_semaphore(%run_scoped3A : memref<!tpu.dma_semaphore, #tpu.memory_space<semaphore_mem>>)
        %dma_wait3A = arith.constant 9984 : i32
        %dma_wait3A_21 = arith.constant 0 : i32
        %dma_wait3A_22 = tpu.memref_slice %arg7[%arg0, %dma_wait3A, %dma_wait3A_21] : memref<2x10000x128xf32, #tpu.memory_space<hbm>> -> memref<1x16x128xf32, #tpu.memory_space<hbm>>
        %dma_wait3A_23 = tpu.memref_squeeze %dma_wait3A_22 : memref<1x16x128xf32, #tpu.memory_space<hbm>> -> memref<16x128xf32, #tpu.memory_space<hbm>>
        %dma_wait3A_24 = arith.constant 9984 : i32
        %dma_wait3A_25 = arith.constant 0 : i32
        %dma_wait3A_26 = tpu.memref_slice %arg12[%dma_wait3A_24, %dma_wait3A_25] : memref<10000x128xf32, #tpu.memory_space<vmem_shared>> -> memref<16x128xf32, #tpu.memory_space<vmem_shared>>
        tpu.wait_dma2 semaphore(%run_scoped3A : memref<!tpu.dma_semaphore, #tpu.memory_space<semaphore_mem>>) src(%dma_wait3A_26 : memref<16x128xf32, #tpu.memory_space<vmem_shared>>) dst(%dma_wait3A_23 : memref<16x128xf32, #tpu.memory_space<hbm>>)
        tpu.yield
      }) : () -> ()
    } else {
    }
    return
  }
}

#map = affine_map<(d0, d1) -> (0, 0)>
#map1 = affine_map<(d0, d1) -> (0)>
#map2 = affine_map<(d0, d1) -> (0, 0, 0)>
module attributes {stable_mosaic.version = 14 : i64} {
  func.func @sc_kernel(%arg0: i32, %arg1: i32, %arg2: memref<10000x128xf32, #tpu.memory_space<hbm>>, %arg3: memref<320000xi32, #tpu.memory_space<hbm>>, %arg4: memref<320000xi32, #tpu.memory_space<hbm>>, %arg5: memref<320000xf32, #tpu.memory_space<hbm>>, %arg6: memref<10000x128xf32, #tpu.memory_space<hbm>>, %arg7: memref<2x10000x128xf32, #tpu.memory_space<hbm>>, %arg8: memref<128xi32, #tpu.memory_space<vmem>>, %arg9: memref<128xi32, #tpu.memory_space<vmem>>, %arg10: memref<128xf32, #tpu.memory_space<vmem>>, %arg11: memref<128x128xf32, #tpu.memory_space<vmem>>, %arg12: memref<10000x128xf32, #tpu.memory_space<vmem_shared>>, %arg13: memref<!tpu.dma_semaphore, #tpu.memory_space<semaphore_mem>>, %arg14: memref<!tpu.dma_semaphore, #tpu.memory_space<semaphore_mem>>, %arg15: memref<!tpu.dma_semaphore, #tpu.memory_space<semaphore_mem>>) attributes {dimension_semantics = [#tpu.dimension_semantics<core_parallel>, #tpu.dimension_semantics<subcore_parallel>], iteration_bounds = array<i64: 2, 16>, scalar_prefetch = 0 : i64, scratch_operands = 8 : i64, tpu.core_type = #tpu.core_type<sc_vector_subcore>, window_params = [{transform_indices = #map}, {transform_indices = #map1}, {transform_indices = #map1}, {transform_indices = #map1}, {transform_indices = #map}, {transform_indices = #map2}]} {
    %mul3A = arith.constant 2 : i32
    %mul3A_0 = arith.muli %arg1, %mul3A : i32
    %add3A = arith.addi %mul3A_0, %arg0 : i32
    %mul3A_1 = arith.constant 624 : i32
    %mul3A_2 = arith.muli %arg1, %mul3A_1 : i32
    "tpu.region"() ({
      %run_scoped3A = tpu.sem_alloc : memref<!tpu.dma_semaphore, #tpu.memory_space<semaphore_mem>>
      %dma_start3A = arith.constant 0 : i32
      %dma_start3A_15 = tpu.memref_slice %arg12[%mul3A_2, %dma_start3A] : memref<10000x128xf32, #tpu.memory_space<vmem_shared>> -> memref<624x128xf32, #tpu.memory_space<vmem_shared>>
      %dma_start3A_16 = arith.constant 0 : i32
      %dma_start3A_17 = tpu.memref_slice %arg6[%mul3A_2, %dma_start3A_16] : memref<10000x128xf32, #tpu.memory_space<hbm>> -> memref<624x128xf32, #tpu.memory_space<hbm>>
      tpu.enqueue_dma source(%dma_start3A_17 : memref<624x128xf32, #tpu.memory_space<hbm>>) target(%dma_start3A_15 : memref<624x128xf32, #tpu.memory_space<vmem_shared>>) target_semaphore(%run_scoped3A : memref<!tpu.dma_semaphore, #tpu.memory_space<semaphore_mem>>)
      %dma_wait3A = arith.constant 0 : i32
      %dma_wait3A_18 = tpu.memref_slice %arg12[%mul3A_2, %dma_wait3A] : memref<10000x128xf32, #tpu.memory_space<vmem_shared>> -> memref<624x128xf32, #tpu.memory_space<vmem_shared>>
      %dma_wait3A_19 = arith.constant 0 : i32
      %dma_wait3A_20 = tpu.memref_slice %arg6[%mul3A_2, %dma_wait3A_19] : memref<10000x128xf32, #tpu.memory_space<hbm>> -> memref<624x128xf32, #tpu.memory_space<hbm>>
      tpu.wait_dma2 semaphore(%run_scoped3A : memref<!tpu.dma_semaphore, #tpu.memory_space<semaphore_mem>>) src(%dma_wait3A_20 : memref<624x128xf32, #tpu.memory_space<hbm>>) dst(%dma_wait3A_18 : memref<624x128xf32, #tpu.memory_space<vmem_shared>>)
      tpu.yield
    }) : () -> ()
    %eq3A = arith.constant 15 : i32
    %eq3A_3 = arith.cmpi eq, %arg1, %eq3A : i32
    %convert_element_type3A = arith.extui %eq3A_3 : i1 to i32
    %cond3A = arith.constant 0 : i32
    %cond3A_4 = arith.cmpi ne, %convert_element_type3A, %cond3A : i32
    scf.if %cond3A_4 {
      "tpu.region"() ({
        %run_scoped3A = tpu.sem_alloc : memref<!tpu.dma_semaphore, #tpu.memory_space<semaphore_mem>>
        %dma_start3A = arith.constant 9984 : i32
        %dma_start3A_15 = arith.constant 0 : i32
        %dma_start3A_16 = tpu.memref_slice %arg12[%dma_start3A, %dma_start3A_15] : memref<10000x128xf32, #tpu.memory_space<vmem_shared>> -> memref<16x128xf32, #tpu.memory_space<vmem_shared>>
        %dma_start3A_17 = arith.constant 9984 : i32
        %dma_start3A_18 = arith.constant 0 : i32
        %dma_start3A_19 = tpu.memref_slice %arg6[%dma_start3A_17, %dma_start3A_18] : memref<10000x128xf32, #tpu.memory_space<hbm>> -> memref<16x128xf32, #tpu.memory_space<hbm>>
        tpu.enqueue_dma source(%dma_start3A_19 : memref<16x128xf32, #tpu.memory_space<hbm>>) target(%dma_start3A_16 : memref<16x128xf32, #tpu.memory_space<vmem_shared>>) target_semaphore(%run_scoped3A : memref<!tpu.dma_semaphore, #tpu.memory_space<semaphore_mem>>)
        %dma_wait3A = arith.constant 9984 : i32
        %dma_wait3A_20 = arith.constant 0 : i32
        %dma_wait3A_21 = tpu.memref_slice %arg12[%dma_wait3A, %dma_wait3A_20] : memref<10000x128xf32, #tpu.memory_space<vmem_shared>> -> memref<16x128xf32, #tpu.memory_space<vmem_shared>>
        %dma_wait3A_22 = arith.constant 9984 : i32
        %dma_wait3A_23 = arith.constant 0 : i32
        %dma_wait3A_24 = tpu.memref_slice %arg6[%dma_wait3A_22, %dma_wait3A_23] : memref<10000x128xf32, #tpu.memory_space<hbm>> -> memref<16x128xf32, #tpu.memory_space<hbm>>
        tpu.wait_dma2 semaphore(%run_scoped3A : memref<!tpu.dma_semaphore, #tpu.memory_space<semaphore_mem>>) src(%dma_wait3A_24 : memref<16x128xf32, #tpu.memory_space<hbm>>) dst(%dma_wait3A_21 : memref<16x128xf32, #tpu.memory_space<vmem_shared>>)
        tpu.yield
      }) : () -> ()
    } else {
    }
    %barrier3A = arith.constant 0 : index
    tpu.barrier barrier_id(%barrier3A)
    %scan3A = arith.constant 0 : i32
    %scan3A_5 = arith.constant 79 : i32
    %scan3A_6 = arith.addi %scan3A, %scan3A_5 : i32
    %scan3A_7 = arith.constant 1 : i32
    scf.for %scan3A_15 = %scan3A to %scan3A_6 step %scan3A_7  : i32 {
      %mul3A_16 = arith.constant 1 : i32
      %mul3A_17 = arith.muli %scan3A_15, %mul3A_16 : i32
      %add3A_18 = arith.constant 0 : i32
      %add3A_19 = arith.addi %add3A_18, %mul3A_17 : i32
      %mul3A_20 = arith.constant 32 : i32
      %mul3A_21 = arith.muli %add3A_19, %mul3A_20 : i32
      %add3A_22 = arith.addi %mul3A_21, %add3A : i32
      %lt3A = arith.constant 2500 : i32
      %lt3A_23 = arith.cmpi slt, %add3A_22, %lt3A : i32
      %convert_element_type3A_24 = arith.extui %lt3A_23 : i1 to i32
      %cond3A_25 = arith.constant 0 : i32
      %cond3A_26 = arith.cmpi ne, %convert_element_type3A_24, %cond3A_25 : i32
      scf.if %cond3A_26 {
        %mul3A_27 = arith.constant 128 : i32
        %mul3A_28 = arith.muli %add3A_22, %mul3A_27 : i32
        %dma_start3A = tpu.memref_slice %arg3[%mul3A_28] : memref<320000xi32, #tpu.memory_space<hbm>> -> memref<128xi32, #tpu.memory_space<hbm>>
        %dma_start3A_29 = tpu.memref_slice %arg3[%mul3A_28] : memref<320000xi32, #tpu.memory_space<hbm>> -> memref<128xi32, #tpu.memory_space<hbm>>
        tpu.enqueue_dma source(%dma_start3A_29 : memref<128xi32, #tpu.memory_space<hbm>>) target(%arg8 : memref<128xi32, #tpu.memory_space<vmem>>) target_semaphore(%arg14 : memref<!tpu.dma_semaphore, #tpu.memory_space<semaphore_mem>>)
        %dma_start3A_30 = tpu.memref_slice %arg4[%mul3A_28] : memref<320000xi32, #tpu.memory_space<hbm>> -> memref<128xi32, #tpu.memory_space<hbm>>
        %dma_start3A_31 = tpu.memref_slice %arg4[%mul3A_28] : memref<320000xi32, #tpu.memory_space<hbm>> -> memref<128xi32, #tpu.memory_space<hbm>>
        tpu.enqueue_dma source(%dma_start3A_31 : memref<128xi32, #tpu.memory_space<hbm>>) target(%arg9 : memref<128xi32, #tpu.memory_space<vmem>>) target_semaphore(%arg15 : memref<!tpu.dma_semaphore, #tpu.memory_space<semaphore_mem>>)
        %dma_start3A_32 = tpu.memref_slice %arg5[%mul3A_28] : memref<320000xf32, #tpu.memory_space<hbm>> -> memref<128xf32, #tpu.memory_space<hbm>>
        %dma_start3A_33 = tpu.memref_slice %arg5[%mul3A_28] : memref<320000xf32, #tpu.memory_space<hbm>> -> memref<128xf32, #tpu.memory_space<hbm>>
        tpu.enqueue_dma source(%dma_start3A_33 : memref<128xf32, #tpu.memory_space<hbm>>) target(%arg10 : memref<128xf32, #tpu.memory_space<vmem>>) target_semaphore(%arg15 : memref<!tpu.dma_semaphore, #tpu.memory_space<semaphore_mem>>)
        %dma_wait3A = tpu.memref_slice %arg3[%mul3A_28] : memref<320000xi32, #tpu.memory_space<hbm>> -> memref<128xi32, #tpu.memory_space<hbm>>
        %dma_wait3A_34 = tpu.memref_slice %arg3[%mul3A_28] : memref<320000xi32, #tpu.memory_space<hbm>> -> memref<128xi32, #tpu.memory_space<hbm>>
        tpu.wait_dma2 semaphore(%arg14 : memref<!tpu.dma_semaphore, #tpu.memory_space<semaphore_mem>>) src(%dma_wait3A_34 : memref<128xi32, #tpu.memory_space<hbm>>) dst(%arg8 : memref<128xi32, #tpu.memory_space<vmem>>)
        %dma_start3A_35 = arith.constant 0 : i32
        %dma_start3A_36 = arith.constant 0 : i32
        %dma_start3A_37 = tpu.memref_slice %arg2[%dma_start3A_35, %dma_start3A_36] : memref<10000x128xf32, #tpu.memory_space<hbm>> -> memref<10000x128xf32, #tpu.memory_space<hbm>>
        tpu.enqueue_indirect_dma source(%dma_start3A_37 : memref<10000x128xf32, #tpu.memory_space<hbm>>) target(%arg11 : memref<128x128xf32, #tpu.memory_space<vmem>>) offsets(%arg8 : memref<128xi32, #tpu.memory_space<vmem>>) semaphore(%arg13 : memref<!tpu.dma_semaphore, #tpu.memory_space<semaphore_mem>>)
        %dma_wait3A_38 = tpu.memref_slice %arg4[%mul3A_28] : memref<320000xi32, #tpu.memory_space<hbm>> -> memref<128xi32, #tpu.memory_space<hbm>>
        %dma_wait3A_39 = tpu.memref_slice %arg4[%mul3A_28] : memref<320000xi32, #tpu.memory_space<hbm>> -> memref<128xi32, #tpu.memory_space<hbm>>
        tpu.wait_dma2 semaphore(%arg15 : memref<!tpu.dma_semaphore, #tpu.memory_space<semaphore_mem>>) src(%dma_wait3A_39 : memref<128xi32, #tpu.memory_space<hbm>>) dst(%arg9 : memref<128xi32, #tpu.memory_space<vmem>>)
        %dma_wait3A_40 = tpu.memref_slice %arg5[%mul3A_28] : memref<320000xf32, #tpu.memory_space<hbm>> -> memref<128xf32, #tpu.memory_space<hbm>>
        %dma_wait3A_41 = tpu.memref_slice %arg5[%mul3A_28] : memref<320000xf32, #tpu.memory_space<hbm>> -> memref<128xf32, #tpu.memory_space<hbm>>
        tpu.wait_dma2 semaphore(%arg15 : memref<!tpu.dma_semaphore, #tpu.memory_space<semaphore_mem>>) src(%dma_wait3A_41 : memref<128xf32, #tpu.memory_space<hbm>>) dst(%arg10 : memref<128xf32, #tpu.memory_space<vmem>>)
        %dma_wait3A_42 = arith.constant 0 : i32
        %dma_wait3A_43 = arith.constant 0 : i32
        %dma_wait3A_44 = tpu.memref_slice %arg2[%dma_wait3A_42, %dma_wait3A_43] : memref<10000x128xf32, #tpu.memory_space<hbm>> -> memref<10000x128xf32, #tpu.memory_space<hbm>>
        tpu.wait_indirect_dma semaphore(%arg13 : memref<!tpu.dma_semaphore, #tpu.memory_space<semaphore_mem>>) src(%dma_wait3A_44 : memref<10000x128xf32, #tpu.memory_space<hbm>>) dst(%arg11 : memref<128x128xf32, #tpu.memory_space<vmem>>)
        %scan3A_45 = arith.constant 0 : i32
        %scan3A_46 = arith.constant 32 : i32
        %scan3A_47 = arith.addi %scan3A_45, %scan3A_46 : i32
        %scan3A_48 = arith.constant 1 : i32
        scf.for %scan3A_50 = %scan3A_45 to %scan3A_47 step %scan3A_48  : i32 {
          %mul3A_51 = arith.constant 4 : i32
          %mul3A_52 = arith.muli %scan3A_50, %mul3A_51 : i32
          %add3A_53 = arith.constant 0 : i32
          %add3A_54 = arith.addi %add3A_53, %mul3A_52 : i32
          %add3A_55 = arith.constant 0 : i32
          %add3A_56 = arith.addi %add3A_54, %add3A_55 : i32
          %broadcast_in_dim3A = arith.constant 0 : i32
          %broadcast_in_dim3A_57 = vector.broadcast %broadcast_in_dim3A : i32 to vector<16xi32>
          %add3A_58 = vector.broadcast %add3A_56 : i32 to vector<16xi32>
          %add3A_59 = arith.addi %broadcast_in_dim3A_57, %add3A_58 : vector<16xi32>
          %gather3A = tpu.vector_load_idx %arg10[%add3A_59] : memref<128xf32, #tpu.memory_space<vmem>>[vector<16xi32>], vector<16xf32>,
          %get3A = arith.index_cast %add3A_56 : i32 to index
          %get3A_60 = arith.constant 0 : index
          %get3A_61 = tpu.vector_load %arg11[%get3A, %get3A_60] {strides = array<i32>} : memref<128x128xf32, #tpu.memory_space<vmem>>, vector<16xf32>,
          %mul3A_62 = arith.mulf %get3A_61, %gather3A : vector<16xf32>
          %swap3A = arith.index_cast %add3A_56 : i32 to index
          %swap3A_63 = arith.constant 0 : index
          %swap3A_64 = tpu.vector_load %arg11[%swap3A, %swap3A_63] {strides = array<i32>} : memref<128x128xf32, #tpu.memory_space<vmem>>, vector<16xf32>,
          tpu.vector_store %arg11[%swap3A, %swap3A_63], %mul3A_62 {strides = array<i32>} : memref<128x128xf32, #tpu.memory_space<vmem>>, vector<16xf32>,
          %get3A_65 = arith.index_cast %add3A_56 : i32 to index
          %get3A_66 = arith.constant 16 : index
          %get3A_67 = tpu.vector_load %arg11[%get3A_65, %get3A_66] {strides = array<i32>} : memref<128x128xf32, #tpu.memory_space<vmem>>, vector<16xf32>,
          %mul3A_68 = arith.mulf %get3A_67, %gather3A : vector<16xf32>
          %swap3A_69 = arith.index_cast %add3A_56 : i32 to index
          %swap3A_70 = arith.constant 16 : index
          %swap3A_71 = tpu.vector_load %arg11[%swap3A_69, %swap3A_70] {strides = array<i32>} : memref<128x128xf32, #tpu.memory_space<vmem>>, vector<16xf32>,
          tpu.vector_store %arg11[%swap3A_69, %swap3A_70], %mul3A_68 {strides = array<i32>} : memref<128x128xf32, #tpu.memory_space<vmem>>, vector<16xf32>,
          %get3A_72 = arith.index_cast %add3A_56 : i32 to index
          %get3A_73 = arith.constant 32 : index
          %get3A_74 = tpu.vector_load %arg11[%get3A_72, %get3A_73] {strides = array<i32>} : memref<128x128xf32, #tpu.memory_space<vmem>>, vector<16xf32>,
          %mul3A_75 = arith.mulf %get3A_74, %gather3A : vector<16xf32>
          %swap3A_76 = arith.index_cast %add3A_56 : i32 to index
          %swap3A_77 = arith.constant 32 : index
          %swap3A_78 = tpu.vector_load %arg11[%swap3A_76, %swap3A_77] {strides = array<i32>} : memref<128x128xf32, #tpu.memory_space<vmem>>, vector<16xf32>,
          tpu.vector_store %arg11[%swap3A_76, %swap3A_77], %mul3A_75 {strides = array<i32>} : memref<128x128xf32, #tpu.memory_space<vmem>>, vector<16xf32>,
          %get3A_79 = arith.index_cast %add3A_56 : i32 to index
          %get3A_80 = arith.constant 48 : index
          %get3A_81 = tpu.vector_load %arg11[%get3A_79, %get3A_80] {strides = array<i32>} : memref<128x128xf32, #tpu.memory_space<vmem>>, vector<16xf32>,
          %mul3A_82 = arith.mulf %get3A_81, %gather3A : vector<16xf32>
          %swap3A_83 = arith.index_cast %add3A_56 : i32 to index
          %swap3A_84 = arith.constant 48 : index
          %swap3A_85 = tpu.vector_load %arg11[%swap3A_83, %swap3A_84] {strides = array<i32>} : memref<128x128xf32, #tpu.memory_space<vmem>>, vector<16xf32>,
          tpu.vector_store %arg11[%swap3A_83, %swap3A_84], %mul3A_82 {strides = array<i32>} : memref<128x128xf32, #tpu.memory_space<vmem>>, vector<16xf32>,
          %get3A_86 = arith.index_cast %add3A_56 : i32 to index
          %get3A_87 = arith.constant 64 : index
          %get3A_88 = tpu.vector_load %arg11[%get3A_86, %get3A_87] {strides = array<i32>} : memref<128x128xf32, #tpu.memory_space<vmem>>, vector<16xf32>,
          %mul3A_89 = arith.mulf %get3A_88, %gather3A : vector<16xf32>
          %swap3A_90 = arith.index_cast %add3A_56 : i32 to index
          %swap3A_91 = arith.constant 64 : index
          %swap3A_92 = tpu.vector_load %arg11[%swap3A_90, %swap3A_91] {strides = array<i32>} : memref<128x128xf32, #tpu.memory_space<vmem>>, vector<16xf32>,
          tpu.vector_store %arg11[%swap3A_90, %swap3A_91], %mul3A_89 {strides = array<i32>} : memref<128x128xf32, #tpu.memory_space<vmem>>, vector<16xf32>,
          %get3A_93 = arith.index_cast %add3A_56 : i32 to index
          %get3A_94 = arith.constant 80 : index
          %get3A_95 = tpu.vector_load %arg11[%get3A_93, %get3A_94] {strides = array<i32>} : memref<128x128xf32, #tpu.memory_space<vmem>>, vector<16xf32>,
          %mul3A_96 = arith.mulf %get3A_95, %gather3A : vector<16xf32>
          %swap3A_97 = arith.index_cast %add3A_56 : i32 to index
          %swap3A_98 = arith.constant 80 : index
          %swap3A_99 = tpu.vector_load %arg11[%swap3A_97, %swap3A_98] {strides = array<i32>} : memref<128x128xf32, #tpu.memory_space<vmem>>, vector<16xf32>,
          tpu.vector_store %arg11[%swap3A_97, %swap3A_98], %mul3A_96 {strides = array<i32>} : memref<128x128xf32, #tpu.memory_space<vmem>>, vector<16xf32>,
          %get3A_100 = arith.index_cast %add3A_56 : i32 to index
          %get3A_101 = arith.constant 96 : index
          %get3A_102 = tpu.vector_load %arg11[%get3A_100, %get3A_101] {strides = array<i32>} : memref<128x128xf32, #tpu.memory_space<vmem>>, vector<16xf32>,
          %mul3A_103 = arith.mulf %get3A_102, %gather3A : vector<16xf32>
          %swap3A_104 = arith.index_cast %add3A_56 : i32 to index
          %swap3A_105 = arith.constant 96 : index
          %swap3A_106 = tpu.vector_load %arg11[%swap3A_104, %swap3A_105] {strides = array<i32>} : memref<128x128xf32, #tpu.memory_space<vmem>>, vector<16xf32>,
          tpu.vector_store %arg11[%swap3A_104, %swap3A_105], %mul3A_103 {strides = array<i32>} : memref<128x128xf32, #tpu.memory_space<vmem>>, vector<16xf32>,
          %get3A_107 = arith.index_cast %add3A_56 : i32 to index
          %get3A_108 = arith.constant 112 : index
          %get3A_109 = tpu.vector_load %arg11[%get3A_107, %get3A_108] {strides = array<i32>} : memref<128x128xf32, #tpu.memory_space<vmem>>, vector<16xf32>,
          %mul3A_110 = arith.mulf %get3A_109, %gather3A : vector<16xf32>
          %swap3A_111 = arith.index_cast %add3A_56 : i32 to index
          %swap3A_112 = arith.constant 112 : index
          %swap3A_113 = tpu.vector_load %arg11[%swap3A_111, %swap3A_112] {strides = array<i32>} : memref<128x128xf32, #tpu.memory_space<vmem>>, vector<16xf32>,
          tpu.vector_store %arg11[%swap3A_111, %swap3A_112], %mul3A_110 {strides = array<i32>} : memref<128x128xf32, #tpu.memory_space<vmem>>, vector<16xf32>,
          %add3A_114 = arith.constant 1 : i32
          %add3A_115 = arith.addi %add3A_54, %add3A_114 : i32
          %broadcast_in_dim3A_116 = arith.constant 0 : i32
          %broadcast_in_dim3A_117 = vector.broadcast %broadcast_in_dim3A_116 : i32 to vector<16xi32>
          %add3A_118 = vector.broadcast %add3A_115 : i32 to vector<16xi32>
          %add3A_119 = arith.addi %broadcast_in_dim3A_117, %add3A_118 : vector<16xi32>
          %gather3A_120 = tpu.vector_load_idx %arg10[%add3A_119] : memref<128xf32, #tpu.memory_space<vmem>>[vector<16xi32>], vector<16xf32>,
          %get3A_121 = arith.index_cast %add3A_115 : i32 to index
          %get3A_122 = arith.constant 0 : index
          %get3A_123 = tpu.vector_load %arg11[%get3A_121, %get3A_122] {strides = array<i32>} : memref<128x128xf32, #tpu.memory_space<vmem>>, vector<16xf32>,
          %mul3A_124 = arith.mulf %get3A_123, %gather3A_120 : vector<16xf32>
          %swap3A_125 = arith.index_cast %add3A_115 : i32 to index
          %swap3A_126 = arith.constant 0 : index
          %swap3A_127 = tpu.vector_load %arg11[%swap3A_125, %swap3A_126] {strides = array<i32>} : memref<128x128xf32, #tpu.memory_space<vmem>>, vector<16xf32>,
          tpu.vector_store %arg11[%swap3A_125, %swap3A_126], %mul3A_124 {strides = array<i32>} : memref<128x128xf32, #tpu.memory_space<vmem>>, vector<16xf32>,
          %get3A_128 = arith.index_cast %add3A_115 : i32 to index
          %get3A_129 = arith.constant 16 : index
          %get3A_130 = tpu.vector_load %arg11[%get3A_128, %get3A_129] {strides = array<i32>} : memref<128x128xf32, #tpu.memory_space<vmem>>, vector<16xf32>,
          %mul3A_131 = arith.mulf %get3A_130, %gather3A_120 : vector<16xf32>
          %swap3A_132 = arith.index_cast %add3A_115 : i32 to index
          %swap3A_133 = arith.constant 16 : index
          %swap3A_134 = tpu.vector_load %arg11[%swap3A_132, %swap3A_133] {strides = array<i32>} : memref<128x128xf32, #tpu.memory_space<vmem>>, vector<16xf32>,
          tpu.vector_store %arg11[%swap3A_132, %swap3A_133], %mul3A_131 {strides = array<i32>} : memref<128x128xf32, #tpu.memory_space<vmem>>, vector<16xf32>,
          %get3A_135 = arith.index_cast %add3A_115 : i32 to index
          %get3A_136 = arith.constant 32 : index
          %get3A_137 = tpu.vector_load %arg11[%get3A_135, %get3A_136] {strides = array<i32>} : memref<128x128xf32, #tpu.memory_space<vmem>>, vector<16xf32>,
          %mul3A_138 = arith.mulf %get3A_137, %gather3A_120 : vector<16xf32>
          %swap3A_139 = arith.index_cast %add3A_115 : i32 to index
          %swap3A_140 = arith.constant 32 : index
          %swap3A_141 = tpu.vector_load %arg11[%swap3A_139, %swap3A_140] {strides = array<i32>} : memref<128x128xf32, #tpu.memory_space<vmem>>, vector<16xf32>,
          tpu.vector_store %arg11[%swap3A_139, %swap3A_140], %mul3A_138 {strides = array<i32>} : memref<128x128xf32, #tpu.memory_space<vmem>>, vector<16xf32>,
          %get3A_142 = arith.index_cast %add3A_115 : i32 to index
          %get3A_143 = arith.constant 48 : index
          %get3A_144 = tpu.vector_load %arg11[%get3A_142, %get3A_143] {strides = array<i32>} : memref<128x128xf32, #tpu.memory_space<vmem>>, vector<16xf32>,
          %mul3A_145 = arith.mulf %get3A_144, %gather3A_120 : vector<16xf32>
          %swap3A_146 = arith.index_cast %add3A_115 : i32 to index
          %swap3A_147 = arith.constant 48 : index
          %swap3A_148 = tpu.vector_load %arg11[%swap3A_146, %swap3A_147] {strides = array<i32>} : memref<128x128xf32, #tpu.memory_space<vmem>>, vector<16xf32>,
          tpu.vector_store %arg11[%swap3A_146, %swap3A_147], %mul3A_145 {strides = array<i32>} : memref<128x128xf32, #tpu.memory_space<vmem>>, vector<16xf32>,
          %get3A_149 = arith.index_cast %add3A_115 : i32 to index
          %get3A_150 = arith.constant 64 : index
          %get3A_151 = tpu.vector_load %arg11[%get3A_149, %get3A_150] {strides = array<i32>} : memref<128x128xf32, #tpu.memory_space<vmem>>, vector<16xf32>,
          %mul3A_152 = arith.mulf %get3A_151, %gather3A_120 : vector<16xf32>
          %swap3A_153 = arith.index_cast %add3A_115 : i32 to index
          %swap3A_154 = arith.constant 64 : index
          %swap3A_155 = tpu.vector_load %arg11[%swap3A_153, %swap3A_154] {strides = array<i32>} : memref<128x128xf32, #tpu.memory_space<vmem>>, vector<16xf32>,
          tpu.vector_store %arg11[%swap3A_153, %swap3A_154], %mul3A_152 {strides = array<i32>} : memref<128x128xf32, #tpu.memory_space<vmem>>, vector<16xf32>,
          %get3A_156 = arith.index_cast %add3A_115 : i32 to index
          %get3A_157 = arith.constant 80 : index
          %get3A_158 = tpu.vector_load %arg11[%get3A_156, %get3A_157] {strides = array<i32>} : memref<128x128xf32, #tpu.memory_space<vmem>>, vector<16xf32>,
          %mul3A_159 = arith.mulf %get3A_158, %gather3A_120 : vector<16xf32>
          %swap3A_160 = arith.index_cast %add3A_115 : i32 to index
          %swap3A_161 = arith.constant 80 : index
          %swap3A_162 = tpu.vector_load %arg11[%swap3A_160, %swap3A_161] {strides = array<i32>} : memref<128x128xf32, #tpu.memory_space<vmem>>, vector<16xf32>,
          tpu.vector_store %arg11[%swap3A_160, %swap3A_161], %mul3A_159 {strides = array<i32>} : memref<128x128xf32, #tpu.memory_space<vmem>>, vector<16xf32>,
          %get3A_163 = arith.index_cast %add3A_115 : i32 to index
          %get3A_164 = arith.constant 96 : index
          %get3A_165 = tpu.vector_load %arg11[%get3A_163, %get3A_164] {strides = array<i32>} : memref<128x128xf32, #tpu.memory_space<vmem>>, vector<16xf32>,
          %mul3A_166 = arith.mulf %get3A_165, %gather3A_120 : vector<16xf32>
          %swap3A_167 = arith.index_cast %add3A_115 : i32 to index
          %swap3A_168 = arith.constant 96 : index
          %swap3A_169 = tpu.vector_load %arg11[%swap3A_167, %swap3A_168] {strides = array<i32>} : memref<128x128xf32, #tpu.memory_space<vmem>>, vector<16xf32>,
          tpu.vector_store %arg11[%swap3A_167, %swap3A_168], %mul3A_166 {strides = array<i32>} : memref<128x128xf32, #tpu.memory_space<vmem>>, vector<16xf32>,
          %get3A_170 = arith.index_cast %add3A_115 : i32 to index
          %get3A_171 = arith.constant 112 : index
          %get3A_172 = tpu.vector_load %arg11[%get3A_170, %get3A_171] {strides = array<i32>} : memref<128x128xf32, #tpu.memory_space<vmem>>, vector<16xf32>,
          %mul3A_173 = arith.mulf %get3A_172, %gather3A_120 : vector<16xf32>
          %swap3A_174 = arith.index_cast %add3A_115 : i32 to index
          %swap3A_175 = arith.constant 112 : index
          %swap3A_176 = tpu.vector_load %arg11[%swap3A_174, %swap3A_175] {strides = array<i32>} : memref<128x128xf32, #tpu.memory_space<vmem>>, vector<16xf32>,
          tpu.vector_store %arg11[%swap3A_174, %swap3A_175], %mul3A_173 {strides = array<i32>} : memref<128x128xf32, #tpu.memory_space<vmem>>, vector<16xf32>,
          %add3A_177 = arith.constant 2 : i32
          %add3A_178 = arith.addi %add3A_54, %add3A_177 : i32
          %broadcast_in_dim3A_179 = arith.constant 0 : i32
          %broadcast_in_dim3A_180 = vector.broadcast %broadcast_in_dim3A_179 : i32 to vector<16xi32>
          %add3A_181 = vector.broadcast %add3A_178 : i32 to vector<16xi32>
          %add3A_182 = arith.addi %broadcast_in_dim3A_180, %add3A_181 : vector<16xi32>
          %gather3A_183 = tpu.vector_load_idx %arg10[%add3A_182] : memref<128xf32, #tpu.memory_space<vmem>>[vector<16xi32>], vector<16xf32>,
          %get3A_184 = arith.index_cast %add3A_178 : i32 to index
          %get3A_185 = arith.constant 0 : index
          %get3A_186 = tpu.vector_load %arg11[%get3A_184, %get3A_185] {strides = array<i32>} : memref<128x128xf32, #tpu.memory_space<vmem>>, vector<16xf32>,
          %mul3A_187 = arith.mulf %get3A_186, %gather3A_183 : vector<16xf32>
          %swap3A_188 = arith.index_cast %add3A_178 : i32 to index
          %swap3A_189 = arith.constant 0 : index
          %swap3A_190 = tpu.vector_load %arg11[%swap3A_188, %swap3A_189] {strides = array<i32>} : memref<128x128xf32, #tpu.memory_space<vmem>>, vector<16xf32>,
          tpu.vector_store %arg11[%swap3A_188, %swap3A_189], %mul3A_187 {strides = array<i32>} : memref<128x128xf32, #tpu.memory_space<vmem>>, vector<16xf32>,
          %get3A_191 = arith.index_cast %add3A_178 : i32 to index
          %get3A_192 = arith.constant 16 : index
          %get3A_193 = tpu.vector_load %arg11[%get3A_191, %get3A_192] {strides = array<i32>} : memref<128x128xf32, #tpu.memory_space<vmem>>, vector<16xf32>,
          %mul3A_194 = arith.mulf %get3A_193, %gather3A_183 : vector<16xf32>
          %swap3A_195 = arith.index_cast %add3A_178 : i32 to index
          %swap3A_196 = arith.constant 16 : index
          %swap3A_197 = tpu.vector_load %arg11[%swap3A_195, %swap3A_196] {strides = array<i32>} : memref<128x128xf32, #tpu.memory_space<vmem>>, vector<16xf32>,
          tpu.vector_store %arg11[%swap3A_195, %swap3A_196], %mul3A_194 {strides = array<i32>} : memref<128x128xf32, #tpu.memory_space<vmem>>, vector<16xf32>,
          %get3A_198 = arith.index_cast %add3A_178 : i32 to index
          %get3A_199 = arith.constant 32 : index
          %get3A_200 = tpu.vector_load %arg11[%get3A_198, %get3A_199] {strides = array<i32>} : memref<128x128xf32, #tpu.memory_space<vmem>>, vector<16xf32>,
          %mul3A_201 = arith.mulf %get3A_200, %gather3A_183 : vector<16xf32>
          %swap3A_202 = arith.index_cast %add3A_178 : i32 to index
          %swap3A_203 = arith.constant 32 : index
          %swap3A_204 = tpu.vector_load %arg11[%swap3A_202, %swap3A_203] {strides = array<i32>} : memref<128x128xf32, #tpu.memory_space<vmem>>, vector<16xf32>,
          tpu.vector_store %arg11[%swap3A_202, %swap3A_203], %mul3A_201 {strides = array<i32>} : memref<128x128xf32, #tpu.memory_space<vmem>>, vector<16xf32>,
          %get3A_205 = arith.index_cast %add3A_178 : i32 to index
          %get3A_206 = arith.constant 48 : index
          %get3A_207 = tpu.vector_load %arg11[%get3A_205, %get3A_206] {strides = array<i32>} : memref<128x128xf32, #tpu.memory_space<vmem>>, vector<16xf32>,
          %mul3A_208 = arith.mulf %get3A_207, %gather3A_183 : vector<16xf32>
          %swap3A_209 = arith.index_cast %add3A_178 : i32 to index
          %swap3A_210 = arith.constant 48 : index
          %swap3A_211 = tpu.vector_load %arg11[%swap3A_209, %swap3A_210] {strides = array<i32>} : memref<128x128xf32, #tpu.memory_space<vmem>>, vector<16xf32>,
          tpu.vector_store %arg11[%swap3A_209, %swap3A_210], %mul3A_208 {strides = array<i32>} : memref<128x128xf32, #tpu.memory_space<vmem>>, vector<16xf32>,
          %get3A_212 = arith.index_cast %add3A_178 : i32 to index
          %get3A_213 = arith.constant 64 : index
          %get3A_214 = tpu.vector_load %arg11[%get3A_212, %get3A_213] {strides = array<i32>} : memref<128x128xf32, #tpu.memory_space<vmem>>, vector<16xf32>,
          %mul3A_215 = arith.mulf %get3A_214, %gather3A_183 : vector<16xf32>
          %swap3A_216 = arith.index_cast %add3A_178 : i32 to index
          %swap3A_217 = arith.constant 64 : index
          %swap3A_218 = tpu.vector_load %arg11[%swap3A_216, %swap3A_217] {strides = array<i32>} : memref<128x128xf32, #tpu.memory_space<vmem>>, vector<16xf32>,
          tpu.vector_store %arg11[%swap3A_216, %swap3A_217], %mul3A_215 {strides = array<i32>} : memref<128x128xf32, #tpu.memory_space<vmem>>, vector<16xf32>,
          %get3A_219 = arith.index_cast %add3A_178 : i32 to index
          %get3A_220 = arith.constant 80 : index
          %get3A_221 = tpu.vector_load %arg11[%get3A_219, %get3A_220] {strides = array<i32>} : memref<128x128xf32, #tpu.memory_space<vmem>>, vector<16xf32>,
          %mul3A_222 = arith.mulf %get3A_221, %gather3A_183 : vector<16xf32>
          %swap3A_223 = arith.index_cast %add3A_178 : i32 to index
          %swap3A_224 = arith.constant 80 : index
          %swap3A_225 = tpu.vector_load %arg11[%swap3A_223, %swap3A_224] {strides = array<i32>} : memref<128x128xf32, #tpu.memory_space<vmem>>, vector<16xf32>,
          tpu.vector_store %arg11[%swap3A_223, %swap3A_224], %mul3A_222 {strides = array<i32>} : memref<128x128xf32, #tpu.memory_space<vmem>>, vector<16xf32>,
          %get3A_226 = arith.index_cast %add3A_178 : i32 to index
          %get3A_227 = arith.constant 96 : index
          %get3A_228 = tpu.vector_load %arg11[%get3A_226, %get3A_227] {strides = array<i32>} : memref<128x128xf32, #tpu.memory_space<vmem>>, vector<16xf32>,
          %mul3A_229 = arith.mulf %get3A_228, %gather3A_183 : vector<16xf32>
          %swap3A_230 = arith.index_cast %add3A_178 : i32 to index
          %swap3A_231 = arith.constant 96 : index
          %swap3A_232 = tpu.vector_load %arg11[%swap3A_230, %swap3A_231] {strides = array<i32>} : memref<128x128xf32, #tpu.memory_space<vmem>>, vector<16xf32>,
          tpu.vector_store %arg11[%swap3A_230, %swap3A_231], %mul3A_229 {strides = array<i32>} : memref<128x128xf32, #tpu.memory_space<vmem>>, vector<16xf32>,
          %get3A_233 = arith.index_cast %add3A_178 : i32 to index
          %get3A_234 = arith.constant 112 : index
          %get3A_235 = tpu.vector_load %arg11[%get3A_233, %get3A_234] {strides = array<i32>} : memref<128x128xf32, #tpu.memory_space<vmem>>, vector<16xf32>,
          %mul3A_236 = arith.mulf %get3A_235, %gather3A_183 : vector<16xf32>
          %swap3A_237 = arith.index_cast %add3A_178 : i32 to index
          %swap3A_238 = arith.constant 112 : index
          %swap3A_239 = tpu.vector_load %arg11[%swap3A_237, %swap3A_238] {strides = array<i32>} : memref<128x128xf32, #tpu.memory_space<vmem>>, vector<16xf32>,
          tpu.vector_store %arg11[%swap3A_237, %swap3A_238], %mul3A_236 {strides = array<i32>} : memref<128x128xf32, #tpu.memory_space<vmem>>, vector<16xf32>,
          %add3A_240 = arith.constant 3 : i32
          %add3A_241 = arith.addi %add3A_54, %add3A_240 : i32
          %broadcast_in_dim3A_242 = arith.constant 0 : i32
          %broadcast_in_dim3A_243 = vector.broadcast %broadcast_in_dim3A_242 : i32 to vector<16xi32>
          %add3A_244 = vector.broadcast %add3A_241 : i32 to vector<16xi32>
          %add3A_245 = arith.addi %broadcast_in_dim3A_243, %add3A_244 : vector<16xi32>
          %gather3A_246 = tpu.vector_load_idx %arg10[%add3A_245] : memref<128xf32, #tpu.memory_space<vmem>>[vector<16xi32>], vector<16xf32>,
          %get3A_247 = arith.index_cast %add3A_241 : i32 to index
          %get3A_248 = arith.constant 0 : index
          %get3A_249 = tpu.vector_load %arg11[%get3A_247, %get3A_248] {strides = array<i32>} : memref<128x128xf32, #tpu.memory_space<vmem>>, vector<16xf32>,
          %mul3A_250 = arith.mulf %get3A_249, %gather3A_246 : vector<16xf32>
          %swap3A_251 = arith.index_cast %add3A_241 : i32 to index
          %swap3A_252 = arith.constant 0 : index
          %swap3A_253 = tpu.vector_load %arg11[%swap3A_251, %swap3A_252] {strides = array<i32>} : memref<128x128xf32, #tpu.memory_space<vmem>>, vector<16xf32>,
          tpu.vector_store %arg11[%swap3A_251, %swap3A_252], %mul3A_250 {strides = array<i32>} : memref<128x128xf32, #tpu.memory_space<vmem>>, vector<16xf32>,
          %get3A_254 = arith.index_cast %add3A_241 : i32 to index
          %get3A_255 = arith.constant 16 : index
          %get3A_256 = tpu.vector_load %arg11[%get3A_254, %get3A_255] {strides = array<i32>} : memref<128x128xf32, #tpu.memory_space<vmem>>, vector<16xf32>,
          %mul3A_257 = arith.mulf %get3A_256, %gather3A_246 : vector<16xf32>
          %swap3A_258 = arith.index_cast %add3A_241 : i32 to index
          %swap3A_259 = arith.constant 16 : index
          %swap3A_260 = tpu.vector_load %arg11[%swap3A_258, %swap3A_259] {strides = array<i32>} : memref<128x128xf32, #tpu.memory_space<vmem>>, vector<16xf32>,
          tpu.vector_store %arg11[%swap3A_258, %swap3A_259], %mul3A_257 {strides = array<i32>} : memref<128x128xf32, #tpu.memory_space<vmem>>, vector<16xf32>,
          %get3A_261 = arith.index_cast %add3A_241 : i32 to index
          %get3A_262 = arith.constant 32 : index
          %get3A_263 = tpu.vector_load %arg11[%get3A_261, %get3A_262] {strides = array<i32>} : memref<128x128xf32, #tpu.memory_space<vmem>>, vector<16xf32>,
          %mul3A_264 = arith.mulf %get3A_263, %gather3A_246 : vector<16xf32>
          %swap3A_265 = arith.index_cast %add3A_241 : i32 to index
          %swap3A_266 = arith.constant 32 : index
          %swap3A_267 = tpu.vector_load %arg11[%swap3A_265, %swap3A_266] {strides = array<i32>} : memref<128x128xf32, #tpu.memory_space<vmem>>, vector<16xf32>,
          tpu.vector_store %arg11[%swap3A_265, %swap3A_266], %mul3A_264 {strides = array<i32>} : memref<128x128xf32, #tpu.memory_space<vmem>>, vector<16xf32>,
          %get3A_268 = arith.index_cast %add3A_241 : i32 to index
          %get3A_269 = arith.constant 48 : index
          %get3A_270 = tpu.vector_load %arg11[%get3A_268, %get3A_269] {strides = array<i32>} : memref<128x128xf32, #tpu.memory_space<vmem>>, vector<16xf32>,
          %mul3A_271 = arith.mulf %get3A_270, %gather3A_246 : vector<16xf32>
          %swap3A_272 = arith.index_cast %add3A_241 : i32 to index
          %swap3A_273 = arith.constant 48 : index
          %swap3A_274 = tpu.vector_load %arg11[%swap3A_272, %swap3A_273] {strides = array<i32>} : memref<128x128xf32, #tpu.memory_space<vmem>>, vector<16xf32>,
          tpu.vector_store %arg11[%swap3A_272, %swap3A_273], %mul3A_271 {strides = array<i32>} : memref<128x128xf32, #tpu.memory_space<vmem>>, vector<16xf32>,
          %get3A_275 = arith.index_cast %add3A_241 : i32 to index
          %get3A_276 = arith.constant 64 : index
          %get3A_277 = tpu.vector_load %arg11[%get3A_275, %get3A_276] {strides = array<i32>} : memref<128x128xf32, #tpu.memory_space<vmem>>, vector<16xf32>,
          %mul3A_278 = arith.mulf %get3A_277, %gather3A_246 : vector<16xf32>
          %swap3A_279 = arith.index_cast %add3A_241 : i32 to index
          %swap3A_280 = arith.constant 64 : index
          %swap3A_281 = tpu.vector_load %arg11[%swap3A_279, %swap3A_280] {strides = array<i32>} : memref<128x128xf32, #tpu.memory_space<vmem>>, vector<16xf32>,
          tpu.vector_store %arg11[%swap3A_279, %swap3A_280], %mul3A_278 {strides = array<i32>} : memref<128x128xf32, #tpu.memory_space<vmem>>, vector<16xf32>,
          %get3A_282 = arith.index_cast %add3A_241 : i32 to index
          %get3A_283 = arith.constant 80 : index
          %get3A_284 = tpu.vector_load %arg11[%get3A_282, %get3A_283] {strides = array<i32>} : memref<128x128xf32, #tpu.memory_space<vmem>>, vector<16xf32>,
          %mul3A_285 = arith.mulf %get3A_284, %gather3A_246 : vector<16xf32>
          %swap3A_286 = arith.index_cast %add3A_241 : i32 to index
          %swap3A_287 = arith.constant 80 : index
          %swap3A_288 = tpu.vector_load %arg11[%swap3A_286, %swap3A_287] {strides = array<i32>} : memref<128x128xf32, #tpu.memory_space<vmem>>, vector<16xf32>,
          tpu.vector_store %arg11[%swap3A_286, %swap3A_287], %mul3A_285 {strides = array<i32>} : memref<128x128xf32, #tpu.memory_space<vmem>>, vector<16xf32>,
          %get3A_289 = arith.index_cast %add3A_241 : i32 to index
          %get3A_290 = arith.constant 96 : index
          %get3A_291 = tpu.vector_load %arg11[%get3A_289, %get3A_290] {strides = array<i32>} : memref<128x128xf32, #tpu.memory_space<vmem>>, vector<16xf32>,
          %mul3A_292 = arith.mulf %get3A_291, %gather3A_246 : vector<16xf32>
          %swap3A_293 = arith.index_cast %add3A_241 : i32 to index
          %swap3A_294 = arith.constant 96 : index
          %swap3A_295 = tpu.vector_load %arg11[%swap3A_293, %swap3A_294] {strides = array<i32>} : memref<128x128xf32, #tpu.memory_space<vmem>>, vector<16xf32>,
          tpu.vector_store %arg11[%swap3A_293, %swap3A_294], %mul3A_292 {strides = array<i32>} : memref<128x128xf32, #tpu.memory_space<vmem>>, vector<16xf32>,
          %get3A_296 = arith.index_cast %add3A_241 : i32 to index
          %get3A_297 = arith.constant 112 : index
          %get3A_298 = tpu.vector_load %arg11[%get3A_296, %get3A_297] {strides = array<i32>} : memref<128x128xf32, #tpu.memory_space<vmem>>, vector<16xf32>,
          %mul3A_299 = arith.mulf %get3A_298, %gather3A_246 : vector<16xf32>
          %swap3A_300 = arith.index_cast %add3A_241 : i32 to index
          %swap3A_301 = arith.constant 112 : index
          %swap3A_302 = tpu.vector_load %arg11[%swap3A_300, %swap3A_301] {strides = array<i32>} : memref<128x128xf32, #tpu.memory_space<vmem>>, vector<16xf32>,
          tpu.vector_store %arg11[%swap3A_300, %swap3A_301], %mul3A_299 {strides = array<i32>} : memref<128x128xf32, #tpu.memory_space<vmem>>, vector<16xf32>,
        }
        %scan3A_49 = arith.constant 32 : i32
        "tpu.region"() ({
          %run_scoped3A = tpu.sem_alloc : memref<!tpu.dma_semaphore, #tpu.memory_space<semaphore_mem>>
          %dma_start3A_50 = arith.constant 0 : i32
          %dma_start3A_51 = arith.constant 0 : i32
          %dma_start3A_52 = tpu.memref_slice %arg12[%dma_start3A_50, %dma_start3A_51] : memref<10000x128xf32, #tpu.memory_space<vmem_shared>> -> memref<10000x128xf32, #tpu.memory_space<vmem_shared>>
          tpu.enqueue_indirect_dma source(%arg11 : memref<128x128xf32, #tpu.memory_space<vmem>>) target(%dma_start3A_52 : memref<10000x128xf32, #tpu.memory_space<vmem_shared>>) offsets(%arg9 : memref<128xi32, #tpu.memory_space<vmem>>) semaphore(%run_scoped3A : memref<!tpu.dma_semaphore, #tpu.memory_space<semaphore_mem>>) {add = true}
          %dma_wait3A_53 = arith.constant 0 : i32
          %dma_wait3A_54 = arith.constant 0 : i32
          %dma_wait3A_55 = tpu.memref_slice %arg12[%dma_wait3A_53, %dma_wait3A_54] : memref<10000x128xf32, #tpu.memory_space<vmem_shared>> -> memref<10000x128xf32, #tpu.memory_space<vmem_shared>>
          tpu.wait_indirect_dma semaphore(%run_scoped3A : memref<!tpu.dma_semaphore, #tpu.memory_space<semaphore_mem>>) src(%arg11 : memref<128x128xf32, #tpu.memory_space<vmem>>) dst(%dma_wait3A_55 : memref<10000x128xf32, #tpu.memory_space<vmem_shared>>)
          tpu.yield
        }) : () -> ()
      } else {
      }
    }
    %scan3A_8 = arith.constant 79 : i32
    %barrier3A_9 = arith.constant 0 : index
    tpu.barrier barrier_id(%barrier3A_9)
    "tpu.region"() ({
      %run_scoped3A = tpu.sem_alloc : memref<!tpu.dma_semaphore, #tpu.memory_space<semaphore_mem>>
      %dma_start3A = arith.constant 0 : i32
      %dma_start3A_15 = tpu.memref_slice %arg7[%arg0, %mul3A_2, %dma_start3A] : memref<2x10000x128xf32, #tpu.memory_space<hbm>> -> memref<1x624x128xf32, #tpu.memory_space<hbm>>
      %dma_start3A_16 = tpu.memref_squeeze %dma_start3A_15 : memref<1x624x128xf32, #tpu.memory_space<hbm>> -> memref<624x128xf32, #tpu.memory_space<hbm>>
      %dma_start3A_17 = arith.constant 0 : i32
      %dma_start3A_18 = tpu.memref_slice %arg12[%mul3A_2, %dma_start3A_17] : memref<10000x128xf32, #tpu.memory_space<vmem_shared>> -> memref<624x128xf32, #tpu.memory_space<vmem_shared>>
      tpu.enqueue_dma source(%dma_start3A_18 : memref<624x128xf32, #tpu.memory_space<vmem_shared>>) target(%dma_start3A_16 : memref<624x128xf32, #tpu.memory_space<hbm>>) target_semaphore(%run_scoped3A : memref<!tpu.dma_semaphore, #tpu.memory_space<semaphore_mem>>)
      %dma_wait3A = arith.constant 0 : i32
      %dma_wait3A_19 = tpu.memref_slice %arg7[%arg0, %mul3A_2, %dma_wait3A] : memref<2x10000x128xf32, #tpu.memory_space<hbm>> -> memref<1x624x128xf32, #tpu.memory_space<hbm>>
      %dma_wait3A_20 = tpu.memref_squeeze %dma_wait3A_19 : memref<1x624x128xf32, #tpu.memory_space<hbm>> -> memref<624x128xf32, #tpu.memory_space<hbm>>
      %dma_wait3A_21 = arith.constant 0 : i32
      %dma_wait3A_22 = tpu.memref_slice %arg12[%mul3A_2, %dma_wait3A_21] : memref<10000x128xf32, #tpu.memory_space<vmem_shared>> -> memref<624x128xf32, #tpu.memory_space<vmem_shared>>
      tpu.wait_dma2 semaphore(%run_scoped3A : memref<!tpu.dma_semaphore, #tpu.memory_space<semaphore_mem>>) src(%dma_wait3A_22 : memref<624x128xf32, #tpu.memory_space<vmem_shared>>) dst(%dma_wait3A_20 : memref<624x128xf32, #tpu.memory_space<hbm>>)
      tpu.yield
    }) : () -> ()
    %eq3A_10 = arith.constant 15 : i32
    %eq3A_11 = arith.cmpi eq, %arg1, %eq3A_10 : i32
    %convert_element_type3A_12 = arith.extui %eq3A_11 : i1 to i32
    %cond3A_13 = arith.constant 0 : i32
    %cond3A_14 = arith.cmpi ne, %convert_element_type3A_12, %cond3A_13 : i32
    scf.if %cond3A_14 {
      "tpu.region"() ({
        %run_scoped3A = tpu.sem_alloc : memref<!tpu.dma_semaphore, #tpu.memory_space<semaphore_mem>>
        %dma_start3A = arith.constant 9984 : i32
        %dma_start3A_15 = arith.constant 0 : i32
        %dma_start3A_16 = tpu.memref_slice %arg7[%arg0, %dma_start3A, %dma_start3A_15] : memref<2x10000x128xf32, #tpu.memory_space<hbm>> -> memref<1x16x128xf32, #tpu.memory_space<hbm>>
        %dma_start3A_17 = tpu.memref_squeeze %dma_start3A_16 : memref<1x16x128xf32, #tpu.memory_space<hbm>> -> memref<16x128xf32, #tpu.memory_space<hbm>>
        %dma_start3A_18 = arith.constant 9984 : i32
        %dma_start3A_19 = arith.constant 0 : i32
        %dma_start3A_20 = tpu.memref_slice %arg12[%dma_start3A_18, %dma_start3A_19] : memref<10000x128xf32, #tpu.memory_space<vmem_shared>> -> memref<16x128xf32, #tpu.memory_space<vmem_shared>>
        tpu.enqueue_dma source(%dma_start3A_20 : memref<16x128xf32, #tpu.memory_space<vmem_shared>>) target(%dma_start3A_17 : memref<16x128xf32, #tpu.memory_space<hbm>>) target_semaphore(%run_scoped3A : memref<!tpu.dma_semaphore, #tpu.memory_space<semaphore_mem>>)
        %dma_wait3A = arith.constant 9984 : i32
        %dma_wait3A_21 = arith.constant 0 : i32
        %dma_wait3A_22 = tpu.memref_slice %arg7[%arg0, %dma_wait3A, %dma_wait3A_21] : memref<2x10000x128xf32, #tpu.memory_space<hbm>> -> memref<1x16x128xf32, #tpu.memory_space<hbm>>
        %dma_wait3A_23 = tpu.memref_squeeze %dma_wait3A_22 : memref<1x16x128xf32, #tpu.memory_space<hbm>> -> memref<16x128xf32, #tpu.memory_space<hbm>>
        %dma_wait3A_24 = arith.constant 9984 : i32
        %dma_wait3A_25 = arith.constant 0 : i32
        %dma_wait3A_26 = tpu.memref_slice %arg12[%dma_wait3A_24, %dma_wait3A_25] : memref<10000x128xf32, #tpu.memory_space<vmem_shared>> -> memref<16x128xf32, #tpu.memory_space<vmem_shared>>
        tpu.wait_dma2 semaphore(%run_scoped3A : memref<!tpu.dma_semaphore, #tpu.memory_space<semaphore_mem>>) src(%dma_wait3A_26 : memref<16x128xf32, #tpu.memory_space<vmem_shared>>) dst(%dma_wait3A_23 : memref<16x128xf32, #tpu.memory_space<hbm>>)
        tpu.yield
      }) : () -> ()
    } else {
    }
    return
  }
}

#map = affine_map<(d0, d1) -> (0, 0)>
#map1 = affine_map<(d0, d1) -> (0)>
#map2 = affine_map<(d0, d1) -> (0, 0, 0)>
module attributes {stable_mosaic.version = 14 : i64} {
  func.func @sc_kernel(%arg0: i32, %arg1: i32, %arg2: memref<10000x64xf32, #tpu.memory_space<hbm>>, %arg3: memref<320000xi32, #tpu.memory_space<hbm>>, %arg4: memref<320000xi32, #tpu.memory_space<hbm>>, %arg5: memref<320000xf32, #tpu.memory_space<hbm>>, %arg6: memref<10000x64xf32, #tpu.memory_space<hbm>>, %arg7: memref<2x10000x64xf32, #tpu.memory_space<hbm>>, %arg8: memref<128xi32, #tpu.memory_space<vmem>>, %arg9: memref<128xi32, #tpu.memory_space<vmem>>, %arg10: memref<128xf32, #tpu.memory_space<vmem>>, %arg11: memref<128x64xf32, #tpu.memory_space<vmem>>, %arg12: memref<10000x64xf32, #tpu.memory_space<vmem_shared>>, %arg13: memref<!tpu.dma_semaphore, #tpu.memory_space<semaphore_mem>>, %arg14: memref<!tpu.dma_semaphore, #tpu.memory_space<semaphore_mem>>, %arg15: memref<!tpu.dma_semaphore, #tpu.memory_space<semaphore_mem>>) attributes {dimension_semantics = [#tpu.dimension_semantics<core_parallel>, #tpu.dimension_semantics<subcore_parallel>], iteration_bounds = array<i64: 2, 16>, scalar_prefetch = 0 : i64, scratch_operands = 8 : i64, tpu.core_type = #tpu.core_type<sc_vector_subcore>, window_params = [{transform_indices = #map}, {transform_indices = #map1}, {transform_indices = #map1}, {transform_indices = #map1}, {transform_indices = #map}, {transform_indices = #map2}]} {
    %mul3A = arith.constant 2 : i32
    %mul3A_0 = arith.muli %arg1, %mul3A : i32
    %add3A = arith.addi %mul3A_0, %arg0 : i32
    %mul3A_1 = arith.constant 624 : i32
    %mul3A_2 = arith.muli %arg1, %mul3A_1 : i32
    "tpu.region"() ({
      %run_scoped3A = tpu.sem_alloc : memref<!tpu.dma_semaphore, #tpu.memory_space<semaphore_mem>>
      %dma_start3A = arith.constant 0 : i32
      %dma_start3A_15 = tpu.memref_slice %arg12[%mul3A_2, %dma_start3A] : memref<10000x64xf32, #tpu.memory_space<vmem_shared>> -> memref<624x64xf32, #tpu.memory_space<vmem_shared>>
      %dma_start3A_16 = arith.constant 0 : i32
      %dma_start3A_17 = tpu.memref_slice %arg6[%mul3A_2, %dma_start3A_16] : memref<10000x64xf32, #tpu.memory_space<hbm>> -> memref<624x64xf32, #tpu.memory_space<hbm>>
      tpu.enqueue_dma source(%dma_start3A_17 : memref<624x64xf32, #tpu.memory_space<hbm>>) target(%dma_start3A_15 : memref<624x64xf32, #tpu.memory_space<vmem_shared>>) target_semaphore(%run_scoped3A : memref<!tpu.dma_semaphore, #tpu.memory_space<semaphore_mem>>)
      %dma_wait3A = arith.constant 0 : i32
      %dma_wait3A_18 = tpu.memref_slice %arg12[%mul3A_2, %dma_wait3A] : memref<10000x64xf32, #tpu.memory_space<vmem_shared>> -> memref<624x64xf32, #tpu.memory_space<vmem_shared>>
      %dma_wait3A_19 = arith.constant 0 : i32
      %dma_wait3A_20 = tpu.memref_slice %arg6[%mul3A_2, %dma_wait3A_19] : memref<10000x64xf32, #tpu.memory_space<hbm>> -> memref<624x64xf32, #tpu.memory_space<hbm>>
      tpu.wait_dma2 semaphore(%run_scoped3A : memref<!tpu.dma_semaphore, #tpu.memory_space<semaphore_mem>>) src(%dma_wait3A_20 : memref<624x64xf32, #tpu.memory_space<hbm>>) dst(%dma_wait3A_18 : memref<624x64xf32, #tpu.memory_space<vmem_shared>>)
      tpu.yield
    }) : () -> ()
    %eq3A = arith.constant 15 : i32
    %eq3A_3 = arith.cmpi eq, %arg1, %eq3A : i32
    %convert_element_type3A = arith.extui %eq3A_3 : i1 to i32
    %cond3A = arith.constant 0 : i32
    %cond3A_4 = arith.cmpi ne, %convert_element_type3A, %cond3A : i32
    scf.if %cond3A_4 {
      "tpu.region"() ({
        %run_scoped3A = tpu.sem_alloc : memref<!tpu.dma_semaphore, #tpu.memory_space<semaphore_mem>>
        %dma_start3A = arith.constant 9984 : i32
        %dma_start3A_15 = arith.constant 0 : i32
        %dma_start3A_16 = tpu.memref_slice %arg12[%dma_start3A, %dma_start3A_15] : memref<10000x64xf32, #tpu.memory_space<vmem_shared>> -> memref<16x64xf32, #tpu.memory_space<vmem_shared>>
        %dma_start3A_17 = arith.constant 9984 : i32
        %dma_start3A_18 = arith.constant 0 : i32
        %dma_start3A_19 = tpu.memref_slice %arg6[%dma_start3A_17, %dma_start3A_18] : memref<10000x64xf32, #tpu.memory_space<hbm>> -> memref<16x64xf32, #tpu.memory_space<hbm>>
        tpu.enqueue_dma source(%dma_start3A_19 : memref<16x64xf32, #tpu.memory_space<hbm>>) target(%dma_start3A_16 : memref<16x64xf32, #tpu.memory_space<vmem_shared>>) target_semaphore(%run_scoped3A : memref<!tpu.dma_semaphore, #tpu.memory_space<semaphore_mem>>)
        %dma_wait3A = arith.constant 9984 : i32
        %dma_wait3A_20 = arith.constant 0 : i32
        %dma_wait3A_21 = tpu.memref_slice %arg12[%dma_wait3A, %dma_wait3A_20] : memref<10000x64xf32, #tpu.memory_space<vmem_shared>> -> memref<16x64xf32, #tpu.memory_space<vmem_shared>>
        %dma_wait3A_22 = arith.constant 9984 : i32
        %dma_wait3A_23 = arith.constant 0 : i32
        %dma_wait3A_24 = tpu.memref_slice %arg6[%dma_wait3A_22, %dma_wait3A_23] : memref<10000x64xf32, #tpu.memory_space<hbm>> -> memref<16x64xf32, #tpu.memory_space<hbm>>
        tpu.wait_dma2 semaphore(%run_scoped3A : memref<!tpu.dma_semaphore, #tpu.memory_space<semaphore_mem>>) src(%dma_wait3A_24 : memref<16x64xf32, #tpu.memory_space<hbm>>) dst(%dma_wait3A_21 : memref<16x64xf32, #tpu.memory_space<vmem_shared>>)
        tpu.yield
      }) : () -> ()
    } else {
    }
    %barrier3A = arith.constant 0 : index
    tpu.barrier barrier_id(%barrier3A)
    %scan3A = arith.constant 0 : i32
    %scan3A_5 = arith.constant 79 : i32
    %scan3A_6 = arith.addi %scan3A, %scan3A_5 : i32
    %scan3A_7 = arith.constant 1 : i32
    scf.for %scan3A_15 = %scan3A to %scan3A_6 step %scan3A_7  : i32 {
      %mul3A_16 = arith.constant 1 : i32
      %mul3A_17 = arith.muli %scan3A_15, %mul3A_16 : i32
      %add3A_18 = arith.constant 0 : i32
      %add3A_19 = arith.addi %add3A_18, %mul3A_17 : i32
      %mul3A_20 = arith.constant 32 : i32
      %mul3A_21 = arith.muli %add3A_19, %mul3A_20 : i32
      %add3A_22 = arith.addi %mul3A_21, %add3A : i32
      %lt3A = arith.constant 2500 : i32
      %lt3A_23 = arith.cmpi slt, %add3A_22, %lt3A : i32
      %convert_element_type3A_24 = arith.extui %lt3A_23 : i1 to i32
      %cond3A_25 = arith.constant 0 : i32
      %cond3A_26 = arith.cmpi ne, %convert_element_type3A_24, %cond3A_25 : i32
      scf.if %cond3A_26 {
        %mul3A_27 = arith.constant 128 : i32
        %mul3A_28 = arith.muli %add3A_22, %mul3A_27 : i32
        %dma_start3A = tpu.memref_slice %arg3[%mul3A_28] : memref<320000xi32, #tpu.memory_space<hbm>> -> memref<128xi32, #tpu.memory_space<hbm>>
        %dma_start3A_29 = tpu.memref_slice %arg3[%mul3A_28] : memref<320000xi32, #tpu.memory_space<hbm>> -> memref<128xi32, #tpu.memory_space<hbm>>
        tpu.enqueue_dma source(%dma_start3A_29 : memref<128xi32, #tpu.memory_space<hbm>>) target(%arg8 : memref<128xi32, #tpu.memory_space<vmem>>) target_semaphore(%arg14 : memref<!tpu.dma_semaphore, #tpu.memory_space<semaphore_mem>>)
        %dma_start3A_30 = tpu.memref_slice %arg4[%mul3A_28] : memref<320000xi32, #tpu.memory_space<hbm>> -> memref<128xi32, #tpu.memory_space<hbm>>
        %dma_start3A_31 = tpu.memref_slice %arg4[%mul3A_28] : memref<320000xi32, #tpu.memory_space<hbm>> -> memref<128xi32, #tpu.memory_space<hbm>>
        tpu.enqueue_dma source(%dma_start3A_31 : memref<128xi32, #tpu.memory_space<hbm>>) target(%arg9 : memref<128xi32, #tpu.memory_space<vmem>>) target_semaphore(%arg15 : memref<!tpu.dma_semaphore, #tpu.memory_space<semaphore_mem>>)
        %dma_start3A_32 = tpu.memref_slice %arg5[%mul3A_28] : memref<320000xf32, #tpu.memory_space<hbm>> -> memref<128xf32, #tpu.memory_space<hbm>>
        %dma_start3A_33 = tpu.memref_slice %arg5[%mul3A_28] : memref<320000xf32, #tpu.memory_space<hbm>> -> memref<128xf32, #tpu.memory_space<hbm>>
        tpu.enqueue_dma source(%dma_start3A_33 : memref<128xf32, #tpu.memory_space<hbm>>) target(%arg10 : memref<128xf32, #tpu.memory_space<vmem>>) target_semaphore(%arg15 : memref<!tpu.dma_semaphore, #tpu.memory_space<semaphore_mem>>)
        %dma_wait3A = tpu.memref_slice %arg3[%mul3A_28] : memref<320000xi32, #tpu.memory_space<hbm>> -> memref<128xi32, #tpu.memory_space<hbm>>
        %dma_wait3A_34 = tpu.memref_slice %arg3[%mul3A_28] : memref<320000xi32, #tpu.memory_space<hbm>> -> memref<128xi32, #tpu.memory_space<hbm>>
        tpu.wait_dma2 semaphore(%arg14 : memref<!tpu.dma_semaphore, #tpu.memory_space<semaphore_mem>>) src(%dma_wait3A_34 : memref<128xi32, #tpu.memory_space<hbm>>) dst(%arg8 : memref<128xi32, #tpu.memory_space<vmem>>)
        %dma_start3A_35 = arith.constant 0 : i32
        %dma_start3A_36 = arith.constant 0 : i32
        %dma_start3A_37 = tpu.memref_slice %arg2[%dma_start3A_35, %dma_start3A_36] : memref<10000x64xf32, #tpu.memory_space<hbm>> -> memref<10000x64xf32, #tpu.memory_space<hbm>>
        tpu.enqueue_indirect_dma source(%dma_start3A_37 : memref<10000x64xf32, #tpu.memory_space<hbm>>) target(%arg11 : memref<128x64xf32, #tpu.memory_space<vmem>>) offsets(%arg8 : memref<128xi32, #tpu.memory_space<vmem>>) semaphore(%arg13 : memref<!tpu.dma_semaphore, #tpu.memory_space<semaphore_mem>>)
        %dma_wait3A_38 = tpu.memref_slice %arg4[%mul3A_28] : memref<320000xi32, #tpu.memory_space<hbm>> -> memref<128xi32, #tpu.memory_space<hbm>>
        %dma_wait3A_39 = tpu.memref_slice %arg4[%mul3A_28] : memref<320000xi32, #tpu.memory_space<hbm>> -> memref<128xi32, #tpu.memory_space<hbm>>
        tpu.wait_dma2 semaphore(%arg15 : memref<!tpu.dma_semaphore, #tpu.memory_space<semaphore_mem>>) src(%dma_wait3A_39 : memref<128xi32, #tpu.memory_space<hbm>>) dst(%arg9 : memref<128xi32, #tpu.memory_space<vmem>>)
        %dma_wait3A_40 = tpu.memref_slice %arg5[%mul3A_28] : memref<320000xf32, #tpu.memory_space<hbm>> -> memref<128xf32, #tpu.memory_space<hbm>>
        %dma_wait3A_41 = tpu.memref_slice %arg5[%mul3A_28] : memref<320000xf32, #tpu.memory_space<hbm>> -> memref<128xf32, #tpu.memory_space<hbm>>
        tpu.wait_dma2 semaphore(%arg15 : memref<!tpu.dma_semaphore, #tpu.memory_space<semaphore_mem>>) src(%dma_wait3A_41 : memref<128xf32, #tpu.memory_space<hbm>>) dst(%arg10 : memref<128xf32, #tpu.memory_space<vmem>>)
        %dma_wait3A_42 = arith.constant 0 : i32
        %dma_wait3A_43 = arith.constant 0 : i32
        %dma_wait3A_44 = tpu.memref_slice %arg2[%dma_wait3A_42, %dma_wait3A_43] : memref<10000x64xf32, #tpu.memory_space<hbm>> -> memref<10000x64xf32, #tpu.memory_space<hbm>>
        tpu.wait_indirect_dma semaphore(%arg13 : memref<!tpu.dma_semaphore, #tpu.memory_space<semaphore_mem>>) src(%dma_wait3A_44 : memref<10000x64xf32, #tpu.memory_space<hbm>>) dst(%arg11 : memref<128x64xf32, #tpu.memory_space<vmem>>)
        %scan3A_45 = arith.constant 0 : i32
        %scan3A_46 = arith.constant 32 : i32
        %scan3A_47 = arith.addi %scan3A_45, %scan3A_46 : i32
        %scan3A_48 = arith.constant 1 : i32
        scf.for %scan3A_50 = %scan3A_45 to %scan3A_47 step %scan3A_48  : i32 {
          %mul3A_51 = arith.constant 4 : i32
          %mul3A_52 = arith.muli %scan3A_50, %mul3A_51 : i32
          %add3A_53 = arith.constant 0 : i32
          %add3A_54 = arith.addi %add3A_53, %mul3A_52 : i32
          %add3A_55 = arith.constant 0 : i32
          %add3A_56 = arith.addi %add3A_54, %add3A_55 : i32
          %broadcast_in_dim3A = arith.constant 0 : i32
          %broadcast_in_dim3A_57 = vector.broadcast %broadcast_in_dim3A : i32 to vector<16xi32>
          %add3A_58 = vector.broadcast %add3A_56 : i32 to vector<16xi32>
          %add3A_59 = arith.addi %broadcast_in_dim3A_57, %add3A_58 : vector<16xi32>
          %gather3A = tpu.vector_load_idx %arg10[%add3A_59] : memref<128xf32, #tpu.memory_space<vmem>>[vector<16xi32>], vector<16xf32>,
          %get3A = arith.index_cast %add3A_56 : i32 to index
          %get3A_60 = arith.constant 0 : index
          %get3A_61 = tpu.vector_load %arg11[%get3A, %get3A_60] {strides = array<i32>} : memref<128x64xf32, #tpu.memory_space<vmem>>, vector<16xf32>,
          %mul3A_62 = arith.mulf %get3A_61, %gather3A : vector<16xf32>
          %swap3A = arith.index_cast %add3A_56 : i32 to index
          %swap3A_63 = arith.constant 0 : index
          %swap3A_64 = tpu.vector_load %arg11[%swap3A, %swap3A_63] {strides = array<i32>} : memref<128x64xf32, #tpu.memory_space<vmem>>, vector<16xf32>,
          tpu.vector_store %arg11[%swap3A, %swap3A_63], %mul3A_62 {strides = array<i32>} : memref<128x64xf32, #tpu.memory_space<vmem>>, vector<16xf32>,
          %get3A_65 = arith.index_cast %add3A_56 : i32 to index
          %get3A_66 = arith.constant 16 : index
          %get3A_67 = tpu.vector_load %arg11[%get3A_65, %get3A_66] {strides = array<i32>} : memref<128x64xf32, #tpu.memory_space<vmem>>, vector<16xf32>,
          %mul3A_68 = arith.mulf %get3A_67, %gather3A : vector<16xf32>
          %swap3A_69 = arith.index_cast %add3A_56 : i32 to index
          %swap3A_70 = arith.constant 16 : index
          %swap3A_71 = tpu.vector_load %arg11[%swap3A_69, %swap3A_70] {strides = array<i32>} : memref<128x64xf32, #tpu.memory_space<vmem>>, vector<16xf32>,
          tpu.vector_store %arg11[%swap3A_69, %swap3A_70], %mul3A_68 {strides = array<i32>} : memref<128x64xf32, #tpu.memory_space<vmem>>, vector<16xf32>,
          %get3A_72 = arith.index_cast %add3A_56 : i32 to index
          %get3A_73 = arith.constant 32 : index
          %get3A_74 = tpu.vector_load %arg11[%get3A_72, %get3A_73] {strides = array<i32>} : memref<128x64xf32, #tpu.memory_space<vmem>>, vector<16xf32>,
          %mul3A_75 = arith.mulf %get3A_74, %gather3A : vector<16xf32>
          %swap3A_76 = arith.index_cast %add3A_56 : i32 to index
          %swap3A_77 = arith.constant 32 : index
          %swap3A_78 = tpu.vector_load %arg11[%swap3A_76, %swap3A_77] {strides = array<i32>} : memref<128x64xf32, #tpu.memory_space<vmem>>, vector<16xf32>,
          tpu.vector_store %arg11[%swap3A_76, %swap3A_77], %mul3A_75 {strides = array<i32>} : memref<128x64xf32, #tpu.memory_space<vmem>>, vector<16xf32>,
          %get3A_79 = arith.index_cast %add3A_56 : i32 to index
          %get3A_80 = arith.constant 48 : index
          %get3A_81 = tpu.vector_load %arg11[%get3A_79, %get3A_80] {strides = array<i32>} : memref<128x64xf32, #tpu.memory_space<vmem>>, vector<16xf32>,
          %mul3A_82 = arith.mulf %get3A_81, %gather3A : vector<16xf32>
          %swap3A_83 = arith.index_cast %add3A_56 : i32 to index
          %swap3A_84 = arith.constant 48 : index
          %swap3A_85 = tpu.vector_load %arg11[%swap3A_83, %swap3A_84] {strides = array<i32>} : memref<128x64xf32, #tpu.memory_space<vmem>>, vector<16xf32>,
          tpu.vector_store %arg11[%swap3A_83, %swap3A_84], %mul3A_82 {strides = array<i32>} : memref<128x64xf32, #tpu.memory_space<vmem>>, vector<16xf32>,
          %add3A_86 = arith.constant 1 : i32
          %add3A_87 = arith.addi %add3A_54, %add3A_86 : i32
          %broadcast_in_dim3A_88 = arith.constant 0 : i32
          %broadcast_in_dim3A_89 = vector.broadcast %broadcast_in_dim3A_88 : i32 to vector<16xi32>
          %add3A_90 = vector.broadcast %add3A_87 : i32 to vector<16xi32>
          %add3A_91 = arith.addi %broadcast_in_dim3A_89, %add3A_90 : vector<16xi32>
          %gather3A_92 = tpu.vector_load_idx %arg10[%add3A_91] : memref<128xf32, #tpu.memory_space<vmem>>[vector<16xi32>], vector<16xf32>,
          %get3A_93 = arith.index_cast %add3A_87 : i32 to index
          %get3A_94 = arith.constant 0 : index
          %get3A_95 = tpu.vector_load %arg11[%get3A_93, %get3A_94] {strides = array<i32>} : memref<128x64xf32, #tpu.memory_space<vmem>>, vector<16xf32>,
          %mul3A_96 = arith.mulf %get3A_95, %gather3A_92 : vector<16xf32>
          %swap3A_97 = arith.index_cast %add3A_87 : i32 to index
          %swap3A_98 = arith.constant 0 : index
          %swap3A_99 = tpu.vector_load %arg11[%swap3A_97, %swap3A_98] {strides = array<i32>} : memref<128x64xf32, #tpu.memory_space<vmem>>, vector<16xf32>,
          tpu.vector_store %arg11[%swap3A_97, %swap3A_98], %mul3A_96 {strides = array<i32>} : memref<128x64xf32, #tpu.memory_space<vmem>>, vector<16xf32>,
          %get3A_100 = arith.index_cast %add3A_87 : i32 to index
          %get3A_101 = arith.constant 16 : index
          %get3A_102 = tpu.vector_load %arg11[%get3A_100, %get3A_101] {strides = array<i32>} : memref<128x64xf32, #tpu.memory_space<vmem>>, vector<16xf32>,
          %mul3A_103 = arith.mulf %get3A_102, %gather3A_92 : vector<16xf32>
          %swap3A_104 = arith.index_cast %add3A_87 : i32 to index
          %swap3A_105 = arith.constant 16 : index
          %swap3A_106 = tpu.vector_load %arg11[%swap3A_104, %swap3A_105] {strides = array<i32>} : memref<128x64xf32, #tpu.memory_space<vmem>>, vector<16xf32>,
          tpu.vector_store %arg11[%swap3A_104, %swap3A_105], %mul3A_103 {strides = array<i32>} : memref<128x64xf32, #tpu.memory_space<vmem>>, vector<16xf32>,
          %get3A_107 = arith.index_cast %add3A_87 : i32 to index
          %get3A_108 = arith.constant 32 : index
          %get3A_109 = tpu.vector_load %arg11[%get3A_107, %get3A_108] {strides = array<i32>} : memref<128x64xf32, #tpu.memory_space<vmem>>, vector<16xf32>,
          %mul3A_110 = arith.mulf %get3A_109, %gather3A_92 : vector<16xf32>
          %swap3A_111 = arith.index_cast %add3A_87 : i32 to index
          %swap3A_112 = arith.constant 32 : index
          %swap3A_113 = tpu.vector_load %arg11[%swap3A_111, %swap3A_112] {strides = array<i32>} : memref<128x64xf32, #tpu.memory_space<vmem>>, vector<16xf32>,
          tpu.vector_store %arg11[%swap3A_111, %swap3A_112], %mul3A_110 {strides = array<i32>} : memref<128x64xf32, #tpu.memory_space<vmem>>, vector<16xf32>,
          %get3A_114 = arith.index_cast %add3A_87 : i32 to index
          %get3A_115 = arith.constant 48 : index
          %get3A_116 = tpu.vector_load %arg11[%get3A_114, %get3A_115] {strides = array<i32>} : memref<128x64xf32, #tpu.memory_space<vmem>>, vector<16xf32>,
          %mul3A_117 = arith.mulf %get3A_116, %gather3A_92 : vector<16xf32>
          %swap3A_118 = arith.index_cast %add3A_87 : i32 to index
          %swap3A_119 = arith.constant 48 : index
          %swap3A_120 = tpu.vector_load %arg11[%swap3A_118, %swap3A_119] {strides = array<i32>} : memref<128x64xf32, #tpu.memory_space<vmem>>, vector<16xf32>,
          tpu.vector_store %arg11[%swap3A_118, %swap3A_119], %mul3A_117 {strides = array<i32>} : memref<128x64xf32, #tpu.memory_space<vmem>>, vector<16xf32>,
          %add3A_121 = arith.constant 2 : i32
          %add3A_122 = arith.addi %add3A_54, %add3A_121 : i32
          %broadcast_in_dim3A_123 = arith.constant 0 : i32
          %broadcast_in_dim3A_124 = vector.broadcast %broadcast_in_dim3A_123 : i32 to vector<16xi32>
          %add3A_125 = vector.broadcast %add3A_122 : i32 to vector<16xi32>
          %add3A_126 = arith.addi %broadcast_in_dim3A_124, %add3A_125 : vector<16xi32>
          %gather3A_127 = tpu.vector_load_idx %arg10[%add3A_126] : memref<128xf32, #tpu.memory_space<vmem>>[vector<16xi32>], vector<16xf32>,
          %get3A_128 = arith.index_cast %add3A_122 : i32 to index
          %get3A_129 = arith.constant 0 : index
          %get3A_130 = tpu.vector_load %arg11[%get3A_128, %get3A_129] {strides = array<i32>} : memref<128x64xf32, #tpu.memory_space<vmem>>, vector<16xf32>,
          %mul3A_131 = arith.mulf %get3A_130, %gather3A_127 : vector<16xf32>
          %swap3A_132 = arith.index_cast %add3A_122 : i32 to index
          %swap3A_133 = arith.constant 0 : index
          %swap3A_134 = tpu.vector_load %arg11[%swap3A_132, %swap3A_133] {strides = array<i32>} : memref<128x64xf32, #tpu.memory_space<vmem>>, vector<16xf32>,
          tpu.vector_store %arg11[%swap3A_132, %swap3A_133], %mul3A_131 {strides = array<i32>} : memref<128x64xf32, #tpu.memory_space<vmem>>, vector<16xf32>,
          %get3A_135 = arith.index_cast %add3A_122 : i32 to index
          %get3A_136 = arith.constant 16 : index
          %get3A_137 = tpu.vector_load %arg11[%get3A_135, %get3A_136] {strides = array<i32>} : memref<128x64xf32, #tpu.memory_space<vmem>>, vector<16xf32>,
          %mul3A_138 = arith.mulf %get3A_137, %gather3A_127 : vector<16xf32>
          %swap3A_139 = arith.index_cast %add3A_122 : i32 to index
          %swap3A_140 = arith.constant 16 : index
          %swap3A_141 = tpu.vector_load %arg11[%swap3A_139, %swap3A_140] {strides = array<i32>} : memref<128x64xf32, #tpu.memory_space<vmem>>, vector<16xf32>,
          tpu.vector_store %arg11[%swap3A_139, %swap3A_140], %mul3A_138 {strides = array<i32>} : memref<128x64xf32, #tpu.memory_space<vmem>>, vector<16xf32>,
          %get3A_142 = arith.index_cast %add3A_122 : i32 to index
          %get3A_143 = arith.constant 32 : index
          %get3A_144 = tpu.vector_load %arg11[%get3A_142, %get3A_143] {strides = array<i32>} : memref<128x64xf32, #tpu.memory_space<vmem>>, vector<16xf32>,
          %mul3A_145 = arith.mulf %get3A_144, %gather3A_127 : vector<16xf32>
          %swap3A_146 = arith.index_cast %add3A_122 : i32 to index
          %swap3A_147 = arith.constant 32 : index
          %swap3A_148 = tpu.vector_load %arg11[%swap3A_146, %swap3A_147] {strides = array<i32>} : memref<128x64xf32, #tpu.memory_space<vmem>>, vector<16xf32>,
          tpu.vector_store %arg11[%swap3A_146, %swap3A_147], %mul3A_145 {strides = array<i32>} : memref<128x64xf32, #tpu.memory_space<vmem>>, vector<16xf32>,
          %get3A_149 = arith.index_cast %add3A_122 : i32 to index
          %get3A_150 = arith.constant 48 : index
          %get3A_151 = tpu.vector_load %arg11[%get3A_149, %get3A_150] {strides = array<i32>} : memref<128x64xf32, #tpu.memory_space<vmem>>, vector<16xf32>,
          %mul3A_152 = arith.mulf %get3A_151, %gather3A_127 : vector<16xf32>
          %swap3A_153 = arith.index_cast %add3A_122 : i32 to index
          %swap3A_154 = arith.constant 48 : index
          %swap3A_155 = tpu.vector_load %arg11[%swap3A_153, %swap3A_154] {strides = array<i32>} : memref<128x64xf32, #tpu.memory_space<vmem>>, vector<16xf32>,
          tpu.vector_store %arg11[%swap3A_153, %swap3A_154], %mul3A_152 {strides = array<i32>} : memref<128x64xf32, #tpu.memory_space<vmem>>, vector<16xf32>,
          %add3A_156 = arith.constant 3 : i32
          %add3A_157 = arith.addi %add3A_54, %add3A_156 : i32
          %broadcast_in_dim3A_158 = arith.constant 0 : i32
          %broadcast_in_dim3A_159 = vector.broadcast %broadcast_in_dim3A_158 : i32 to vector<16xi32>
          %add3A_160 = vector.broadcast %add3A_157 : i32 to vector<16xi32>
          %add3A_161 = arith.addi %broadcast_in_dim3A_159, %add3A_160 : vector<16xi32>
          %gather3A_162 = tpu.vector_load_idx %arg10[%add3A_161] : memref<128xf32, #tpu.memory_space<vmem>>[vector<16xi32>], vector<16xf32>,
          %get3A_163 = arith.index_cast %add3A_157 : i32 to index
          %get3A_164 = arith.constant 0 : index
          %get3A_165 = tpu.vector_load %arg11[%get3A_163, %get3A_164] {strides = array<i32>} : memref<128x64xf32, #tpu.memory_space<vmem>>, vector<16xf32>,
          %mul3A_166 = arith.mulf %get3A_165, %gather3A_162 : vector<16xf32>
          %swap3A_167 = arith.index_cast %add3A_157 : i32 to index
          %swap3A_168 = arith.constant 0 : index
          %swap3A_169 = tpu.vector_load %arg11[%swap3A_167, %swap3A_168] {strides = array<i32>} : memref<128x64xf32, #tpu.memory_space<vmem>>, vector<16xf32>,
          tpu.vector_store %arg11[%swap3A_167, %swap3A_168], %mul3A_166 {strides = array<i32>} : memref<128x64xf32, #tpu.memory_space<vmem>>, vector<16xf32>,
          %get3A_170 = arith.index_cast %add3A_157 : i32 to index
          %get3A_171 = arith.constant 16 : index
          %get3A_172 = tpu.vector_load %arg11[%get3A_170, %get3A_171] {strides = array<i32>} : memref<128x64xf32, #tpu.memory_space<vmem>>, vector<16xf32>,
          %mul3A_173 = arith.mulf %get3A_172, %gather3A_162 : vector<16xf32>
          %swap3A_174 = arith.index_cast %add3A_157 : i32 to index
          %swap3A_175 = arith.constant 16 : index
          %swap3A_176 = tpu.vector_load %arg11[%swap3A_174, %swap3A_175] {strides = array<i32>} : memref<128x64xf32, #tpu.memory_space<vmem>>, vector<16xf32>,
          tpu.vector_store %arg11[%swap3A_174, %swap3A_175], %mul3A_173 {strides = array<i32>} : memref<128x64xf32, #tpu.memory_space<vmem>>, vector<16xf32>,
          %get3A_177 = arith.index_cast %add3A_157 : i32 to index
          %get3A_178 = arith.constant 32 : index
          %get3A_179 = tpu.vector_load %arg11[%get3A_177, %get3A_178] {strides = array<i32>} : memref<128x64xf32, #tpu.memory_space<vmem>>, vector<16xf32>,
          %mul3A_180 = arith.mulf %get3A_179, %gather3A_162 : vector<16xf32>
          %swap3A_181 = arith.index_cast %add3A_157 : i32 to index
          %swap3A_182 = arith.constant 32 : index
          %swap3A_183 = tpu.vector_load %arg11[%swap3A_181, %swap3A_182] {strides = array<i32>} : memref<128x64xf32, #tpu.memory_space<vmem>>, vector<16xf32>,
          tpu.vector_store %arg11[%swap3A_181, %swap3A_182], %mul3A_180 {strides = array<i32>} : memref<128x64xf32, #tpu.memory_space<vmem>>, vector<16xf32>,
          %get3A_184 = arith.index_cast %add3A_157 : i32 to index
          %get3A_185 = arith.constant 48 : index
          %get3A_186 = tpu.vector_load %arg11[%get3A_184, %get3A_185] {strides = array<i32>} : memref<128x64xf32, #tpu.memory_space<vmem>>, vector<16xf32>,
          %mul3A_187 = arith.mulf %get3A_186, %gather3A_162 : vector<16xf32>
          %swap3A_188 = arith.index_cast %add3A_157 : i32 to index
          %swap3A_189 = arith.constant 48 : index
          %swap3A_190 = tpu.vector_load %arg11[%swap3A_188, %swap3A_189] {strides = array<i32>} : memref<128x64xf32, #tpu.memory_space<vmem>>, vector<16xf32>,
          tpu.vector_store %arg11[%swap3A_188, %swap3A_189], %mul3A_187 {strides = array<i32>} : memref<128x64xf32, #tpu.memory_space<vmem>>, vector<16xf32>,
        }
        %scan3A_49 = arith.constant 32 : i32
        "tpu.region"() ({
          %run_scoped3A = tpu.sem_alloc : memref<!tpu.dma_semaphore, #tpu.memory_space<semaphore_mem>>
          %dma_start3A_50 = arith.constant 0 : i32
          %dma_start3A_51 = arith.constant 0 : i32
          %dma_start3A_52 = tpu.memref_slice %arg12[%dma_start3A_50, %dma_start3A_51] : memref<10000x64xf32, #tpu.memory_space<vmem_shared>> -> memref<10000x64xf32, #tpu.memory_space<vmem_shared>>
          tpu.enqueue_indirect_dma source(%arg11 : memref<128x64xf32, #tpu.memory_space<vmem>>) target(%dma_start3A_52 : memref<10000x64xf32, #tpu.memory_space<vmem_shared>>) offsets(%arg9 : memref<128xi32, #tpu.memory_space<vmem>>) semaphore(%run_scoped3A : memref<!tpu.dma_semaphore, #tpu.memory_space<semaphore_mem>>) {add = true}
          %dma_wait3A_53 = arith.constant 0 : i32
          %dma_wait3A_54 = arith.constant 0 : i32
          %dma_wait3A_55 = tpu.memref_slice %arg12[%dma_wait3A_53, %dma_wait3A_54] : memref<10000x64xf32, #tpu.memory_space<vmem_shared>> -> memref<10000x64xf32, #tpu.memory_space<vmem_shared>>
          tpu.wait_indirect_dma semaphore(%run_scoped3A : memref<!tpu.dma_semaphore, #tpu.memory_space<semaphore_mem>>) src(%arg11 : memref<128x64xf32, #tpu.memory_space<vmem>>) dst(%dma_wait3A_55 : memref<10000x64xf32, #tpu.memory_space<vmem_shared>>)
          tpu.yield
        }) : () -> ()
      } else {
      }
    }
    %scan3A_8 = arith.constant 79 : i32
    %barrier3A_9 = arith.constant 0 : index
    tpu.barrier barrier_id(%barrier3A_9)
    "tpu.region"() ({
      %run_scoped3A = tpu.sem_alloc : memref<!tpu.dma_semaphore, #tpu.memory_space<semaphore_mem>>
      %dma_start3A = arith.constant 0 : i32
      %dma_start3A_15 = tpu.memref_slice %arg7[%arg0, %mul3A_2, %dma_start3A] : memref<2x10000x64xf32, #tpu.memory_space<hbm>> -> memref<1x624x64xf32, #tpu.memory_space<hbm>>
      %dma_start3A_16 = tpu.memref_squeeze %dma_start3A_15 : memref<1x624x64xf32, #tpu.memory_space<hbm>> -> memref<624x64xf32, #tpu.memory_space<hbm>>
      %dma_start3A_17 = arith.constant 0 : i32
      %dma_start3A_18 = tpu.memref_slice %arg12[%mul3A_2, %dma_start3A_17] : memref<10000x64xf32, #tpu.memory_space<vmem_shared>> -> memref<624x64xf32, #tpu.memory_space<vmem_shared>>
      tpu.enqueue_dma source(%dma_start3A_18 : memref<624x64xf32, #tpu.memory_space<vmem_shared>>) target(%dma_start3A_16 : memref<624x64xf32, #tpu.memory_space<hbm>>) target_semaphore(%run_scoped3A : memref<!tpu.dma_semaphore, #tpu.memory_space<semaphore_mem>>)
      %dma_wait3A = arith.constant 0 : i32
      %dma_wait3A_19 = tpu.memref_slice %arg7[%arg0, %mul3A_2, %dma_wait3A] : memref<2x10000x64xf32, #tpu.memory_space<hbm>> -> memref<1x624x64xf32, #tpu.memory_space<hbm>>
      %dma_wait3A_20 = tpu.memref_squeeze %dma_wait3A_19 : memref<1x624x64xf32, #tpu.memory_space<hbm>> -> memref<624x64xf32, #tpu.memory_space<hbm>>
      %dma_wait3A_21 = arith.constant 0 : i32
      %dma_wait3A_22 = tpu.memref_slice %arg12[%mul3A_2, %dma_wait3A_21] : memref<10000x64xf32, #tpu.memory_space<vmem_shared>> -> memref<624x64xf32, #tpu.memory_space<vmem_shared>>
      tpu.wait_dma2 semaphore(%run_scoped3A : memref<!tpu.dma_semaphore, #tpu.memory_space<semaphore_mem>>) src(%dma_wait3A_22 : memref<624x64xf32, #tpu.memory_space<vmem_shared>>) dst(%dma_wait3A_20 : memref<624x64xf32, #tpu.memory_space<hbm>>)
      tpu.yield
    }) : () -> ()
    %eq3A_10 = arith.constant 15 : i32
    %eq3A_11 = arith.cmpi eq, %arg1, %eq3A_10 : i32
    %convert_element_type3A_12 = arith.extui %eq3A_11 : i1 to i32
    %cond3A_13 = arith.constant 0 : i32
    %cond3A_14 = arith.cmpi ne, %convert_element_type3A_12, %cond3A_13 : i32
    scf.if %cond3A_14 {
      "tpu.region"() ({
        %run_scoped3A = tpu.sem_alloc : memref<!tpu.dma_semaphore, #tpu.memory_space<semaphore_mem>>
        %dma_start3A = arith.constant 9984 : i32
        %dma_start3A_15 = arith.constant 0 : i32
        %dma_start3A_16 = tpu.memref_slice %arg7[%arg0, %dma_start3A, %dma_start3A_15] : memref<2x10000x64xf32, #tpu.memory_space<hbm>> -> memref<1x16x64xf32, #tpu.memory_space<hbm>>
        %dma_start3A_17 = tpu.memref_squeeze %dma_start3A_16 : memref<1x16x64xf32, #tpu.memory_space<hbm>> -> memref<16x64xf32, #tpu.memory_space<hbm>>
        %dma_start3A_18 = arith.constant 9984 : i32
        %dma_start3A_19 = arith.constant 0 : i32
        %dma_start3A_20 = tpu.memref_slice %arg12[%dma_start3A_18, %dma_start3A_19] : memref<10000x64xf32, #tpu.memory_space<vmem_shared>> -> memref<16x64xf32, #tpu.memory_space<vmem_shared>>
        tpu.enqueue_dma source(%dma_start3A_20 : memref<16x64xf32, #tpu.memory_space<vmem_shared>>) target(%dma_start3A_17 : memref<16x64xf32, #tpu.memory_space<hbm>>) target_semaphore(%run_scoped3A : memref<!tpu.dma_semaphore, #tpu.memory_space<semaphore_mem>>)
        %dma_wait3A = arith.constant 9984 : i32
        %dma_wait3A_21 = arith.constant 0 : i32
        %dma_wait3A_22 = tpu.memref_slice %arg7[%arg0, %dma_wait3A, %dma_wait3A_21] : memref<2x10000x64xf32, #tpu.memory_space<hbm>> -> memref<1x16x64xf32, #tpu.memory_space<hbm>>
        %dma_wait3A_23 = tpu.memref_squeeze %dma_wait3A_22 : memref<1x16x64xf32, #tpu.memory_space<hbm>> -> memref<16x64xf32, #tpu.memory_space<hbm>>
        %dma_wait3A_24 = arith.constant 9984 : i32
        %dma_wait3A_25 = arith.constant 0 : i32
        %dma_wait3A_26 = tpu.memref_slice %arg12[%dma_wait3A_24, %dma_wait3A_25] : memref<10000x64xf32, #tpu.memory_space<vmem_shared>> -> memref<16x64xf32, #tpu.memory_space<vmem_shared>>
        tpu.wait_dma2 semaphore(%run_scoped3A : memref<!tpu.dma_semaphore, #tpu.memory_space<semaphore_mem>>) src(%dma_wait3A_26 : memref<16x64xf32, #tpu.memory_space<vmem_shared>>) dst(%dma_wait3A_23 : memref<16x64xf32, #tpu.memory_space<hbm>>)
        tpu.yield
      }) : () -> ()
    } else {
    }
    return
  }
}

module attributes {stable_mosaic.version = 14 : i64} {
  func.func @body(%arg0: memref<10000x128xf32, #tpu.memory_space<vmem>>, %arg1: memref<128x128xf32, #tpu.memory_space<vmem>>, %arg2: memref<10000x128xf32, #tpu.memory_space<vmem>>) attributes {dimension_semantics = [], scalar_prefetch = 0 : i64, scratch_operands = 0 : i64, tpu.core_type = #tpu.core_type<tc>} {
    %get3A = arith.constant 0 : index
    %get3A_0 = arith.constant 0 : index
    %get3A_1 = vector.load %arg0[%get3A, %get3A_0] : memref<10000x128xf32, #tpu.memory_space<vmem>>, vector<10000x128xf32>
    %get3A_2 = arith.constant 0 : index
    %get3A_3 = arith.constant 0 : index
    %get3A_4 = vector.load %arg1[%get3A_2, %get3A_3] : memref<128x128xf32, #tpu.memory_space<vmem>>, vector<128x128xf32>
    %dot_general3A = arith.constant dense<0.000000e+00> : vector<10000x128xf32>
    %dot_general3A_5 = tpu.matmul %get3A_1, %get3A_4, %dot_general3A {dimension_numbers = #tpu.dot_dimension_numbers<[1], [0], [0], [1], [0, 0, 1, 1], [], []>, precision = #tpu.contract_precision<fp32>, transpose_lhs_hint = false} : vector<10000x128xf32>, vector<128x128xf32>, vector<10000x128xf32> -> vector<10000x128xf32>
    %swap3A = arith.constant 0 : index
    %swap3A_6 = arith.constant 0 : index
    %swap3A_7 = vector.load %arg2[%swap3A, %swap3A_6] : memref<10000x128xf32, #tpu.memory_space<vmem>>, vector<10000x128xf32>
    tpu.vector_store %arg2[%swap3A, %swap3A_6], %dot_general3A_5 {strides = array<i32>} : memref<10000x128xf32, #tpu.memory_space<vmem>>, vector<10000x128xf32>,
    return
  }
}

module attributes {stable_mosaic.version = 14 : i64} {
  func.func @body(%arg0: memref<2x10000x128xf32, #tpu.memory_space<vmem>>, %arg1: memref<1x128xf32, #tpu.memory_space<vmem>>, %arg2: memref<128x128xf32, #tpu.memory_space<vmem>>, %arg3: memref<10000x128xf32, #tpu.memory_space<vmem>>) attributes {dimension_semantics = [], scalar_prefetch = 0 : i64, scratch_operands = 0 : i64, tpu.core_type = #tpu.core_type<tc>} {
    %get3A = arith.constant 0 : index
    %get3A_0 = arith.constant 0 : index
    %get3A_1 = arith.constant 0 : index
    %get3A_2 = vector.load %arg0[%get3A, %get3A_0, %get3A_1] : memref<2x10000x128xf32, #tpu.memory_space<vmem>>, vector<1x10000x128xf32>
    %get3A_3 = vector.shape_cast %get3A_2 : vector<1x10000x128xf32> to vector<10000x128xf32>
    %get3A_4 = arith.constant 1 : index
    %get3A_5 = arith.constant 0 : index
    %get3A_6 = arith.constant 0 : index
    %get3A_7 = vector.load %arg0[%get3A_4, %get3A_5, %get3A_6] : memref<2x10000x128xf32, #tpu.memory_space<vmem>>, vector<1x10000x128xf32>
    %get3A_8 = vector.shape_cast %get3A_7 : vector<1x10000x128xf32> to vector<10000x128xf32>
    %add3A = arith.addf %get3A_3, %get3A_8 : vector<10000x128xf32>
    %get3A_9 = arith.constant 0 : index
    %get3A_10 = arith.constant 0 : index
    %get3A_11 = vector.load %arg1[%get3A_9, %get3A_10] : memref<1x128xf32, #tpu.memory_space<vmem>>, vector<1x128xf32>
    %add3A_12 = vector.broadcast %get3A_11 : vector<1x128xf32> to vector<10000x128xf32>
    %add3A_13 = arith.addf %add3A, %add3A_12 : vector<10000x128xf32>
    %max3A = arith.constant 0.000000e+00 : f32
    %max3A_14 = vector.broadcast %max3A : f32 to vector<10000x128xf32>
    %max3A_15 = arith.maximumf %add3A_13, %max3A_14 : vector<10000x128xf32>
    %get3A_16 = arith.constant 0 : index
    %get3A_17 = arith.constant 0 : index
    %get3A_18 = vector.load %arg2[%get3A_16, %get3A_17] : memref<128x128xf32, #tpu.memory_space<vmem>>, vector<128x128xf32>
    %dot_general3A = arith.constant dense<0.000000e+00> : vector<10000x128xf32>
    %dot_general3A_19 = tpu.matmul %max3A_15, %get3A_18, %dot_general3A {dimension_numbers = #tpu.dot_dimension_numbers<[1], [0], [0], [1], [0, 0, 1, 1], [], []>, precision = #tpu.contract_precision<fp32>, transpose_lhs_hint = false} : vector<10000x128xf32>, vector<128x128xf32>, vector<10000x128xf32> -> vector<10000x128xf32>
    %swap3A = arith.constant 0 : index
    %swap3A_20 = arith.constant 0 : index
    %swap3A_21 = vector.load %arg3[%swap3A, %swap3A_20] : memref<10000x128xf32, #tpu.memory_space<vmem>>, vector<10000x128xf32>
    tpu.vector_store %arg3[%swap3A, %swap3A_20], %dot_general3A_19 {strides = array<i32>} : memref<10000x128xf32, #tpu.memory_space<vmem>>, vector<10000x128xf32>,
    return
  }
}

module attributes {stable_mosaic.version = 14 : i64} {
  func.func @body(%arg0: memref<2x10000x128xf32, #tpu.memory_space<vmem>>, %arg1: memref<1x128xf32, #tpu.memory_space<vmem>>, %arg2: memref<128x64xf32, #tpu.memory_space<vmem>>, %arg3: memref<10000x64xf32, #tpu.memory_space<vmem>>) attributes {dimension_semantics = [], scalar_prefetch = 0 : i64, scratch_operands = 0 : i64, tpu.core_type = #tpu.core_type<tc>} {
    %get3A = arith.constant 0 : index
    %get3A_0 = arith.constant 0 : index
    %get3A_1 = arith.constant 0 : index
    %get3A_2 = vector.load %arg0[%get3A, %get3A_0, %get3A_1] : memref<2x10000x128xf32, #tpu.memory_space<vmem>>, vector<1x10000x128xf32>
    %get3A_3 = vector.shape_cast %get3A_2 : vector<1x10000x128xf32> to vector<10000x128xf32>
    %get3A_4 = arith.constant 1 : index
    %get3A_5 = arith.constant 0 : index
    %get3A_6 = arith.constant 0 : index
    %get3A_7 = vector.load %arg0[%get3A_4, %get3A_5, %get3A_6] : memref<2x10000x128xf32, #tpu.memory_space<vmem>>, vector<1x10000x128xf32>
    %get3A_8 = vector.shape_cast %get3A_7 : vector<1x10000x128xf32> to vector<10000x128xf32>
    %add3A = arith.addf %get3A_3, %get3A_8 : vector<10000x128xf32>
    %get3A_9 = arith.constant 0 : index
    %get3A_10 = arith.constant 0 : index
    %get3A_11 = vector.load %arg1[%get3A_9, %get3A_10] : memref<1x128xf32, #tpu.memory_space<vmem>>, vector<1x128xf32>
    %add3A_12 = vector.broadcast %get3A_11 : vector<1x128xf32> to vector<10000x128xf32>
    %add3A_13 = arith.addf %add3A, %add3A_12 : vector<10000x128xf32>
    %max3A = arith.constant 0.000000e+00 : f32
    %max3A_14 = vector.broadcast %max3A : f32 to vector<10000x128xf32>
    %max3A_15 = arith.maximumf %add3A_13, %max3A_14 : vector<10000x128xf32>
    %get3A_16 = arith.constant 0 : index
    %get3A_17 = arith.constant 0 : index
    %get3A_18 = vector.load %arg2[%get3A_16, %get3A_17] : memref<128x64xf32, #tpu.memory_space<vmem>>, vector<128x64xf32>
    %dot_general3A = arith.constant dense<0.000000e+00> : vector<10000x64xf32>
    %dot_general3A_19 = tpu.matmul %max3A_15, %get3A_18, %dot_general3A {dimension_numbers = #tpu.dot_dimension_numbers<[1], [0], [0], [1], [0, 0, 1, 1], [], []>, precision = #tpu.contract_precision<fp32>, transpose_lhs_hint = false} : vector<10000x128xf32>, vector<128x64xf32>, vector<10000x64xf32> -> vector<10000x64xf32>
    %swap3A = arith.constant 0 : index
    %swap3A_20 = arith.constant 0 : index
    %swap3A_21 = vector.load %arg3[%swap3A, %swap3A_20] : memref<10000x64xf32, #tpu.memory_space<vmem>>, vector<10000x64xf32>
    tpu.vector_store %arg3[%swap3A, %swap3A_20], %dot_general3A_19 {strides = array<i32>} : memref<10000x64xf32, #tpu.memory_space<vmem>>, vector<10000x64xf32>,
    return
  }
}

module attributes {stable_mosaic.version = 14 : i64} {
  func.func @body(%arg0: memref<2x10000x64xf32, #tpu.memory_space<vmem>>, %arg1: memref<1x64xf32, #tpu.memory_space<vmem>>, %arg2: memref<10000x1xi32, #tpu.memory_space<vmem>>, %arg3: memref<64x10xf32, #tpu.memory_space<vmem>>, %arg4: memref<1x10xf32, #tpu.memory_space<vmem>>, %arg5: memref<64x10xf32, #tpu.memory_space<vmem>>) attributes {dimension_semantics = [], scalar_prefetch = 0 : i64, scratch_operands = 0 : i64, tpu.core_type = #tpu.core_type<tc>} {
    %get3A = arith.constant 0 : index
    %get3A_0 = arith.constant 0 : index
    %get3A_1 = arith.constant 0 : index
    %get3A_2 = vector.load %arg0[%get3A, %get3A_0, %get3A_1] : memref<2x10000x64xf32, #tpu.memory_space<vmem>>, vector<1x10000x64xf32>
    %get3A_3 = vector.shape_cast %get3A_2 : vector<1x10000x64xf32> to vector<10000x64xf32>
    %get3A_4 = arith.constant 1 : index
    %get3A_5 = arith.constant 0 : index
    %get3A_6 = arith.constant 0 : index
    %get3A_7 = vector.load %arg0[%get3A_4, %get3A_5, %get3A_6] : memref<2x10000x64xf32, #tpu.memory_space<vmem>>, vector<1x10000x64xf32>
    %get3A_8 = vector.shape_cast %get3A_7 : vector<1x10000x64xf32> to vector<10000x64xf32>
    %add3A = arith.addf %get3A_3, %get3A_8 : vector<10000x64xf32>
    %get3A_9 = arith.constant 0 : index
    %get3A_10 = arith.constant 0 : index
    %get3A_11 = vector.load %arg1[%get3A_9, %get3A_10] : memref<1x64xf32, #tpu.memory_space<vmem>>, vector<1x64xf32>
    %add3A_12 = vector.broadcast %get3A_11 : vector<1x64xf32> to vector<10000x64xf32>
    %add3A_13 = arith.addf %add3A, %add3A_12 : vector<10000x64xf32>
    %iota3A = tpu.iota {dimensions = array<i32: 1>} : vector<10000x64xi32>
    %get3A_14 = arith.constant 0 : index
    %get3A_15 = arith.constant 0 : index
    %get3A_16 = vector.load %arg2[%get3A_14, %get3A_15] : memref<10000x1xi32, #tpu.memory_space<vmem>>, vector<10000x1xi32>
    %eq3A = vector.broadcast %get3A_16 : vector<10000x1xi32> to vector<10000x64xi32>
    %eq3A_17 = arith.cmpi eq, %eq3A, %iota3A : vector<10000x64xi32>
    %convert_element_type3A = arith.extui %eq3A_17 : vector<10000x64xi1> to vector<10000x64xi32>
    %convert_element_type3A_18 = arith.sitofp %convert_element_type3A : vector<10000x64xi32> to vector<10000x64xf32>
    %dot_general3A = arith.constant dense<0.000000e+00> : vector<64x64xf32>
    %dot_general3A_19 = tpu.matmul %convert_element_type3A_18, %add3A_13, %dot_general3A {dimension_numbers = #tpu.dot_dimension_numbers<[0], [0], [1], [1], [0, 1, 1, 1], [], []>, precision = #tpu.contract_precision<fp32>, transpose_lhs_hint = false} : vector<10000x64xf32>, vector<10000x64xf32>, vector<64x64xf32> -> vector<64x64xf32>
    %broadcast_in_dim3A = arith.constant 1.000000e+00 : f32
    %broadcast_in_dim3A_20 = vector.broadcast %broadcast_in_dim3A : f32 to vector<10000x1xf32>
    %dot_general3A_21 = arith.constant dense<0.000000e+00> : vector<64x1xf32>
    %dot_general3A_22 = tpu.matmul %convert_element_type3A_18, %broadcast_in_dim3A_20, %dot_general3A_21 {dimension_numbers = #tpu.dot_dimension_numbers<[0], [0], [1], [1], [0, 1, 1, 1], [], []>, precision = #tpu.contract_precision<fp32>, transpose_lhs_hint = false} : vector<10000x64xf32>, vector<10000x1xf32>, vector<64x1xf32> -> vector<64x1xf32>
    %max3A = arith.constant 1.000000e+00 : f32
    %max3A_23 = vector.broadcast %max3A : f32 to vector<64x1xf32>
    %max3A_24 = arith.maximumf %dot_general3A_22, %max3A_23 : vector<64x1xf32>
    %div3A = vector.broadcast %max3A_24 : vector<64x1xf32> to vector<64x64xf32>
    %div3A_25 = arith.divf %dot_general3A_19, %div3A : vector<64x64xf32>
    %get3A_26 = arith.constant 0 : index
    %get3A_27 = arith.constant 0 : index
    %get3A_28 = vector.load %arg3[%get3A_26, %get3A_27] : memref<64x10xf32, #tpu.memory_space<vmem>>, vector<64x10xf32>
    %dot_general3A_29 = arith.constant dense<0.000000e+00> : vector<64x10xf32>
    %dot_general3A_30 = tpu.matmul %div3A_25, %get3A_28, %dot_general3A_29 {dimension_numbers = #tpu.dot_dimension_numbers<[1], [0], [0], [1], [0, 0, 1, 1], [], []>, precision = #tpu.contract_precision<fp32>, transpose_lhs_hint = false} : vector<64x64xf32>, vector<64x10xf32>, vector<64x10xf32> -> vector<64x10xf32>
    %get3A_31 = arith.constant 0 : index
    %get3A_32 = arith.constant 0 : index
    %get3A_33 = vector.load %arg4[%get3A_31, %get3A_32] : memref<1x10xf32, #tpu.memory_space<vmem>>, vector<1x10xf32>
    %add3A_34 = vector.broadcast %get3A_33 : vector<1x10xf32> to vector<64x10xf32>
    %add3A_35 = arith.addf %dot_general3A_30, %add3A_34 : vector<64x10xf32>
    %swap3A = arith.constant 0 : index
    %swap3A_36 = arith.constant 0 : index
    %swap3A_37 = vector.load %arg5[%swap3A, %swap3A_36] : memref<64x10xf32, #tpu.memory_space<vmem>>, vector<64x10xf32>
    tpu.vector_store %arg5[%swap3A, %swap3A_36], %add3A_35 {strides = array<i32>} : memref<64x10xf32, #tpu.memory_space<vmem>>, vector<64x10xf32>,
    return
  }
}

</mosaic_0001>

<sc_bundles>
// kernel: kernel.12.cloned.1.call-start
scs
__scs_entry_jumppad:
0x0: {  	(pc) =	sbr.rel $0x88, $3  }
0x1: {  	(tag) =	ssettag $0x0;
	lr =	simm.s32 $0x1  }
0x2: {  	[smem:$0x3F95] =	sst lr;
	_ =	strace $0xD0000000  }
0x3: {  	_ = 	snop  }
0x4: {  	_ = 	snop  }
0x5: {  	_ = 	snop  }
0x6: {  	_ = 	snop  }
0x7: {  	_ = 	snop  }
__scs_overlays_trampoline_lowered:
0x8: {  	[smem:$0x3FA4] =	sst s0  }
0x9: {  	[smem:$0x3FA5] =	sst s1  }
0xa: {  	[smem:$0x3FA6] =	sst s2  }
0xb: {  	[smem:$0x3FA7] =	sst s3  }
0xc: {  	[smem:$0x3FA8] =	sst s4  }
0xd: {  	[smem:$0x3FA9] =	sst s5  }
0xe: {  	[smem:$0x3FAA] =	sst s6  }
0xf: {  	[smem:$0x3FAB] =	sst s7  }
0x10: {  	[smem:$0x3FAC] =	sst s8  }
0x11: {  	[smem:$0x3FAD] =	sst s9;
	s0 =	simm.s32 @!p0 $0x0  }
0x12: {  	s1 =	sld [smem:$0x3F93];
	s0 =	simm.s32 @p0 $0x1  }
0x13: {  	[smem:$0x3FAE] =	sst s0;
	s0 =	simm.s32 @!p1 $0x0  }
0x14: {  	s2 =	sld [smem:$0x3F92];
	s0 =	simm.s32 @p1 $0x1  }
0x15: {  	[smem:$0x3FAF] =	sst s0;
	s0 =	simm.s32 @!p2 $0x0  }
0x16: {  	s3 =	sld [smem:$0x3FDB];
	s0 =	simm.s32 @p2 $0x1  }
0x17: {  	s4 =	simm.s32 $0x1BF5;
	[smem:$0x3FB1] =	sst s0  }
0x18: {  	s0 =	sld [smem:$0x3F94];
	_ =	swait.ge [sflag:s4], $0x0  }
0x19: {  	s7 =	sld [smem:$0x3F95]  }
0x1a: {  	s8 =	sadd.s32 $0xFFFFE003, lr  }
0x1b: {  	s9 =	sadd.s32 $0xFFFFFEF7, lr;
	s5 =	simm.s32 $0xFFFFFFFF;
	p2 =	slt.u32 s8, $0xFFFFF086  }
0x1c: {  	p1 =	slt.u32 s9, $0xF7A;
	s5 =	simm.s32 @!p2 $0x0  }
0x1d: {  	s5 =	simm.s32 @p1 $0x1;
	p0 =	seq.s32 s7, s2  }
0x1e: {  	s7 =	smul.u32 @!p0 $0xF7A, s2;
	p2 =	seq.s32 @!p0 s5, $0x0  }
0x1f: {  	s9 =	smul.u32 $0xF7A, s1;
	s8 =	simm.s32 @!p0 $0x1BF5;
	p2 =	por !p2, p0  }
0x20: {  	[sflag:s8] =	ssyncset.s32 @!p0 $0xFFFFF086;
	s6 =	sadd.s32 @!p0 s3, s7;
	s7 =	simm.s32 @!p0 $0x108  }
0x21: {  	s3 =	sadd.s32 s3, s9;
	s6 =	sadd.s32 @!p0 $0x88, s6;
	s7 =	simm.s32 @p2 $0x1082  }
0x22: {  	[simem:s7], [sflag:s8] =	dma.local @!p0 [hbm:s6], $0xF7A  }
0x23: {  	s9 =	sor.u32 $0xD0000000, s2;
	s6 =	simm.s32 $0x108;
	_ =	swait.ge @!p0 [sflag:s8], $0x0  }
0x24: {  	s3 =	sadd.s32 $0x88, s3;
	s6 =	simm.s32 @!p1 $0x1082;
	[sflag:s4] =	ssyncset.s32 $0xFFFFF086  }
0x25: {  	[simem:s6], [sflag:s4] =	dma.local [hbm:s3], $0xF7A  }
0x26: {  	[smem:$0x3F95] =	sst s1;
	(tag) =	ssettag s2;
	_ =	strace s9  }
0x27: {  	s1 =	sld [smem:$0x3FA5]  }
0x28: {  	s2 =	sld [smem:$0x3FA6]  }
0x29: {  	s4 =	sld [smem:$0x3FA8]  }
0x2a: {  	p0 =	seq.s32 s5, $0x0;
	s5 =	sld [smem:$0x3FA9]  }
0x2b: {  	s6 =	sld [smem:$0x3FAA]  }
0x2c: {  	s7 =	sld [smem:$0x3FAB]  }
0x2d: {  	s3 =	simm.s32 $0x108;
	s8 =	sld [smem:$0x3FAC]  }
0x2e: {  	s3 =	simm.s32 @!p0 $0x1082;
	s9 =	sld [smem:$0x3FAD]  }
0x2f: {  	lr =	sadd.s32 s0, s3;
	s0 =	sld [smem:$0x3FA4]  }
0x30: {  	s3 =	sld [smem:$0x3FA7]  }
0x31: {  	[smem:$0x3FB0] =	sst s10  }
0x32: {  	s10 =	sld [smem:$0x3FAE];
	_ =	sdelay $0x3  }
0x33: {  	p0 =	seq.s32 s10, $0x1;
	s10 =	sld [smem:$0x3FB0];
	_ =	sdelay $0x3  }
0x34: {  	[smem:$0x3FB0] =	sst s10  }
0x35: {  	s10 =	sld [smem:$0x3FAF];
	_ =	sdelay $0x3  }
0x36: {  	p1 =	seq.s32 s10, $0x1;
	s10 =	sld [smem:$0x3FB0];
	_ =	sdelay $0x3  }
0x37: {  	[smem:$0x3FB0] =	sst s10  }
0x38: {  	s10 =	sld [smem:$0x3FB1]  }
0x39: {  	_ = 	snop;
	(pc) =	sbr.ind lr, $3  }
0x3a: {  	_ = 	snop  }
0x3b: {  	_ = 	snop  }
0x3c: {  	p2 =	seq.s32 s10, $0x1;
	s10 =	sld [smem:$0x3FB0]  }
0x3d: {  	_ =	shalt  }
0x3e: {  	_ =	shalt  }
0x3f: {  	_ =	shalt  }
0x40: {  	_ =	shalt  }
0x41: {  	_ =	shalt  }
0x42: {  	_ =	shalt  }
0x43: {  	_ =	shalt  }
0x44: {  	_ =	shalt  }
0x45: {  	_ =	shalt  }
0x46: {  	_ =	shalt  }
0x47: {  	_ =	shalt  }
0x48: {  	_ =	shalt  }
0x49: {  	_ =	shalt  }
0x4a: {  	_ =	shalt  }
0x4b: {  	_ =	shalt  }
0x4c: {  	_ =	shalt  }
0x4d: {  	_ =	shalt  }
0x4e: {  	_ =	shalt  }
0x4f: {  	_ =	shalt  }
0x50: {  	_ =	shalt  }
0x51: {  	_ =	shalt  }
0x52: {  	_ =	shalt  }
0x53: {  	_ =	shalt  }
0x54: {  	_ =	shalt  }
0x55: {  	_ =	shalt  }
0x56: {  	_ =	shalt  }
0x57: {  	_ =	shalt  }
0x58: {  	_ =	shalt  }
0x59: {  	_ =	shalt  }
0x5a: {  	_ =	shalt  }
0x5b: {  	_ =	shalt  }
0x5c: {  	_ =	shalt  }
0x5d: {  	_ =	shalt  }
0x5e: {  	_ =	shalt  }
0x5f: {  	_ =	shalt  }
0x60: {  	_ =	shalt  }
0x61: {  	_ =	shalt  }
0x62: {  	_ =	shalt  }
0x63: {  	_ =	shalt  }
0x64: {  	_ =	shalt  }
0x65: {  	_ =	shalt  }
0x66: {  	_ =	shalt  }
0x67: {  	_ =	shalt  }
0x68: {  	_ =	shalt  }
0x69: {  	_ =	shalt  }
0x6a: {  	_ =	shalt  }
0x6b: {  	_ =	shalt  }
0x6c: {  	_ =	shalt  }
0x6d: {  	_ =	shalt  }
0x6e: {  	_ =	shalt  }
0x6f: {  	_ =	shalt  }
0x70: {  	_ =	shalt  }
0x71: {  	_ =	shalt  }
0x72: {  	_ =	shalt  }
0x73: {  	_ =	shalt  }
0x74: {  	_ =	shalt  }
0x75: {  	_ =	shalt  }
0x76: {  	_ =	shalt  }
0x77: {  	_ =	shalt  }
0x78: {  	_ =	shalt  }
0x79: {  	_ =	shalt  }
0x7a: {  	_ =	shalt  }
0x7b: {  	_ =	shalt  }
0x7c: {  	_ =	shalt  }
0x7d: {  	_ =	shalt  }
0x7e: {  	_ =	shalt  }
0x7f: {  	_ =	shalt  }
0x80: {  	_ =	shalt  }
0x81: {  	_ =	shalt  }
0x82: {  	_ =	shalt  }
0x83: {  	_ =	shalt  }
0x84: {  	_ =	shalt  }
0x85: {  	_ =	shalt  }
0x86: {  	_ =	shalt  }
0x87: {  	_ =	shalt  }
.Lfunc_end0:
.L_simem_size_0:
called_computation.1_lowered:
.L_overlay_start_0:
0x88: {  	s2 =	sld [smem:$0x3FD9]  }
0x89: {  	s3 =	sld [smem:$0x3FFE];
	_ =	sdelay $0x1  }
0x8a: {  	s1 =	srdreg.scid  }
0x8b: {  	s0 =	sand.u32 $0x1, s1  }
0x8c: {  	s17 =	sshll.u32 s0, $0xA;
	s2 =	sadd.s32 s3, s2  }
0x8d: {  	s2 =	sadd.s32 s2, s17  }
0x8e: {  	[smem:$0x3FBC] =	sst s2  }
0x8f: {  	_ = 	snop  }
0x90: {  	s2 =	sld [smem:$0x3FC6];
	(tm) =	ssettm $0x1  }
0x91: {  	s18 =	sld [smem:$0x3FFB];
	_ =	sdelay $0x3  }
0x92: {  	_ =	strace s18  }
0x93: {  	s3 =	sld [smem:$0x3FFC];
	_ =	sdelay $0x3  }
0x94: {  	_ =	strace s3  }
0x95: {  	s3 =	sld [smem:$0x3FFD];
	_ =	sdelay $0x3  }
0x96: {  	_ =	strace s3  }
0x97: {  	_ =	strace $0x8FFFFFFF  }
0x98: {  	s19 =	sld [smem:$0x3FDB];
	_ =	sdelay $0x1  }
0x99: {  	s4 =	simm.s32 $_scs_section_size  }
0x9a: {  	s5 =	simm.s32 $_size__tile_overlayer_lowered;
	s6 =	simm.s32 $_tile_overlayer_lowered  }
0x9b: {  	s22 =	simm.s32 $0x1BFF;
	s21 =	sshll.u32 s6, $0x1;
	s3 =	sadd.s32 s4, s19  }
0x9c: {  	s7 =	simm.s32 $0x0;
	s20 =	sshll.u32 s5, $0x1;
	s5 =	sadd.s32 s21, s3  }
0x9d: {  	[timem:s7], [sflag:s22] =	dma.local [hbm:s5], s20  }
0x9e: {  	_ =	swait.ge [sflag:s22], s20  }
0x9f: {  	s4 =	ssub.s32 $0x0, s20;
	[sflag:s22] =	ssyncset.done $0x0  }
0xa0: {  	[sflag:s22] =	ssyncadd.s32 s4;
	_ =	sdelay $0x1  }
0xa1: {  	s23 =	simm.s32 $0x1B8B  }
0xa2: {  	_ =	swait.ge [sflag:s23], $0x1  }
0xa3: {  	[sflag:s23] =	ssyncset.done $0x0  }
0xa4: {  	s25 =	simm.s32 $0x1B8E;
	s24 =	sld [smem:$0x3FFE];
	[sflag:s23] =	ssyncadd.s32 $0xFFFFFFFF  }
0xa5: {  	s26 =	simm.s32 $execute0_lowered;
	[smem:$0x3FD2] =	sst s25  }
0xa6: {  	s5 =	sshll.u32 s26, $0x1;
	_ =	strace $0x80000049;
	[dreg:$0x1] =	wrdreg $0xFFFFFFFF  }
0xa7: {  	s28 =	simm.s32 $_size_execute0_lowered;
	s3 =	sadd.s32 s3, s5;
	[dreg:$0x0] =	wrdreg $0x0  }
0xa8: {  	s5 =	sshll.u32 s28, $0x1;
	[dreg:$0x2] =	wrdreg s3  }
0xa9: {  	[dreg:$0x3] =	wrdreg s5  }
0xaa: {  	[dreg:$0x4] =	wrdreg $0xC0  }
0xab: {  	_ =	task [dreg:s7], $0x5FFFF  }
0xac: {  	[dreg:$0x1] =	wrdreg $0xFFFFFFFF  }
0xad: {  	[dreg:$0x0] =	wrdreg $0x60  }
0xae: {  	[dreg:$0x2] =	wrdreg s24  }
0xaf: {  	[dreg:$0x3] =	wrdreg s2  }
0xb0: {  	[dreg:$0x4] =	wrdreg $0x41800  }
0xb1: {  	[dreg:$0x5] =	wrdreg $0x9  }
0xb2: {  	_ =	task.clear_ibuf [dreg:s7], $0x6FFFF;
	_ =	strace $0x90000049  }
0xb3: {  	s29 =	simm.s32 $0x9;
	_ =	strace $0x8000004B  }
0xb4: {  	_ =	swait.ge [sflag:s29], $0x1  }
0xb5: {  	[sflag:s29] =	ssyncadd.s32 $0xFFFFFFFF  }
0xb6: {  	_ =	strace $0x9000004B  }
0xb7: {  	_ =	sfence  }
0xb8: {  	s30 =	sld [smem:$0x0];
	_ =	sdelay $0x2  }
0xb9: {  	s31 =	sshll.u32 s1, $0xD;
	s1 =	sshrl.u32 s1, $0x2  }
0xba: {  	s3 =	sand.u32 $0x4000, s31;
	s1 =	sadd.s32 s1, s30  }
0xbb: {  	s0 =	sor.u32 s3, s0;
	s1 =	sshll.u32 s1, $0x11  }
0xbc: {  	s0 =	sor.u32 s1, s0  }
0xbd: {  	s0 =	sadd.s32 $0x8F2B, s0  }
0xbe: {  	[sflag:s0] =	ssyncadd.remote.s32 $0x1  }
0xbf: {  	_ =	sfence.sel $0xFFFF  }
0xc0: {  	[dreg:$0x0] =	wrdreg $0xFFFFFFFF;
	(pc) =	sbr.abs _section_cstart, $3  }
0xc1: {  	[dreg:$0x1] =	wrdreg $0xFFFFFFFF  }
0xc2: {  	_ =	task.clear_ibuf [dreg:s7], $0x2FFFF;
	_ =	strace $0x9FFFFFFF  }
0xc3: {  	(tm) =	ssettm $0x7FFFFFFF  }
tec
execute0_lowered:
.L_overlay_start_1:
0x0: {  	(tag) =	ssettag $0x1  }
0x1: {  	s12 =	rddreg [dreg:$0x0]  }
0x2: {  	s1 =	rddreg [dreg:$0x1]  }
0x3: {  	s2 =	rddreg [dreg:$0x2];
	s4 =	simm.s32 $0x0;
	s3 =	stileid.u32  }
0x4: {  	s8 =	srdreg.scid;
	s20 =	simm.s32 $0x100;
	s21 =	simm.s32 $0x2  }
0x5: {  	s22 =	simm.s32 $0x180;
	s23 =	simm.s32 $0x3;
	s24 =	simm.s32 $0x1  }
0x6: {  	[smem:$0x7FF] =	sst s4;
	s5 =	sadd.s32 $0x15C00, s12;
	s13 =	smul.u32 $0x13800, s3  }
0x7: {  	s6 =	sadd.s32 $0xBE00, s12;
	s7 =	sadd.s32 $0x2000, s12;
	s8 =	sand.u32 $0x1, s8  }
0x8: {  	s11 =	smul.u32 $0x4E000, s3;
	s15 =	sadd.s32 $0x64000, s12;
	s30 =	sshll.u32 s3, $0x6  }
0x9: {  	s19 =	sadd.s32 $0x138000, s2;
	p0 =	sne.s32 s3, $0xF;
	_ =	strace $0x8000004A  }
0xa: {  	s10 =	ssub.s32 $0x2, s8;
	s17 =	smul.u32 $0x138800, s8;
	s9 =	sshrl.u32 s13, $0x3  }
0xb: {  	s28 =	sshrl.u32 s10, $0x1;
	s29 =	sshrl.u32 s11, $0x2;
	s11 =	sor.u32 $0x1C04, s30  }
0xc: {  	s14 =	sadd.s32 s9, s12;
	s16 =	ssub.s32 s10, s28;
	s9 =	sshll.u32 s3, $0x1  }
.Ltmp0:
0xd: {  	s18 =	sadd.s32 s29, s2;
	s13 =	sadd.s32 s13, s17;
	(pc) =	sbr.rel .LBB2_1-.Ltmp0, $4  }
0xe: {  	s31 =	sshrl.u32 s17, $0x3;
	s12 =	sadd.s32 $0x63E00, s12;
	s17 =	simm.s32 $0x4  }
0xf: {  	s10 =	sadd.s32 $0x3CE00, s14;
	s13 =	sshrl.u32 s13, $0x3;
	s14 =	sadd.s32 s15, s31  }
0x10: {  	s13 =	sadd.s32 s15, s13;
	s14 =	sadd.s32 $0x27000, s14;
	s15 =	smax.u32 s16, $0x1  }
0x11: {  	s16 =	sshrl.u32 s18, $0x3;
	s18 =	sshrl.u32 @!p0 s19, $0x3;
	s19 =	simm.s32 $0x80  }
.LBB2_7:
0x12: {  	[bflag:$0x0] =	sbarrier.arrive $0xFFFF  }
0x13: {  	[hbm:s13], [sflag:s11] =	dma.local [spmem:s16], $0x2700  }
0x14: {  	s4 =	sadd.s32 $0x1, s4;
	_ =	swait.ge [sflag:s17], $0x2700  }
0x15: {  	p1 =	sne.s32 s4, s15;
	[sflag:s17] =	ssyncset.done $0x0  }
.Ltmp1:
0x16: {  	s0 =	simm.s32 @!p0 $0x4;
	[sflag:s17] =	ssyncadd.s32 $0xFFFFD900;
	(pc) =	sbr.rel @!p1 .LBB2_8-.Ltmp1, $4  }
0x17: {  	[hbm:s14], [sflag:s11] =	dma.local @!p0 [spmem:s18], $0x100  }
0x18: {  	_ =	swait.ge @!p0 [sflag:s0], $0x100  }
0x19: {  	[sflag:s0] =	ssyncset.done @!p0 $0x0  }
0x1a: {  	[sflag:s0] =	ssyncadd.s32 @!p0 $0xFFFFFF00  }
.LBB2_1:
0x1b: {  	[spmem:s16], [sflag:s11] =	dma.local [hbm:s10], $0x2700  }
0x1c: {  	_ =	swait.ge [sflag:s17], $0x2700  }
0x1d: {  	[sflag:s17] =	ssyncset.done $0x0  }
0x1e: {  	s25 =	simm.s32 @!p0 $0x4;
	[sflag:s17] =	ssyncadd.s32 $0xFFFFD900  }
0x1f: {  	[spmem:s18], [sflag:s11] =	dma.local @!p0 [hbm:s12], $0x100  }
.Ltmp2:
0x20: {  	_ =	swait.ge @!p0 [sflag:s25], $0x100;
	(pc) =	sbr.rel .LBB2_2-.Ltmp2, $4  }
0x21: {  	[sflag:s25] =	ssyncset.done @!p0 $0x0  }
0x22: {  	[sflag:s25] =	ssyncadd.s32 @!p0 $0xFFFFFF00  }
0x23: {  	[bflag:$0x0] =	sbarrier.arrive $0xFFFF  }
0x24: {  	s25 =	simm.s32 $0x0  }
.LBB2_6:
0x25: {  	s25 =	sadd.s32 $0x1, s25  }
0x26: {  	p1 =	sne.s32 s25, $0x4F  }
.Ltmp3:
0x27: {  	_ = 	snop;
	(pc) =	sbr.rel @!p1 .LBB2_7-.Ltmp3, $1  }
0x28: {  	_ =	sdelay $0x3  }
.LBB2_2:
0x29: {  	s26 =	sshll.u32 s25, $0x5  }
0x2a: {  	s26 =	sor.u32 s9, s26  }
0x2b: {  	p1 =	sgt.u32 s26, $0x9C3  }
.Ltmp4:
0x2c: {  	_ = 	snop;
	(pc) =	sbr.rel @p1 .LBB2_6-.Ltmp4, $1  }
0x2d: {  	_ =	sdelay $0x3  }
0x2e: {  	s26 =	sor.u32 s8, s26  }
0x2f: {  	s26 =	sshll.u32 s26, $0x4  }
0x30: {  	s28 =	simm.s32 $0x0;
	s29 =	sadd.s32 s6, s26  }
0x31: {  	[tilespmem:s28], [sflag:$0x2] =	stream.linear.gather [hbm4b:s29+s28], $0x80, $0x38;
	[tilespmem:$0x17A00] =	vst v63  }
0x32: {  	s29 =	sadd.s32 s7, s26  }
0x33: {  	[tilespmem:s19], [sflag:$0x3] =	stream.linear.gather [hbm4b:s29+s28], $0x80, $0x38;
	[tilespmem:$0x17A00] =	vst v63  }
0x34: {  	s26 =	sadd.s32 s1, s26  }
0x35: {  	[tilespmem:s20], [sflag:$0x3] =	stream.linear.gather [hbm4b:s26+s28], $0x80, $0x38;
	[tilespmem:$0x17A00] =	vst v63  }
0x36: {  	_ =	swait.ge [sflag:s21], $0x80  }
0x37: {  	[sflag:s21] =	ssyncset.done $0x0  }
0x38: {  	[sflag:s21] =	ssyncadd.s32 $0xFFFFFF80  }
0x39: {  	[tilespmem:s22], [sflag:$0x1] =	stream.indirect.gather [hbm4b:s5+s19], $0x80, s28, s19, $0xb8;
	[tilespmem:$0x17A00] =	vst v63  }
0x3a: {  	_ =	swait.ge [sflag:s23], $0x80  }
0x3b: {  	[sflag:s23] =	ssyncset.done $0x0  }
0x3c: {  	v0 =	vmov s28;
	[sflag:s23] =	ssyncadd.s32 $0xFFFFFF80  }
0x3d: {  	v0 =	vand.u32 $0xFFFFFFFC, v0;
	_ =	swait.ge [sflag:s23], $0x80  }
0x3e: {  	v0 =	vbroadcast v0, $0x0;
	[sflag:s23] =	ssyncset.done $0x0  }
0x3f: {  	[sflag:s23] =	ssyncadd.s32 $0xFFFFFF80  }
0x40: {  	_ =	swait.ge [sflag:s24], $0x4000  }
0x41: {  	[sflag:s24] =	ssyncset.done $0x0  }
0x42: {  	s26 =	simm.s32 $0x280;
	[sflag:s24] =	ssyncadd.s32 $0xFFFFC000  }
0x43: {  	v1 =	vld [tilespmem:s26+$0xFFFFFF70]  }
0x44: {  	v0 =	vld.idx.msk [tilespmem:v0+s20+$0x0], $0xffff  }
0x45: {  	v2 =	vld [tilespmem:s26+$0xFFFFFF00]  }
0x46: {  	v3 =	vld [tilespmem:s26+$0xFFFFFF20]  }
0x47: {  	v4 =	vld [tilespmem:s26+$0xFFFFFF50]  }
0x48: {  	v5 =	vld [tilespmem:s26+$0xFFFFFF40]  }
0x49: {  	v6 =	vld [tilespmem:s26+$0xFFFFFF60];
	v1 =	vmul.f32 v1, v0  }
0x4a: {  	s29 =	simm.s32 $0x1;
	v7 =	vld [tilespmem:s26+$0xFFFFFF30];
	v2 =	vmul.f32 v2, v0  }
0x4b: {  	v8 =	vld [tilespmem:s26+$0xFFFFFF10];
	v3 =	vmul.f32 v3, v0;
	[tilespmem:s26+$0xFFFFFF70] =	vst v1;
	v1 =	vmov s29  }
0x4c: {  	v4 =	vmul.f32 v4, v0;
	[tilespmem:s26+$0xFFFFFF00] =	vst v2;
	v1 =	vand.u32 $0xFFFFFFFD, v1  }
0x4d: {  	v2 =	vmul.f32 v5, v0;
	[tilespmem:s26+$0xFFFFFF20] =	vst v3;
	v1 =	vbroadcast v1, $0x0  }
0x4e: {  	v3 =	vmul.f32 v6, v0;
	[tilespmem:s26+$0xFFFFFF50] =	vst v4  }
0x4f: {  	v4 =	vmul.f32 v7, v0;
	[tilespmem:s26+$0xFFFFFF40] =	vst v2  }
0x50: {  	v0 =	vmul.f32 v8, v0;
	[tilespmem:s26+$0xFFFFFF60] =	vst v3  }
0x51: {  	[tilespmem:s26+$0xFFFFFF30] =	vst v4  }
0x52: {  	[tilespmem:s26+$0xFFFFFF10] =	vst v0;
	v0 =	vld [tilespmem:s26+$0xFFFFFF90]  }
0x53: {  	v2 =	vld.idx.msk [tilespmem:v1+s20+$0x0], $0xffff  }
0x54: {  	v1 =	vld [tilespmem:s26+$0xFFFFFFA0]  }
0x55: {  	v3 =	vld [tilespmem:s26+$0xFFFFFF80]  }
0x56: {  	v4 =	vld [tilespmem:s26+$0xFFFFFFB0]  }
0x57: {  	v5 =	vld [tilespmem:s26+$0xFFFFFFC0]  }
0x58: {  	v6 =	vld [tilespmem:s26+$0xFFFFFFD0];
	v0 =	vmul.f32 v0, v2  }
0x59: {  	v7 =	vld [tilespmem:s26+$0xFFFFFFF0];
	s29 =	simm.s32 $0x2;
	v1 =	vmul.f32 v1, v2  }
0x5a: {  	v8 =	vld [tilespmem:s26+$0xFFFFFFE0];
	v3 =	vmul.f32 v3, v2;
	[tilespmem:s26+$0xFFFFFF90] =	vst v0;
	v0 =	vmov s29  }
0x5b: {  	v4 =	vmul.f32 v4, v2;
	[tilespmem:s26+$0xFFFFFFA0] =	vst v1;
	v0 =	vand.u32 $0xFFFFFFFE, v0  }
0x5c: {  	v1 =	vmul.f32 v5, v2;
	[tilespmem:s26+$0xFFFFFF80] =	vst v3;
	v5 =	vld [tilespmem:s26+$0x60];
	v9 =	vbroadcast v0, $0x0  }
0x5d: {  	v3 =	vmul.f32 v6, v2;
	[tilespmem:s26+$0xFFFFFFB0] =	vst v4;
	v6 =	vld [tilespmem:s26+$0x0]  }
0x5e: {  	v4 =	vmul.f32 v7, v2;
	v0 =	vld [tilespmem:s26+$0x20];
	[tilespmem:s26+$0xFFFFFFC0] =	vst v1  }
0x5f: {  	v2 =	vmul.f32 v8, v2;
	v1 =	vld [tilespmem:s26+$0x30];
	[tilespmem:s26+$0xFFFFFFD0] =	vst v3  }
0x60: {  	[tilespmem:s26+$0xFFFFFFF0] =	vst v4;
	v3 =	vld [tilespmem:s26+$0x40]  }
0x61: {  	[tilespmem:s26+$0xFFFFFFE0] =	vst v2;
	v4 =	vld [tilespmem:s26+$0x10]  }
0x62: {  	s30 =	simm.s32 $0x280;
	s29 =	simm.s32 $0x4;
	v2 =	vld.idx.msk [tilespmem:v9+s20+$0x0], $0xffff  }
.LBB2_4:
0x63: {  	p1 =	sne.s32 s29, $0x7C  }
0x64: {  	v7 =	vld [tilespmem:s26+$0x50];
	s30 =	sadd.s32 $0x200, s30;
	s31 =	smov.u32 s29;
	s29 =	sadd.s32 $0x4, s29  }
0x65: {  	v8 =	vld [tilespmem:s26+$0x70];
	_ =	sdelay $0x1  }
0x66: {  	v5 =	vmul.f32 v5, v2;
	v6 =	vmul.f32 v6, v2  }
0x67: {  	v3 =	vmul.f32 v3, v2;
	v4 =	vmul.f32 v4, v2  }
0x68: {  	v0 =	vmul.f32 v0, v2;
	v1 =	vmul.f32 v1, v2;
	[tilespmem:s26+$0x60] =	vst v5  }
0x69: {  	[tilespmem:s26+$0x40] =	vst v3;
	v3 =	vmul.f32 v7, v2;
	v2 =	vmul.f32 v8, v2  }
0x6a: {  	s0 =	sadd.s32 $0x3, s28;
	s28 =	smov.u32 s31;
	[tilespmem:s26+$0x20] =	vst v0;
	v5 =	vld [tilespmem:s26+$0x80]  }
0x6b: {  	v0 =	vld [tilespmem:s30+$0x20];
	[tilespmem:s26+$0x0] =	vst v6;
	v6 =	vmov s0  }
0x6c: {  	[tilespmem:s26+$0x50] =	vst v3;
	v3 =	vld [tilespmem:s26+$0xE0]  }
0x6d: {  	[tilespmem:s26+$0x30] =	vst v1;
	v7 =	vld [tilespmem:s26+$0xC0]  }
0x6e: {  	v1 =	vld [tilespmem:s30+$0x30];
	[tilespmem:s26+$0x10] =	vst v4  }
0x6f: {  	[tilespmem:s26+$0x70] =	vst v2;
	v2 =	vld [tilespmem:s26+$0xA0]  }
0x70: {  	v4 =	vld.idx.msk [tilespmem:v6+s20+$0x0], $0xffff  }
0x71: {  	v6 =	vld [tilespmem:s26+$0x90]  }
0x72: {  	v8 =	vld [tilespmem:s26+$0xB0]  }
0x73: {  	v9 =	vld [tilespmem:s26+$0xD0]  }
0x74: {  	v10 =	vld [tilespmem:s26+$0xF0];
	_ =	sdelay $0x1  }
0x75: {  	v5 =	vmul.f32 v5, v4;
	v6 =	vmul.f32 v6, v4  }
0x76: {  	v2 =	vmul.f32 v2, v4;
	v8 =	vmul.f32 v8, v4  }
0x77: {  	v11 =	vmov s28;
	[tilespmem:s26+$0x80] =	vst v5;
	v5 =	vmul.f32 v7, v4;
	v7 =	vmul.f32 v9, v4  }
0x78: {  	v9 =	vand.u32 $0xFFFFFFFC, v11;
	[tilespmem:s26+$0xA0] =	vst v2;
	v2 =	vmul.f32 v3, v4;
	v3 =	vmul.f32 v10, v4  }
0x79: {  	v4 =	vbroadcast v9, $0x0;
	[tilespmem:s26+$0xC0] =	vst v5  }
0x7a: {  	[tilespmem:s26+$0xF0] =	vst v3  }
0x7b: {  	v3 =	vld [tilespmem:s30+$0xFFFFFF40];
	[tilespmem:s26+$0xE0] =	vst v2  }
0x7c: {  	v2 =	vld [tilespmem:s30+$0xFFFFFF50];
	[tilespmem:s26+$0x90] =	vst v6  }
0x7d: {  	v5 =	vld [tilespmem:s30+$0xFFFFFF60];
	[tilespmem:s26+$0xB0] =	vst v8  }
0x7e: {  	v6 =	vld [tilespmem:s30+$0xFFFFFF70];
	[tilespmem:s26+$0xD0] =	vst v7;
	s26 =	smov.u32 s30  }
0x7f: {  	v4 =	vld.idx.msk [tilespmem:v4+s20+$0x0], $0xffff  }
0x80: {  	v7 =	vld [tilespmem:s30+$0xFFFFFF00]  }
0x81: {  	v8 =	vld [tilespmem:s30+$0xFFFFFF20]  }
0x82: {  	v9 =	vld [tilespmem:s30+$0xFFFFFF10]  }
0x83: {  	v10 =	vld [tilespmem:s30+$0xFFFFFF30];
	_ =	sdelay $0x1  }
0x84: {  	v6 =	vmul.f32 v6, v4;
	v7 =	vmul.f32 v7, v4  }
0x85: {  	s0 =	sadd.s32 $0x1, s28;
	v5 =	vmul.f32 v5, v4;
	v8 =	vmul.f32 v8, v4  }
0x86: {  	v2 =	vmul.f32 v2, v4;
	v9 =	vmul.f32 v9, v4;
	[tilespmem:s30+$0xFFFFFF70] =	vst v6;
	v6 =	vmov s0  }
0x87: {  	v3 =	vmul.f32 v3, v4;
	[tilespmem:s30+$0xFFFFFF00] =	vst v7;
	v7 =	vmul.f32 v10, v4;
	v4 =	vand.u32 $0xFFFFFFFD, v6  }
0x88: {  	[tilespmem:s30+$0xFFFFFF20] =	vst v8;
	v4 =	vbroadcast v4, $0x0  }
0x89: {  	[tilespmem:s30+$0xFFFFFF50] =	vst v2  }
0x8a: {  	[tilespmem:s30+$0xFFFFFF40] =	vst v3;
	v2 =	vld [tilespmem:s30+$0xFFFFFFF0]  }
0x8b: {  	[tilespmem:s30+$0xFFFFFF60] =	vst v5;
	v3 =	vld [tilespmem:s30+$0xFFFFFFC0]  }
0x8c: {  	[tilespmem:s30+$0xFFFFFF30] =	vst v7;
	v5 =	vld [tilespmem:s30+$0xFFFFFFD0]  }
0x8d: {  	[tilespmem:s30+$0xFFFFFF10] =	vst v9;
	v6 =	vld [tilespmem:s30+$0xFFFFFF90]  }
0x8e: {  	v4 =	vld.idx.msk [tilespmem:v4+s20+$0x0], $0xffff  }
0x8f: {  	v7 =	vld [tilespmem:s30+$0xFFFFFF80]  }
0x90: {  	v8 =	vld [tilespmem:s30+$0xFFFFFFA0]  }
0x91: {  	v9 =	vld [tilespmem:s30+$0xFFFFFFB0]  }
0x92: {  	v10 =	vld [tilespmem:s30+$0xFFFFFFE0];
	_ =	sdelay $0x1  }
0x93: {  	v6 =	vmul.f32 v6, v4;
	v7 =	vmul.f32 v7, v4  }
0x94: {  	s0 =	sadd.s32 $0x2, s28;
	v5 =	vmul.f32 v5, v4;
	v8 =	vmul.f32 v8, v4  }
0x95: {  	v3 =	vmul.f32 v3, v4;
	[tilespmem:s30+$0xFFFFFF90] =	vst v6;
	v6 =	vmul.f32 v9, v4;
	v9 =	vmov s0  }
0x96: {  	v2 =	vmul.f32 v2, v4;
	[tilespmem:s30+$0xFFFFFFA0] =	vst v8;
	v8 =	vmul.f32 v10, v4;
	v4 =	vand.u32 $0xFFFFFFFE, v9  }
0x97: {  	[tilespmem:s30+$0xFFFFFF80] =	vst v7;
	v4 =	vbroadcast v4, $0x0  }
0x98: {  	[tilespmem:s30+$0xFFFFFFB0] =	vst v6  }
0x99: {  	[tilespmem:s30+$0xFFFFFFC0] =	vst v3  }
0x9a: {  	[tilespmem:s30+$0xFFFFFFD0] =	vst v5  }
.Ltmp5:
0x9b: {  	[tilespmem:s30+$0xFFFFFFF0] =	vst v2;
	v3 =	vld [tilespmem:s30+$0x40];
	(pc) =	sbr.rel @p1 .LBB2_4-.Ltmp5, $4  }
0x9c: {  	[tilespmem:s30+$0xFFFFFFE0] =	vst v8;
	v5 =	vld [tilespmem:s30+$0x60]  }
0x9d: {  	v2 =	vld.idx.msk [tilespmem:v4+s20+$0x0], $0xffff  }
0x9e: {  	v6 =	vld [tilespmem:s30+$0x0]  }
0x9f: {  	v4 =	vld [tilespmem:s30+$0x10]  }
0xa0: {  	_ =	sdelay $0x1  }
0xa1: {  	v5 =	vmul.f32 v5, v2  }
0xa2: {  	v7 =	vld [tilespmem:s26+$0x50];
	v3 =	vmul.f32 v3, v2  }
0xa3: {  	v8 =	vld [tilespmem:s26+$0x70];
	v0 =	vmul.f32 v0, v2;
	[tilespmem:s26+$0x60] =	vst v5  }
0xa4: {  	v48 =	vmul.f32 v1, v2;
	[tilespmem:s26+$0x40] =	vst v3  }
0xa5: {  	s0 =	sadd.s32 $0x3, s28;
	v46 =	vmul.f32 v6, v2;
	[tilespmem:s26+$0x20] =	vst v0  }
0xa6: {  	v50 =	vmov s0;
	v4 =	vmul.f32 v4, v2;
	[tilespmem:s26+$0x30] =	vst v48  }
0xa7: {  	v47 =	vmul.f32 v7, v2;
	[tilespmem:s26+$0x0] =	vst v46  }
0xa8: {  	v51 =	vmul.f32 v8, v2;
	[tilespmem:s26+$0x10] =	vst v4  }
0xa9: {  	[tilespmem:s26+$0x50] =	vst v47  }
0xaa: {  	v49 =	vld [tilespmem:s26+$0x80];
	[tilespmem:s26+$0x70] =	vst v51  }
0xab: {  	v0 =	vld.idx.msk [tilespmem:v50+s20+$0x0], $0xffff  }
0xac: {  	v52 =	vld [tilespmem:s26+$0xA0]  }
0xad: {  	v53 =	vld [tilespmem:s26+$0xC0]  }
0xae: {  	v54 =	vld [tilespmem:s26+$0xF0]  }
0xaf: {  	v55 =	vld [tilespmem:s26+$0xE0]  }
0xb0: {  	v56 =	vld [tilespmem:s26+$0x90];
	v1 =	vmul.f32 v49, v0  }
0xb1: {  	v57 =	vld [tilespmem:s26+$0xB0];
	v2 =	vmul.f32 v52, v0  }
0xb2: {  	v58 =	vld [tilespmem:s26+$0xD0];
	v59 =	vmul.f32 v53, v0;
	[tilespmem:s26+$0x80] =	vst v1  }
0xb3: {  	v60 =	vmul.f32 v54, v0;
	[tilespmem:s26+$0xA0] =	vst v2  }
0xb4: {  	v61 =	vmul.f32 v55, v0;
	[tilespmem:s26+$0xC0] =	vst v59  }
0xb5: {  	v62 =	vmul.f32 v56, v0;
	[tilespmem:s26+$0xF0] =	vst v60  }
0xb6: {  	v63 =	vmul.f32 v57, v0;
	[tilespmem:s26+$0xE0] =	vst v61  }
0xb7: {  	v0 =	vmul.f32 v58, v0;
	[tilespmem:s26+$0x90] =	vst v62  }
0xb8: {  	[tilespmem:s26+$0xB0] =	vst v63  }
.Ltmp6:
0xb9: {  	[tilespmem:s26+$0xD0] =	vst v0;
	(pc) =	sbr.rel .LBB2_6-.Ltmp6, $4  }
0xba: {  	[spmem:s2] =	stream.indirect.scatter.add.f32 [tilespmem:s22], [sflag:$0x4], $0x80, s19, s19, $0xb8;
	[tilespmem:$0x17A00] =	vst v63  }
0xbb: {  	_ =	swait.ge [sflag:s17], $0x4000  }
0xbc: {  	[sflag:s17] =	ssyncset.done $0x0  }
0xbd: {  	[sflag:s17] =	ssyncadd.s32 $0xFFFFC000  }
.LBB2_8:
0xbe: {  	_ =	sfence.sel $0x180000  }
0xbf: {  	[bflag:$0x0] =	sbarrier.arrive $0xFFFF  }
0xc0: {  	_ =	strace $0x9000004A  }
0xc1: {  	[bflag:$0x2] =	sbarrier.arrive $0xFFFF  }
0xc2: {  	p0 =	sne.s32 s3, $0x0;
	s0 =	rddreg [dreg:$0x3]  }
0xc3: {  	s0 =	sadd.s32 @!p0 $0x100000, s0  }
0xc4: {  	[sflag:s0] =	ssyncadd.tile.s32 @!p0 $0x1;
	_ =	shalt  }
.Lfunc_end2:
_tile_overlayer_lowered:
.L_overlay_start_2:
0xc5: {  	(tag) =	ssettag $0x2  }
0xc6: {  	s0 =	rddreg [dreg:$0x0];
	s2 =	stileid.u32  }
0xc7: {  	s1 =	rddreg [dreg:$0x1];
	p0 =	sne.s32 s2, $0x0  }
0xc8: {  	s3 =	rddreg [dreg:$0x2];
	[bflag:$0x3] =	sbarrier.arrive $0xFFFF;
	s2 =	simm.s32 @!p0 $0x1C04  }
0xc9: {  	[timem:s3], [sflag:s2] =	dma.local @!p0 [hbm:s0], s1  }
0xca: {  	s0 =	simm.s32 @!p0 $0x4  }
0xcb: {  	_ =	swait.ge @!p0 [sflag:s0], s1  }
0xcc: {  	s1 =	ssub.s32 @!p0 $0x0, s1;
	[sflag:s0] =	ssyncset.done @!p0 $0x0  }
0xcd: {  	[sflag:s0] =	ssyncadd.s32 @!p0 s1  }
0xce: {  	[bflag:$0x3] =	sbarrier.arrive $0xFFFF  }
0xcf: {  	_ =	shalt  }

// kernel: kernel.15.cloned.1.call-start
scs
__scs_entry_jumppad:
0x0: {  	(pc) =	sbr.rel $0x88, $3  }
0x1: {  	(tag) =	ssettag $0x0;
	lr =	simm.s32 $0x1  }
0x2: {  	[smem:$0x3F95] =	sst lr;
	_ =	strace $0xD0000000  }
0x3: {  	_ = 	snop  }
0x4: {  	_ = 	snop  }
0x5: {  	_ = 	snop  }
0x6: {  	_ = 	snop  }
0x7: {  	_ = 	snop  }
__scs_overlays_trampoline_lowered:
0x8: {  	[smem:$0x3FA4] =	sst s0  }
0x9: {  	[smem:$0x3FA5] =	sst s1  }
0xa: {  	[smem:$0x3FA6] =	sst s2  }
0xb: {  	[smem:$0x3FA7] =	sst s3  }
0xc: {  	[smem:$0x3FA8] =	sst s4  }
0xd: {  	[smem:$0x3FA9] =	sst s5  }
0xe: {  	[smem:$0x3FAA] =	sst s6  }
0xf: {  	[smem:$0x3FAB] =	sst s7  }
0x10: {  	[smem:$0x3FAC] =	sst s8  }
0x11: {  	[smem:$0x3FAD] =	sst s9;
	s0 =	simm.s32 @!p0 $0x0  }
0x12: {  	s1 =	sld [smem:$0x3F93];
	s0 =	simm.s32 @p0 $0x1  }
0x13: {  	[smem:$0x3FAE] =	sst s0;
	s0 =	simm.s32 @!p1 $0x0  }
0x14: {  	s2 =	sld [smem:$0x3F92];
	s0 =	simm.s32 @p1 $0x1  }
0x15: {  	[smem:$0x3FAF] =	sst s0;
	s0 =	simm.s32 @!p2 $0x0  }
0x16: {  	s3 =	sld [smem:$0x3FDB];
	s0 =	simm.s32 @p2 $0x1  }
0x17: {  	s4 =	simm.s32 $0x1BF5;
	[smem:$0x3FB1] =	sst s0  }
0x18: {  	s0 =	sld [smem:$0x3F94];
	_ =	swait.ge [sflag:s4], $0x0  }
0x19: {  	s7 =	sld [smem:$0x3F95]  }
0x1a: {  	s8 =	sadd.s32 $0xFFFFE003, lr  }
0x1b: {  	s9 =	sadd.s32 $0xFFFFFEF7, lr;
	s5 =	simm.s32 $0xFFFFFFFF;
	p2 =	slt.u32 s8, $0xFFFFF086  }
0x1c: {  	p1 =	slt.u32 s9, $0xF7A;
	s5 =	simm.s32 @!p2 $0x0  }
0x1d: {  	s5 =	simm.s32 @p1 $0x1;
	p0 =	seq.s32 s7, s2  }
0x1e: {  	s7 =	smul.u32 @!p0 $0xF7A, s2;
	p2 =	seq.s32 @!p0 s5, $0x0  }
0x1f: {  	s9 =	smul.u32 $0xF7A, s1;
	s8 =	simm.s32 @!p0 $0x1BF5;
	p2 =	por !p2, p0  }
0x20: {  	[sflag:s8] =	ssyncset.s32 @!p0 $0xFFFFF086;
	s6 =	sadd.s32 @!p0 s3, s7;
	s7 =	simm.s32 @!p0 $0x108  }
0x21: {  	s3 =	sadd.s32 s3, s9;
	s6 =	sadd.s32 @!p0 $0x88, s6;
	s7 =	simm.s32 @p2 $0x1082  }
0x22: {  	[simem:s7], [sflag:s8] =	dma.local @!p0 [hbm:s6], $0xF7A  }
0x23: {  	s9 =	sor.u32 $0xD0000000, s2;
	s6 =	simm.s32 $0x108;
	_ =	swait.ge @!p0 [sflag:s8], $0x0  }
0x24: {  	s3 =	sadd.s32 $0x88, s3;
	s6 =	simm.s32 @!p1 $0x1082;
	[sflag:s4] =	ssyncset.s32 $0xFFFFF086  }
0x25: {  	[simem:s6], [sflag:s4] =	dma.local [hbm:s3], $0xF7A  }
0x26: {  	[smem:$0x3F95] =	sst s1;
	(tag) =	ssettag s2;
	_ =	strace s9  }
0x27: {  	s1 =	sld [smem:$0x3FA5]  }
0x28: {  	s2 =	sld [smem:$0x3FA6]  }
0x29: {  	s4 =	sld [smem:$0x3FA8]  }
0x2a: {  	p0 =	seq.s32 s5, $0x0;
	s5 =	sld [smem:$0x3FA9]  }
0x2b: {  	s6 =	sld [smem:$0x3FAA]  }
0x2c: {  	s7 =	sld [smem:$0x3FAB]  }
0x2d: {  	s3 =	simm.s32 $0x108;
	s8 =	sld [smem:$0x3FAC]  }
0x2e: {  	s3 =	simm.s32 @!p0 $0x1082;
	s9 =	sld [smem:$0x3FAD]  }
0x2f: {  	lr =	sadd.s32 s0, s3;
	s0 =	sld [smem:$0x3FA4]  }
0x30: {  	s3 =	sld [smem:$0x3FA7]  }
0x31: {  	[smem:$0x3FB0] =	sst s10  }
0x32: {  	s10 =	sld [smem:$0x3FAE];
	_ =	sdelay $0x3  }
0x33: {  	p0 =	seq.s32 s10, $0x1;
	s10 =	sld [smem:$0x3FB0];
	_ =	sdelay $0x3  }
0x34: {  	[smem:$0x3FB0] =	sst s10  }
0x35: {  	s10 =	sld [smem:$0x3FAF];
	_ =	sdelay $0x3  }
0x36: {  	p1 =	seq.s32 s10, $0x1;
	s10 =	sld [smem:$0x3FB0];
	_ =	sdelay $0x3  }
0x37: {  	[smem:$0x3FB0] =	sst s10  }
0x38: {  	s10 =	sld [smem:$0x3FB1]  }
0x39: {  	_ = 	snop;
	(pc) =	sbr.ind lr, $3  }
0x3a: {  	_ = 	snop  }
0x3b: {  	_ = 	snop  }
0x3c: {  	p2 =	seq.s32 s10, $0x1;
	s10 =	sld [smem:$0x3FB0]  }
0x3d: {  	_ =	shalt  }
0x3e: {  	_ =	shalt  }
0x3f: {  	_ =	shalt  }
0x40: {  	_ =	shalt  }
0x41: {  	_ =	shalt  }
0x42: {  	_ =	shalt  }
0x43: {  	_ =	shalt  }
0x44: {  	_ =	shalt  }
0x45: {  	_ =	shalt  }
0x46: {  	_ =	shalt  }
0x47: {  	_ =	shalt  }
0x48: {  	_ =	shalt  }
0x49: {  	_ =	shalt  }
0x4a: {  	_ =	shalt  }
0x4b: {  	_ =	shalt  }
0x4c: {  	_ =	shalt  }
0x4d: {  	_ =	shalt  }
0x4e: {  	_ =	shalt  }
0x4f: {  	_ =	shalt  }
0x50: {  	_ =	shalt  }
0x51: {  	_ =	shalt  }
0x52: {  	_ =	shalt  }
0x53: {  	_ =	shalt  }
0x54: {  	_ =	shalt  }
0x55: {  	_ =	shalt  }
0x56: {  	_ =	shalt  }
0x57: {  	_ =	shalt  }
0x58: {  	_ =	shalt  }
0x59: {  	_ =	shalt  }
0x5a: {  	_ =	shalt  }
0x5b: {  	_ =	shalt  }
0x5c: {  	_ =	shalt  }
0x5d: {  	_ =	shalt  }
0x5e: {  	_ =	shalt  }
0x5f: {  	_ =	shalt  }
0x60: {  	_ =	shalt  }
0x61: {  	_ =	shalt  }
0x62: {  	_ =	shalt  }
0x63: {  	_ =	shalt  }
0x64: {  	_ =	shalt  }
0x65: {  	_ =	shalt  }
0x66: {  	_ =	shalt  }
0x67: {  	_ =	shalt  }
0x68: {  	_ =	shalt  }
0x69: {  	_ =	shalt  }
0x6a: {  	_ =	shalt  }
0x6b: {  	_ =	shalt  }
0x6c: {  	_ =	shalt  }
0x6d: {  	_ =	shalt  }
0x6e: {  	_ =	shalt  }
0x6f: {  	_ =	shalt  }
0x70: {  	_ =	shalt  }
0x71: {  	_ =	shalt  }
0x72: {  	_ =	shalt  }
0x73: {  	_ =	shalt  }
0x74: {  	_ =	shalt  }
0x75: {  	_ =	shalt  }
0x76: {  	_ =	shalt  }
0x77: {  	_ =	shalt  }
0x78: {  	_ =	shalt  }
0x79: {  	_ =	shalt  }
0x7a: {  	_ =	shalt  }
0x7b: {  	_ =	shalt  }
0x7c: {  	_ =	shalt  }
0x7d: {  	_ =	shalt  }
0x7e: {  	_ =	shalt  }
0x7f: {  	_ =	shalt  }
0x80: {  	_ =	shalt  }
0x81: {  	_ =	shalt  }
0x82: {  	_ =	shalt  }
0x83: {  	_ =	shalt  }
0x84: {  	_ =	shalt  }
0x85: {  	_ =	shalt  }
0x86: {  	_ =	shalt  }
0x87: {  	_ =	shalt  }
.Lfunc_end0:
.L_simem_size_0:
called_computation.2_lowered:
.L_overlay_start_0:
0x88: {  	s2 =	sld [smem:$0x3FD9]  }
0x89: {  	s3 =	sld [smem:$0x3FFE];
	_ =	sdelay $0x1  }
0x8a: {  	s1 =	srdreg.scid  }
0x8b: {  	s0 =	sand.u32 $0x1, s1  }
0x8c: {  	s17 =	sshll.u32 s0, $0xA;
	s2 =	sadd.s32 s3, s2  }
0x8d: {  	s2 =	sadd.s32 s2, s17  }
0x8e: {  	[smem:$0x3FBC] =	sst s2  }
0x8f: {  	_ = 	snop  }
0x90: {  	s2 =	sld [smem:$0x3FC6];
	(tm) =	ssettm $0x1  }
0x91: {  	s18 =	sld [smem:$0x3FFB];
	_ =	sdelay $0x3  }
0x92: {  	_ =	strace s18  }
0x93: {  	s3 =	sld [smem:$0x3FFC];
	_ =	sdelay $0x3  }
0x94: {  	_ =	strace s3  }
0x95: {  	s3 =	sld [smem:$0x3FFD];
	_ =	sdelay $0x3  }
0x96: {  	_ =	strace s3  }
0x97: {  	_ =	strace $0x8FFFFFFF  }
0x98: {  	s19 =	sld [smem:$0x3FDB];
	_ =	sdelay $0x1  }
0x99: {  	s4 =	simm.s32 $_scs_section_size  }
0x9a: {  	s5 =	simm.s32 $_size__tile_overlayer_lowered;
	s6 =	simm.s32 $_tile_overlayer_lowered  }
0x9b: {  	s22 =	simm.s32 $0x1BFF;
	s21 =	sshll.u32 s6, $0x1;
	s3 =	sadd.s32 s4, s19  }
0x9c: {  	s7 =	simm.s32 $0x0;
	s20 =	sshll.u32 s5, $0x1;
	s5 =	sadd.s32 s21, s3  }
0x9d: {  	[timem:s7], [sflag:s22] =	dma.local [hbm:s5], s20  }
0x9e: {  	_ =	swait.ge [sflag:s22], s20  }
0x9f: {  	s4 =	ssub.s32 $0x0, s20;
	[sflag:s22] =	ssyncset.done $0x0  }
0xa0: {  	[sflag:s22] =	ssyncadd.s32 s4;
	_ =	sdelay $0x1  }
0xa1: {  	s23 =	simm.s32 $0x1B8B  }
0xa2: {  	_ =	swait.ge [sflag:s23], $0x1  }
0xa3: {  	[sflag:s23] =	ssyncset.done $0x0  }
0xa4: {  	s25 =	simm.s32 $0x1B8E;
	s24 =	sld [smem:$0x3FFE];
	[sflag:s23] =	ssyncadd.s32 $0xFFFFFFFF  }
0xa5: {  	s26 =	simm.s32 $execute0_lowered;
	[smem:$0x3FD2] =	sst s25  }
0xa6: {  	s5 =	sshll.u32 s26, $0x1;
	_ =	strace $0x8000004C;
	[dreg:$0x1] =	wrdreg $0xFFFFFFFF  }
0xa7: {  	s28 =	simm.s32 $_size_execute0_lowered;
	s3 =	sadd.s32 s3, s5;
	[dreg:$0x0] =	wrdreg $0x0  }
0xa8: {  	s5 =	sshll.u32 s28, $0x1;
	[dreg:$0x2] =	wrdreg s3  }
0xa9: {  	[dreg:$0x3] =	wrdreg s5  }
0xaa: {  	[dreg:$0x4] =	wrdreg $0xC0  }
0xab: {  	_ =	task [dreg:s7], $0x5FFFF  }
0xac: {  	[dreg:$0x1] =	wrdreg $0xFFFFFFFF  }
0xad: {  	[dreg:$0x0] =	wrdreg $0x60  }
0xae: {  	[dreg:$0x2] =	wrdreg s24  }
0xaf: {  	[dreg:$0x3] =	wrdreg s2  }
0xb0: {  	[dreg:$0x4] =	wrdreg $0x21800  }
0xb1: {  	[dreg:$0x5] =	wrdreg $0x9  }
0xb2: {  	_ =	task.clear_ibuf [dreg:s7], $0x6FFFF;
	_ =	strace $0x9000004C  }
0xb3: {  	s29 =	simm.s32 $0x9;
	_ =	strace $0x8000004E  }
0xb4: {  	_ =	swait.ge [sflag:s29], $0x1  }
0xb5: {  	[sflag:s29] =	ssyncadd.s32 $0xFFFFFFFF  }
0xb6: {  	_ =	strace $0x9000004E  }
0xb7: {  	_ =	sfence  }
0xb8: {  	s30 =	sld [smem:$0x0];
	_ =	sdelay $0x2  }
0xb9: {  	s31 =	sshll.u32 s1, $0xD;
	s1 =	sshrl.u32 s1, $0x2  }
0xba: {  	s3 =	sand.u32 $0x4000, s31;
	s1 =	sadd.s32 s1, s30  }
0xbb: {  	s0 =	sor.u32 s3, s0;
	s1 =	sshll.u32 s1, $0x11  }
0xbc: {  	s0 =	sor.u32 s1, s0  }
0xbd: {  	s0 =	sadd.s32 $0x8F2B, s0  }
0xbe: {  	[sflag:s0] =	ssyncadd.remote.s32 $0x1  }
0xbf: {  	_ =	sfence.sel $0xFFFF  }
0xc0: {  	[dreg:$0x0] =	wrdreg $0xFFFFFFFF;
	(pc) =	sbr.abs _section_cstart, $3  }
0xc1: {  	[dreg:$0x1] =	wrdreg $0xFFFFFFFF  }
0xc2: {  	_ =	task.clear_ibuf [dreg:s7], $0x2FFFF;
	_ =	strace $0x9FFFFFFF  }
0xc3: {  	(tm) =	ssettm $0x7FFFFFFF  }
tec
execute0_lowered:
.L_overlay_start_1:
0x0: {  	(tag) =	ssettag $0x1  }
0x1: {  	s12 =	rddreg [dreg:$0x0]  }
0x2: {  	s1 =	rddreg [dreg:$0x1]  }
0x3: {  	s3 =	rddreg [dreg:$0x2]  }
0x4: {  	s4 =	simm.s32 $0x0;
	s2 =	stileid.u32;
	s6 =	srdreg.scid  }
0x5: {  	s19 =	simm.s32 $0x80;
	s20 =	simm.s32 $0x100;
	s21 =	simm.s32 $0x2  }
0x6: {  	s22 =	simm.s32 $0x180;
	s23 =	simm.s32 $0x3;
	s24 =	simm.s32 $0x1  }
0x7: {  	[smem:$0x7FF] =	sst s4;
	s13 =	smul.u32 $0x9C00, s2;
	s5 =	sadd.s32 $0x15C00, s12  }
0x8: {  	s6 =	sand.u32 $0x1, s6;
	s7 =	sadd.s32 $0xBE00, s12;
	s8 =	sadd.s32 $0x2000, s12  }
0x9: {  	s14 =	sadd.s32 $0x3D000, s12;
	s18 =	sshll.u32 s2, $0x6;
	p0 =	sne.s32 s2, $0xF  }
0xa: {  	_ =	strace $0x8000004D;
	s10 =	ssub.s32 $0x2, s6;
	s16 =	smul.u32 $0x9C400, s6  }
0xb: {  	s9 =	sshrl.u32 s13, $0x3;
	s31 =	sshrl.u32 s10, $0x1;
	s17 =	sadd.s32 s13, s3  }
0xc: {  	s11 =	sadd.s32 s9, s12;
	s15 =	ssub.s32 s10, s31;
	s9 =	sshll.u32 s2, $0x1  }
.Ltmp0:
0xd: {  	s13 =	sadd.s32 s13, s16;
	s16 =	sshrl.u32 s16, $0x3;
	(pc) =	sbr.rel .LBB2_1-.Ltmp0, $4  }
0xe: {  	s12 =	sadd.s32 $0x3CE00, s12;
	s10 =	sadd.s32 $0x29600, s11;
	s11 =	sor.u32 $0x1C04, s18  }
0xf: {  	s18 =	sadd.s32 $0x9C000, s3;
	s13 =	sshrl.u32 s13, $0x3;
	s15 =	smax.u32 s15, $0x1  }
0x10: {  	s13 =	sadd.s32 s14, s13;
	s14 =	sadd.s32 s14, s16;
	s16 =	sshrl.u32 s17, $0x3  }
0x11: {  	s17 =	simm.s32 $0x4;
	s18 =	sshrl.u32 @!p0 s18, $0x3;
	s14 =	sadd.s32 $0x13800, s14  }
.LBB2_7:
0x12: {  	[bflag:$0x0] =	sbarrier.arrive $0xFFFF  }
0x13: {  	[hbm:s13], [sflag:s11] =	dma.local [spmem:s16], $0x1380  }
0x14: {  	s4 =	sadd.s32 $0x1, s4;
	_ =	swait.ge [sflag:s17], $0x1380  }
0x15: {  	p1 =	sne.s32 s4, s15;
	[sflag:s17] =	ssyncset.done $0x0  }
.Ltmp1:
0x16: {  	s0 =	simm.s32 @!p0 $0x4;
	[sflag:s17] =	ssyncadd.s32 $0xFFFFEC80;
	(pc) =	sbr.rel @!p1 .LBB2_8-.Ltmp1, $4  }
0x17: {  	[hbm:s14], [sflag:s11] =	dma.local @!p0 [spmem:s18], $0x80  }
0x18: {  	_ =	swait.ge @!p0 [sflag:s0], $0x80  }
0x19: {  	[sflag:s0] =	ssyncset.done @!p0 $0x0  }
0x1a: {  	[sflag:s0] =	ssyncadd.s32 @!p0 $0xFFFFFF80  }
.LBB2_1:
0x1b: {  	[spmem:s16], [sflag:s11] =	dma.local [hbm:s10], $0x1380  }
0x1c: {  	_ =	swait.ge [sflag:s17], $0x1380  }
0x1d: {  	[sflag:s17] =	ssyncset.done $0x0  }
0x1e: {  	s25 =	simm.s32 @!p0 $0x4;
	[sflag:s17] =	ssyncadd.s32 $0xFFFFEC80  }
0x1f: {  	[spmem:s18], [sflag:s11] =	dma.local @!p0 [hbm:s12], $0x80  }
.Ltmp2:
0x20: {  	_ =	swait.ge @!p0 [sflag:s25], $0x80;
	(pc) =	sbr.rel .LBB2_2-.Ltmp2, $4  }
0x21: {  	[sflag:s25] =	ssyncset.done @!p0 $0x0  }
0x22: {  	[sflag:s25] =	ssyncadd.s32 @!p0 $0xFFFFFF80  }
0x23: {  	[bflag:$0x0] =	sbarrier.arrive $0xFFFF  }
0x24: {  	s25 =	simm.s32 $0x0  }
.LBB2_6:
0x25: {  	s25 =	sadd.s32 $0x1, s25  }
0x26: {  	p1 =	sne.s32 s25, $0x4F  }
.Ltmp3:
0x27: {  	_ = 	snop;
	(pc) =	sbr.rel @!p1 .LBB2_7-.Ltmp3, $1  }
0x28: {  	_ =	sdelay $0x3  }
.LBB2_2:
0x29: {  	s26 =	sshll.u32 s25, $0x5  }
0x2a: {  	s26 =	sor.u32 s9, s26  }
0x2b: {  	p1 =	sgt.u32 s26, $0x9C3  }
.Ltmp4:
0x2c: {  	_ = 	snop;
	(pc) =	sbr.rel @p1 .LBB2_6-.Ltmp4, $1  }
0x2d: {  	_ =	sdelay $0x3  }
0x2e: {  	s26 =	sor.u32 s6, s26  }
0x2f: {  	s26 =	sshll.u32 s26, $0x4  }
0x30: {  	s29 =	simm.s32 $0x0;
	s28 =	sadd.s32 s7, s26  }
0x31: {  	[tilespmem:s29], [sflag:$0x2] =	stream.linear.gather [hbm4b:s28+s29], $0x80, $0x38;
	[tilespmem:$0xBDC0] =	vst v63  }
0x32: {  	s28 =	sadd.s32 s8, s26  }
0x33: {  	[tilespmem:s19], [sflag:$0x3] =	stream.linear.gather [hbm4b:s28+s29], $0x80, $0x38;
	[tilespmem:$0xBDC0] =	vst v63  }
0x34: {  	s26 =	sadd.s32 s1, s26  }
0x35: {  	[tilespmem:s20], [sflag:$0x3] =	stream.linear.gather [hbm4b:s26+s29], $0x80, $0x38;
	[tilespmem:$0xBDC0] =	vst v63  }
0x36: {  	_ =	swait.ge [sflag:s21], $0x80  }
0x37: {  	[sflag:s21] =	ssyncset.done $0x0  }
0x38: {  	[sflag:s21] =	ssyncadd.s32 $0xFFFFFF80  }
0x39: {  	[tilespmem:s22], [sflag:$0x1] =	stream.indirect.gather [hbm4b:s5+s19], $0x40, s29, s19, $0xb8;
	[tilespmem:$0xBDC0] =	vst v63  }
0x3a: {  	_ =	swait.ge [sflag:s23], $0x80  }
0x3b: {  	v0 =	vmov s29;
	[sflag:s23] =	ssyncset.done $0x0  }
0x3c: {  	v0 =	vand.u32 $0xFFFFFFFC, v0;
	[sflag:s23] =	ssyncadd.s32 $0xFFFFFF80  }
0x3d: {  	v0 =	vbroadcast v0, $0x0;
	_ =	swait.ge [sflag:s23], $0x80  }
0x3e: {  	[sflag:s23] =	ssyncset.done $0x0  }
0x3f: {  	[sflag:s23] =	ssyncadd.s32 $0xFFFFFF80  }
0x40: {  	_ =	swait.ge [sflag:s24], $0x2000  }
0x41: {  	[sflag:s24] =	ssyncset.done $0x0  }
0x42: {  	[sflag:s24] =	ssyncadd.s32 $0xFFFFE000  }
0x43: {  	s28 =	simm.s32 $0x200;
	v0 =	vld.idx.msk [tilespmem:v0+s20+$0x0], $0xffff  }
0x44: {  	v1 =	vld [tilespmem:s28+$0xFFFFFF80]  }
0x45: {  	v2 =	vld [tilespmem:s28+$0xFFFFFFA0]  }
0x46: {  	s31 =	simm.s32 $0x1;
	v3 =	vld [tilespmem:s28+$0xFFFFFF90]  }
0x47: {  	v4 =	vmov s31;
	v5 =	vld [tilespmem:s28+$0xFFFFFFB0]  }
0x48: {  	v4 =	vand.u32 $0xFFFFFFFD, v4  }
0x49: {  	v4 =	vbroadcast v4, $0x0;
	v1 =	vmul.f32 v1, v0  }
0x4a: {  	v2 =	vmul.f32 v2, v0  }
0x4b: {  	[tilespmem:s28+$0xFFFFFF80] =	vst v1;
	v1 =	vmul.f32 v3, v0  }
0x4c: {  	s26 =	simm.s32 $0x300;
	[tilespmem:s28+$0xFFFFFFA0] =	vst v2;
	v2 =	vmul.f32 v5, v0  }
0x4d: {  	v0 =	vld [tilespmem:s26+$0xFFFFFFA0];
	[tilespmem:s28+$0xFFFFFF90] =	vst v1  }
0x4e: {  	v1 =	vld [tilespmem:s28+$0xFFFFFFF0];
	[tilespmem:s28+$0xFFFFFFB0] =	vst v2  }
0x4f: {  	v2 =	vld.idx.msk [tilespmem:v4+s20+$0x0], $0xffff  }
0x50: {  	v3 =	vld [tilespmem:s28+$0xFFFFFFD0]  }
0x51: {  	s29 =	simm.s32 $0x2;
	v4 =	vld [tilespmem:s28+$0xFFFFFFC0]  }
0x52: {  	v6 =	vld [tilespmem:s28+$0xFFFFFFE0];
	v5 =	vmov s29  }
0x53: {  	v5 =	vand.u32 $0xFFFFFFFE, v5  }
0x54: {  	v5 =	vbroadcast v5, $0x0;
	v1 =	vmul.f32 v1, v2  }
0x55: {  	v3 =	vmul.f32 v3, v2  }
0x56: {  	v4 =	vmul.f32 v4, v2;
	[tilespmem:s28+$0xFFFFFFF0] =	vst v1  }
0x57: {  	v2 =	vmul.f32 v6, v2;
	[tilespmem:s28+$0xFFFFFFD0] =	vst v3  }
0x58: {  	v1 =	vld [tilespmem:s26+$0xFFFFFF90];
	[tilespmem:s28+$0xFFFFFFC0] =	vst v4  }
0x59: {  	v3 =	vld [tilespmem:s28+$0x0];
	[tilespmem:s28+$0xFFFFFFE0] =	vst v2  }
0x5a: {  	v2 =	vld.idx.msk [tilespmem:v5+s20+$0x0], $0xffff  }
0x5b: {  	v4 =	vld [tilespmem:s28+$0x10]  }
0x5c: {  	v5 =	vld [tilespmem:s28+$0x30]  }
0x5d: {  	v6 =	vld [tilespmem:s28+$0x20];
	_ =	sdelay $0x1  }
0x5e: {  	s29 =	simm.s32 $0x3;
	v3 =	vmul.f32 v3, v2  }
0x5f: {  	v7 =	vmov s29;
	v4 =	vmul.f32 v4, v2  }
0x60: {  	v5 =	vmul.f32 v5, v2;
	[tilespmem:s28+$0x0] =	vst v3  }
0x61: {  	v2 =	vmul.f32 v6, v2;
	[tilespmem:s28+$0x10] =	vst v4  }
0x62: {  	[tilespmem:s28+$0x30] =	vst v5;
	v3 =	vld [tilespmem:s28+$0x40]  }
0x63: {  	[tilespmem:s28+$0x20] =	vst v2;
	v2 =	vld [tilespmem:s28+$0x50]  }
0x64: {  	v5 =	vld.idx.msk [tilespmem:v7+s20+$0x0], $0xffff  }
0x65: {  	v4 =	vld [tilespmem:s28+$0x70];
	_ =	sdelay $0x1  }
0x66: {  	s29 =	simm.s32 $0x4;
	v6 =	vld [tilespmem:s28+$0x60]  }
0x67: {  	v7 =	vmov s29  }
0x68: {  	s30 =	simm.s32 $0x5;
	v7 =	vand.u32 $0xFFFFFFFC, v7;
	v3 =	vmul.f32 v3, v5;
	v9 =	vmul.f32 v2, v5  }
0x69: {  	v8 =	vmov s30;
	s30 =	simm.s32 $0x6;
	v10 =	vmul.f32 v4, v5;
	v4 =	vbroadcast v7, $0x0  }
0x6a: {  	v63 =	vmov s30;
	[tilespmem:s28+$0x40] =	vst v3  }
0x6b: {  	v2 =	vand.u32 $0xFFFFFFFD, v8;
	v5 =	vmul.f32 v6, v5;
	v3 =	vand.u32 $0xFFFFFFFE, v63;
	[tilespmem:s28+$0x50] =	vst v9  }
0x6c: {  	s30 =	simm.s32 $0x8;
	v2 =	vbroadcast v2, $0x0;
	[tilespmem:s28+$0x70] =	vst v10;
	v3 =	vbroadcast v3, $0x0  }
.LBB2_4:
0x6d: {  	p1 =	sne.s32 s30, $0x7C;
	s31 =	smov.u32 s30  }
0x6e: {  	[tilespmem:s28+$0x60] =	vst v5;
	s30 =	sadd.s32 $0x4, s30;
	s28 =	smov.u32 s26;
	s26 =	sadd.s32 $0x100, s26  }
0x6f: {  	v5 =	vld.idx.msk [tilespmem:v4+s20+$0x0], $0xffff  }
0x70: {  	v6 =	vld [tilespmem:s28+$0xFFFFFF80];
	_ =	sdelay $0x1  }
0x71: {  	v7 =	vld [tilespmem:s28+$0xFFFFFFB0]  }
0x72: {  	v4 =	vmov s31  }
0x73: {  	v4 =	vand.u32 $0xFFFFFFFC, v4  }
0x74: {  	v4 =	vbroadcast v4, $0x0;
	v6 =	vmul.f32 v6, v5  }
0x75: {  	v1 =	vmul.f32 v1, v5;
	v0 =	vmul.f32 v0, v5  }
0x76: {  	[tilespmem:s28+$0xFFFFFF80] =	vst v6;
	v5 =	vmul.f32 v7, v5  }
0x77: {  	[tilespmem:s28+$0xFFFFFFA0] =	vst v0;
	v6 =	vld [tilespmem:s28+$0xFFFFFFF0]  }
0x78: {  	v0 =	vld [tilespmem:s26+$0xFFFFFFA0];
	[tilespmem:s28+$0xFFFFFF90] =	vst v1  }
0x79: {  	[tilespmem:s28+$0xFFFFFFB0] =	vst v5;
	v5 =	vld [tilespmem:s28+$0xFFFFFFC0]  }
0x7a: {  	v7 =	vld.idx.msk [tilespmem:v2+s20+$0x0], $0xffff  }
0x7b: {  	v8 =	vld [tilespmem:s28+$0xFFFFFFD0]  }
0x7c: {  	v9 =	vld [tilespmem:s28+$0xFFFFFFE0]  }
0x7d: {  	s0 =	sadd.s32 $0x1, s31;
	v1 =	vld [tilespmem:s26+$0xFFFFFF90]  }
0x7e: {  	v2 =	vmov s0  }
0x7f: {  	v2 =	vand.u32 $0xFFFFFFFD, v2  }
0x80: {  	v2 =	vbroadcast v2, $0x0;
	v6 =	vmul.f32 v6, v7  }
0x81: {  	v8 =	vmul.f32 v8, v7;
	v9 =	vmul.f32 v9, v7  }
0x82: {  	v5 =	vmul.f32 v5, v7;
	[tilespmem:s28+$0xFFFFFFF0] =	vst v6  }
0x83: {  	[tilespmem:s28+$0xFFFFFFD0] =	vst v8  }
0x84: {  	[tilespmem:s28+$0xFFFFFFC0] =	vst v5;
	v5 =	vld [tilespmem:s28+$0x0]  }
0x85: {  	[tilespmem:s28+$0xFFFFFFE0] =	vst v9;
	v6 =	vld [tilespmem:s28+$0x30]  }
0x86: {  	v3 =	vld.idx.msk [tilespmem:v3+s20+$0x0], $0xffff  }
0x87: {  	v7 =	vld [tilespmem:s28+$0x10]  }
0x88: {  	v8 =	vld [tilespmem:s28+$0x20];
	_ =	sdelay $0x3  }
0x89: {  	s0 =	sadd.s32 $0x3, s29;
	s29 =	smov.u32 s31;
	v5 =	vmul.f32 v5, v3;
	v7 =	vmul.f32 v7, v3  }
0x8a: {  	s31 =	sadd.s32 $0x2, s29;
	v8 =	vmul.f32 v8, v3;
	v3 =	vmul.f32 v6, v3;
	v6 =	vmov s0  }
0x8b: {  	v9 =	vmov s31;
	[tilespmem:s28+$0x0] =	vst v5  }
0x8c: {  	v5 =	vand.u32 $0xFFFFFFFE, v9;
	[tilespmem:s28+$0x10] =	vst v7  }
0x8d: {  	[tilespmem:s28+$0x30] =	vst v3;
	v7 =	vld [tilespmem:s28+$0x40]  }
0x8e: {  	v3 =	vbroadcast v5, $0x0;
	[tilespmem:s28+$0x20] =	vst v8;
	v8 =	vld [tilespmem:s28+$0x70]  }
0x8f: {  	v6 =	vld.idx.msk [tilespmem:v6+s20+$0x0], $0xffff  }
0x90: {  	v5 =	vld [tilespmem:s28+$0x50]  }
0x91: {  	v9 =	vld [tilespmem:s28+$0x60];
	_ =	sdelay $0x3  }
.Ltmp5:
0x92: {  	v7 =	vmul.f32 v7, v6;
	v10 =	vmul.f32 v5, v6;
	(pc) =	sbr.rel @p1 .LBB2_4-.Ltmp5, $4  }
0x93: {  	v5 =	vmul.f32 v9, v6;
	v6 =	vmul.f32 v8, v6  }
0x94: {  	[tilespmem:s28+$0x40] =	vst v7  }
0x95: {  	[tilespmem:s28+$0x50] =	vst v10  }
0x96: {  	[tilespmem:s28+$0x70] =	vst v6  }
0x97: {  	_ =	sdelay $0x2  }
0x98: {  	[tilespmem:s28+$0x60] =	vst v5;
	v49 =	vld [tilespmem:s26+$0xFFFFFF80]  }
0x99: {  	v4 =	vld.idx.msk [tilespmem:v4+s20+$0x0], $0xffff;
	_ =	sdelay $0x2  }
0x9a: {  	v6 =	vld [tilespmem:s26+$0xFFFFFFB0];
	_ =	sdelay $0x1  }
0x9b: {  	v5 =	vmul.f32 v49, v4  }
0x9c: {  	v0 =	vmul.f32 v0, v4  }
0x9d: {  	v1 =	vmul.f32 v1, v4;
	[tilespmem:s26+$0xFFFFFF80] =	vst v5  }
0x9e: {  	v4 =	vmul.f32 v6, v4;
	[tilespmem:s26+$0xFFFFFFA0] =	vst v0  }
0x9f: {  	[tilespmem:s26+$0xFFFFFF90] =	vst v1  }
0xa0: {  	v50 =	vld [tilespmem:s26+$0xFFFFFFF0];
	[tilespmem:s26+$0xFFFFFFB0] =	vst v4  }
0xa1: {  	v1 =	vld.idx.msk [tilespmem:v2+s20+$0x0], $0xffff  }
0xa2: {  	v51 =	vld [tilespmem:s26+$0xFFFFFFD0]  }
0xa3: {  	v52 =	vld [tilespmem:s26+$0xFFFFFFC0]  }
0xa4: {  	v53 =	vld [tilespmem:s26+$0xFFFFFFE0];
	_ =	sdelay $0x1  }
0xa5: {  	v0 =	vmul.f32 v50, v1  }
0xa6: {  	v2 =	vmul.f32 v51, v1  }
0xa7: {  	v4 =	vmul.f32 v52, v1;
	[tilespmem:s26+$0xFFFFFFF0] =	vst v0  }
0xa8: {  	v54 =	vmul.f32 v53, v1;
	[tilespmem:s26+$0xFFFFFFD0] =	vst v2  }
0xa9: {  	[tilespmem:s26+$0xFFFFFFC0] =	vst v4  }
0xaa: {  	v55 =	vld [tilespmem:s26+$0x0];
	[tilespmem:s26+$0xFFFFFFE0] =	vst v54  }
0xab: {  	v0 =	vld.idx.msk [tilespmem:v3+s20+$0x0], $0xffff  }
0xac: {  	v56 =	vld [tilespmem:s26+$0x10]  }
0xad: {  	v57 =	vld [tilespmem:s26+$0x30]  }
0xae: {  	v58 =	vld [tilespmem:s26+$0x20];
	_ =	sdelay $0x1  }
0xaf: {  	s0 =	sadd.s32 $0x3, s29;
	v1 =	vmul.f32 v55, v0  }
0xb0: {  	v59 =	vmov s0;
	v2 =	vmul.f32 v56, v0  }
0xb1: {  	v3 =	vmul.f32 v57, v0;
	[tilespmem:s26+$0x0] =	vst v1  }
0xb2: {  	v0 =	vmul.f32 v58, v0;
	[tilespmem:s26+$0x10] =	vst v2  }
0xb3: {  	[tilespmem:s26+$0x30] =	vst v3  }
0xb4: {  	v60 =	vld [tilespmem:s26+$0x40];
	[tilespmem:s26+$0x20] =	vst v0  }
0xb5: {  	v0 =	vld.idx.msk [tilespmem:v59+s20+$0x0], $0xffff  }
0xb6: {  	v61 =	vld [tilespmem:s26+$0x50]  }
0xb7: {  	v62 =	vld [tilespmem:s26+$0x70]  }
0xb8: {  	v63 =	vld [tilespmem:s26+$0x60];
	_ =	sdelay $0x1  }
0xb9: {  	v1 =	vmul.f32 v60, v0  }
0xba: {  	v2 =	vmul.f32 v61, v0  }
0xbb: {  	v3 =	vmul.f32 v62, v0;
	[tilespmem:s26+$0x40] =	vst v1  }
0xbc: {  	v0 =	vmul.f32 v63, v0;
	[tilespmem:s26+$0x50] =	vst v2  }
0xbd: {  	[tilespmem:s26+$0x70] =	vst v3  }
.Ltmp6:
0xbe: {  	[tilespmem:s26+$0x60] =	vst v0;
	(pc) =	sbr.rel .LBB2_6-.Ltmp6, $4  }
0xbf: {  	[spmem:s3] =	stream.indirect.scatter.add.f32 [tilespmem:s22], [sflag:$0x4], $0x40, s19, s19, $0xb8;
	[tilespmem:$0xBDC0] =	vst v63  }
0xc0: {  	_ =	swait.ge [sflag:s17], $0x2000  }
0xc1: {  	[sflag:s17] =	ssyncset.done $0x0  }
0xc2: {  	[sflag:s17] =	ssyncadd.s32 $0xFFFFE000  }
.LBB2_8:
0xc3: {  	_ =	sfence.sel $0x180000  }
0xc4: {  	[bflag:$0x0] =	sbarrier.arrive $0xFFFF  }
0xc5: {  	_ =	strace $0x9000004D  }
0xc6: {  	[bflag:$0x2] =	sbarrier.arrive $0xFFFF  }
0xc7: {  	p0 =	sne.s32 s2, $0x0;
	s0 =	rddreg [dreg:$0x3]  }
0xc8: {  	s0 =	sadd.s32 @!p0 $0x100000, s0  }
0xc9: {  	[sflag:s0] =	ssyncadd.tile.s32 @!p0 $0x1;
	_ =	shalt  }
.Lfunc_end2:
_tile_overlayer_lowered:
.L_overlay_start_2:
0xca: {  	(tag) =	ssettag $0x2  }
0xcb: {  	s0 =	rddreg [dreg:$0x0];
	s2 =	stileid.u32  }
0xcc: {  	s1 =	rddreg [dreg:$0x1];
	p0 =	sne.s32 s2, $0x0  }
0xcd: {  	s3 =	rddreg [dreg:$0x2];
	[bflag:$0x3] =	sbarrier.arrive $0xFFFF;
	s2 =	simm.s32 @!p0 $0x1C04  }
0xce: {  	[timem:s3], [sflag:s2] =	dma.local @!p0 [hbm:s0], s1  }
0xcf: {  	s0 =	simm.s32 @!p0 $0x4  }
0xd0: {  	_ =	swait.ge @!p0 [sflag:s0], s1  }
0xd1: {  	s1 =	ssub.s32 @!p0 $0x0, s1;
	[sflag:s0] =	ssyncset.done @!p0 $0x0  }
0xd2: {  	[sflag:s0] =	ssyncadd.s32 @!p0 s1  }
0xd3: {  	[bflag:$0x3] =	sbarrier.arrive $0xFFFF  }
0xd4: {  	_ =	shalt  }

// kernel: kernel.9.cloned.1.call-start
scs
__scs_entry_jumppad:
0x0: {  	(pc) =	sbr.rel $0x88, $3  }
0x1: {  	(tag) =	ssettag $0x0;
	lr =	simm.s32 $0x1  }
0x2: {  	[smem:$0x3F95] =	sst lr;
	_ =	strace $0xD0000000  }
0x3: {  	_ = 	snop  }
0x4: {  	_ = 	snop  }
0x5: {  	_ = 	snop  }
0x6: {  	_ = 	snop  }
0x7: {  	_ = 	snop  }
__scs_overlays_trampoline_lowered:
0x8: {  	[smem:$0x3FA4] =	sst s0  }
0x9: {  	[smem:$0x3FA5] =	sst s1  }
0xa: {  	[smem:$0x3FA6] =	sst s2  }
0xb: {  	[smem:$0x3FA7] =	sst s3  }
0xc: {  	[smem:$0x3FA8] =	sst s4  }
0xd: {  	[smem:$0x3FA9] =	sst s5  }
0xe: {  	[smem:$0x3FAA] =	sst s6  }
0xf: {  	[smem:$0x3FAB] =	sst s7  }
0x10: {  	[smem:$0x3FAC] =	sst s8  }
0x11: {  	[smem:$0x3FAD] =	sst s9;
	s0 =	simm.s32 @!p0 $0x0  }
0x12: {  	s1 =	sld [smem:$0x3F93];
	s0 =	simm.s32 @p0 $0x1  }
0x13: {  	[smem:$0x3FAE] =	sst s0;
	s0 =	simm.s32 @!p1 $0x0  }
0x14: {  	s2 =	sld [smem:$0x3F92];
	s0 =	simm.s32 @p1 $0x1  }
0x15: {  	[smem:$0x3FAF] =	sst s0;
	s0 =	simm.s32 @!p2 $0x0  }
0x16: {  	s3 =	sld [smem:$0x3FDB];
	s0 =	simm.s32 @p2 $0x1  }
0x17: {  	s4 =	simm.s32 $0x1BF5;
	[smem:$0x3FB1] =	sst s0  }
0x18: {  	s0 =	sld [smem:$0x3F94];
	_ =	swait.ge [sflag:s4], $0x0  }
0x19: {  	s7 =	sld [smem:$0x3F95]  }
0x1a: {  	s8 =	sadd.s32 $0xFFFFE003, lr  }
0x1b: {  	s9 =	sadd.s32 $0xFFFFFEF7, lr;
	s5 =	simm.s32 $0xFFFFFFFF;
	p2 =	slt.u32 s8, $0xFFFFF086  }
0x1c: {  	p1 =	slt.u32 s9, $0xF7A;
	s5 =	simm.s32 @!p2 $0x0  }
0x1d: {  	s5 =	simm.s32 @p1 $0x1;
	p0 =	seq.s32 s7, s2  }
0x1e: {  	s7 =	smul.u32 @!p0 $0xF7A, s2;
	p2 =	seq.s32 @!p0 s5, $0x0  }
0x1f: {  	s9 =	smul.u32 $0xF7A, s1;
	s8 =	simm.s32 @!p0 $0x1BF5;
	p2 =	por !p2, p0  }
0x20: {  	[sflag:s8] =	ssyncset.s32 @!p0 $0xFFFFF086;
	s6 =	sadd.s32 @!p0 s3, s7;
	s7 =	simm.s32 @!p0 $0x108  }
0x21: {  	s3 =	sadd.s32 s3, s9;
	s6 =	sadd.s32 @!p0 $0x88, s6;
	s7 =	simm.s32 @p2 $0x1082  }
0x22: {  	[simem:s7], [sflag:s8] =	dma.local @!p0 [hbm:s6], $0xF7A  }
0x23: {  	s9 =	sor.u32 $0xD0000000, s2;
	s6 =	simm.s32 $0x108;
	_ =	swait.ge @!p0 [sflag:s8], $0x0  }
0x24: {  	s3 =	sadd.s32 $0x88, s3;
	s6 =	simm.s32 @!p1 $0x1082;
	[sflag:s4] =	ssyncset.s32 $0xFFFFF086  }
0x25: {  	[simem:s6], [sflag:s4] =	dma.local [hbm:s3], $0xF7A  }
0x26: {  	[smem:$0x3F95] =	sst s1;
	(tag) =	ssettag s2;
	_ =	strace s9  }
0x27: {  	s1 =	sld [smem:$0x3FA5]  }
0x28: {  	s2 =	sld [smem:$0x3FA6]  }
0x29: {  	s4 =	sld [smem:$0x3FA8]  }
0x2a: {  	p0 =	seq.s32 s5, $0x0;
	s5 =	sld [smem:$0x3FA9]  }
0x2b: {  	s6 =	sld [smem:$0x3FAA]  }
0x2c: {  	s7 =	sld [smem:$0x3FAB]  }
0x2d: {  	s3 =	simm.s32 $0x108;
	s8 =	sld [smem:$0x3FAC]  }
0x2e: {  	s3 =	simm.s32 @!p0 $0x1082;
	s9 =	sld [smem:$0x3FAD]  }
0x2f: {  	lr =	sadd.s32 s0, s3;
	s0 =	sld [smem:$0x3FA4]  }
0x30: {  	s3 =	sld [smem:$0x3FA7]  }
0x31: {  	[smem:$0x3FB0] =	sst s10  }
0x32: {  	s10 =	sld [smem:$0x3FAE];
	_ =	sdelay $0x3  }
0x33: {  	p0 =	seq.s32 s10, $0x1;
	s10 =	sld [smem:$0x3FB0];
	_ =	sdelay $0x3  }
0x34: {  	[smem:$0x3FB0] =	sst s10  }
0x35: {  	s10 =	sld [smem:$0x3FAF];
	_ =	sdelay $0x3  }
0x36: {  	p1 =	seq.s32 s10, $0x1;
	s10 =	sld [smem:$0x3FB0];
	_ =	sdelay $0x3  }
0x37: {  	[smem:$0x3FB0] =	sst s10  }
0x38: {  	s10 =	sld [smem:$0x3FB1]  }
0x39: {  	_ = 	snop;
	(pc) =	sbr.ind lr, $3  }
0x3a: {  	_ = 	snop  }
0x3b: {  	_ = 	snop  }
0x3c: {  	p2 =	seq.s32 s10, $0x1;
	s10 =	sld [smem:$0x3FB0]  }
0x3d: {  	_ =	shalt  }
0x3e: {  	_ =	shalt  }
0x3f: {  	_ =	shalt  }
0x40: {  	_ =	shalt  }
0x41: {  	_ =	shalt  }
0x42: {  	_ =	shalt  }
0x43: {  	_ =	shalt  }
0x44: {  	_ =	shalt  }
0x45: {  	_ =	shalt  }
0x46: {  	_ =	shalt  }
0x47: {  	_ =	shalt  }
0x48: {  	_ =	shalt  }
0x49: {  	_ =	shalt  }
0x4a: {  	_ =	shalt  }
0x4b: {  	_ =	shalt  }
0x4c: {  	_ =	shalt  }
0x4d: {  	_ =	shalt  }
0x4e: {  	_ =	shalt  }
0x4f: {  	_ =	shalt  }
0x50: {  	_ =	shalt  }
0x51: {  	_ =	shalt  }
0x52: {  	_ =	shalt  }
0x53: {  	_ =	shalt  }
0x54: {  	_ =	shalt  }
0x55: {  	_ =	shalt  }
0x56: {  	_ =	shalt  }
0x57: {  	_ =	shalt  }
0x58: {  	_ =	shalt  }
0x59: {  	_ =	shalt  }
0x5a: {  	_ =	shalt  }
0x5b: {  	_ =	shalt  }
0x5c: {  	_ =	shalt  }
0x5d: {  	_ =	shalt  }
0x5e: {  	_ =	shalt  }
0x5f: {  	_ =	shalt  }
0x60: {  	_ =	shalt  }
0x61: {  	_ =	shalt  }
0x62: {  	_ =	shalt  }
0x63: {  	_ =	shalt  }
0x64: {  	_ =	shalt  }
0x65: {  	_ =	shalt  }
0x66: {  	_ =	shalt  }
0x67: {  	_ =	shalt  }
0x68: {  	_ =	shalt  }
0x69: {  	_ =	shalt  }
0x6a: {  	_ =	shalt  }
0x6b: {  	_ =	shalt  }
0x6c: {  	_ =	shalt  }
0x6d: {  	_ =	shalt  }
0x6e: {  	_ =	shalt  }
0x6f: {  	_ =	shalt  }
0x70: {  	_ =	shalt  }
0x71: {  	_ =	shalt  }
0x72: {  	_ =	shalt  }
0x73: {  	_ =	shalt  }
0x74: {  	_ =	shalt  }
0x75: {  	_ =	shalt  }
0x76: {  	_ =	shalt  }
0x77: {  	_ =	shalt  }
0x78: {  	_ =	shalt  }
0x79: {  	_ =	shalt  }
0x7a: {  	_ =	shalt  }
0x7b: {  	_ =	shalt  }
0x7c: {  	_ =	shalt  }
0x7d: {  	_ =	shalt  }
0x7e: {  	_ =	shalt  }
0x7f: {  	_ =	shalt  }
0x80: {  	_ =	shalt  }
0x81: {  	_ =	shalt  }
0x82: {  	_ =	shalt  }
0x83: {  	_ =	shalt  }
0x84: {  	_ =	shalt  }
0x85: {  	_ =	shalt  }
0x86: {  	_ =	shalt  }
0x87: {  	_ =	shalt  }
.Lfunc_end0:
.L_simem_size_0:
called_computation_lowered:
.L_overlay_start_0:
0x88: {  	s2 =	sld [smem:$0x3FD9]  }
0x89: {  	s3 =	sld [smem:$0x3FFE];
	_ =	sdelay $0x1  }
0x8a: {  	s1 =	srdreg.scid  }
0x8b: {  	s0 =	sand.u32 $0x1, s1  }
0x8c: {  	s17 =	sshll.u32 s0, $0xA;
	s2 =	sadd.s32 s3, s2  }
0x8d: {  	s2 =	sadd.s32 s2, s17  }
0x8e: {  	[smem:$0x3FBC] =	sst s2  }
0x8f: {  	_ = 	snop  }
0x90: {  	s2 =	sld [smem:$0x3FC6];
	(tm) =	ssettm $0x1  }
0x91: {  	s18 =	sld [smem:$0x3FFB];
	_ =	sdelay $0x3  }
0x92: {  	_ =	strace s18  }
0x93: {  	s3 =	sld [smem:$0x3FFC];
	_ =	sdelay $0x3  }
0x94: {  	_ =	strace s3  }
0x95: {  	s3 =	sld [smem:$0x3FFD];
	_ =	sdelay $0x3  }
0x96: {  	_ =	strace s3  }
0x97: {  	_ =	strace $0x8FFFFFFF  }
0x98: {  	s19 =	sld [smem:$0x3FDB];
	_ =	sdelay $0x1  }
0x99: {  	s4 =	simm.s32 $_scs_section_size  }
0x9a: {  	s5 =	simm.s32 $_size__tile_overlayer_lowered;
	s6 =	simm.s32 $_tile_overlayer_lowered  }
0x9b: {  	s22 =	simm.s32 $0x1BFF;
	s21 =	sshll.u32 s6, $0x1;
	s3 =	sadd.s32 s4, s19  }
0x9c: {  	s7 =	simm.s32 $0x0;
	s20 =	sshll.u32 s5, $0x1;
	s5 =	sadd.s32 s21, s3  }
0x9d: {  	[timem:s7], [sflag:s22] =	dma.local [hbm:s5], s20  }
0x9e: {  	_ =	swait.ge [sflag:s22], s20  }
0x9f: {  	s4 =	ssub.s32 $0x0, s20;
	[sflag:s22] =	ssyncset.done $0x0  }
0xa0: {  	[sflag:s22] =	ssyncadd.s32 s4;
	_ =	sdelay $0x1  }
0xa1: {  	s23 =	simm.s32 $0x1B8B  }
0xa2: {  	_ =	swait.ge [sflag:s23], $0x1  }
0xa3: {  	[sflag:s23] =	ssyncset.done $0x0  }
0xa4: {  	s25 =	simm.s32 $0x1B8E;
	s24 =	sld [smem:$0x3FFE];
	[sflag:s23] =	ssyncadd.s32 $0xFFFFFFFF  }
0xa5: {  	s26 =	simm.s32 $execute0_lowered;
	[smem:$0x3FD2] =	sst s25  }
0xa6: {  	s5 =	sshll.u32 s26, $0x1;
	_ =	strace $0x80000046;
	[dreg:$0x1] =	wrdreg $0xFFFFFFFF  }
0xa7: {  	s28 =	simm.s32 $_size_execute0_lowered;
	s3 =	sadd.s32 s3, s5;
	[dreg:$0x0] =	wrdreg $0x0  }
0xa8: {  	s5 =	sshll.u32 s28, $0x1;
	[dreg:$0x2] =	wrdreg s3  }
0xa9: {  	[dreg:$0x3] =	wrdreg s5  }
0xaa: {  	[dreg:$0x4] =	wrdreg $0xC0  }
0xab: {  	_ =	task [dreg:s7], $0x5FFFF  }
0xac: {  	[dreg:$0x1] =	wrdreg $0xFFFFFFFF  }
0xad: {  	[dreg:$0x0] =	wrdreg $0x60  }
0xae: {  	[dreg:$0x2] =	wrdreg s24  }
0xaf: {  	[dreg:$0x3] =	wrdreg s2  }
0xb0: {  	[dreg:$0x4] =	wrdreg $0x41800  }
0xb1: {  	[dreg:$0x5] =	wrdreg $0x9  }
0xb2: {  	_ =	task.clear_ibuf [dreg:s7], $0x6FFFF;
	_ =	strace $0x90000046  }
0xb3: {  	s29 =	simm.s32 $0x9;
	_ =	strace $0x80000048  }
0xb4: {  	_ =	swait.ge [sflag:s29], $0x1  }
0xb5: {  	[sflag:s29] =	ssyncadd.s32 $0xFFFFFFFF  }
0xb6: {  	_ =	strace $0x90000048  }
0xb7: {  	_ =	sfence  }
0xb8: {  	s30 =	sld [smem:$0x0];
	_ =	sdelay $0x2  }
0xb9: {  	s31 =	sshll.u32 s1, $0xD;
	s1 =	sshrl.u32 s1, $0x2  }
0xba: {  	s3 =	sand.u32 $0x4000, s31;
	s1 =	sadd.s32 s1, s30  }
0xbb: {  	s0 =	sor.u32 s3, s0;
	s1 =	sshll.u32 s1, $0x11  }
0xbc: {  	s0 =	sor.u32 s1, s0  }
0xbd: {  	s0 =	sadd.s32 $0x8F2B, s0  }
0xbe: {  	[sflag:s0] =	ssyncadd.remote.s32 $0x1  }
0xbf: {  	_ =	sfence.sel $0xFFFF  }
0xc0: {  	[dreg:$0x0] =	wrdreg $0xFFFFFFFF;
	(pc) =	sbr.abs _section_cstart, $3  }
0xc1: {  	[dreg:$0x1] =	wrdreg $0xFFFFFFFF  }
0xc2: {  	_ =	task.clear_ibuf [dreg:s7], $0x2FFFF;
	_ =	strace $0x9FFFFFFF  }
0xc3: {  	(tm) =	ssettm $0x7FFFFFFF  }
tec
execute0_lowered:
.L_overlay_start_1:
0x0: {  	(tag) =	ssettag $0x1  }
0x1: {  	s12 =	rddreg [dreg:$0x0]  }
0x2: {  	s1 =	rddreg [dreg:$0x1]  }
0x3: {  	s2 =	rddreg [dreg:$0x2];
	s4 =	simm.s32 $0x0;
	s3 =	stileid.u32  }
0x4: {  	s8 =	srdreg.scid;
	s20 =	simm.s32 $0x100;
	s21 =	simm.s32 $0x2  }
0x5: {  	s22 =	simm.s32 $0x180;
	s23 =	simm.s32 $0x3;
	s24 =	simm.s32 $0x1  }
0x6: {  	[smem:$0x7FF] =	sst s4;
	s5 =	sadd.s32 $0x15C00, s12;
	s13 =	smul.u32 $0x13800, s3  }
0x7: {  	s6 =	sadd.s32 $0xBE00, s12;
	s7 =	sadd.s32 $0x2000, s12;
	s8 =	sand.u32 $0x1, s8  }
0x8: {  	s11 =	smul.u32 $0x4E000, s3;
	s15 =	sadd.s32 $0x64000, s12;
	s30 =	sshll.u32 s3, $0x6  }
0x9: {  	s19 =	sadd.s32 $0x138000, s2;
	p0 =	sne.s32 s3, $0xF;
	_ =	strace $0x80000047  }
0xa: {  	s10 =	ssub.s32 $0x2, s8;
	s17 =	smul.u32 $0x138800, s8;
	s9 =	sshrl.u32 s13, $0x3  }
0xb: {  	s28 =	sshrl.u32 s10, $0x1;
	s29 =	sshrl.u32 s11, $0x2;
	s11 =	sor.u32 $0x1C04, s30  }
0xc: {  	s14 =	sadd.s32 s9, s12;
	s16 =	ssub.s32 s10, s28;
	s9 =	sshll.u32 s3, $0x1  }
.Ltmp0:
0xd: {  	s18 =	sadd.s32 s29, s2;
	s13 =	sadd.s32 s13, s17;
	(pc) =	sbr.rel .LBB2_1-.Ltmp0, $4  }
0xe: {  	s31 =	sshrl.u32 s17, $0x3;
	s12 =	sadd.s32 $0x63E00, s12;
	s17 =	simm.s32 $0x4  }
0xf: {  	s10 =	sadd.s32 $0x3CE00, s14;
	s13 =	sshrl.u32 s13, $0x3;
	s14 =	sadd.s32 s15, s31  }
0x10: {  	s13 =	sadd.s32 s15, s13;
	s14 =	sadd.s32 $0x27000, s14;
	s15 =	smax.u32 s16, $0x1  }
0x11: {  	s16 =	sshrl.u32 s18, $0x3;
	s18 =	sshrl.u32 @!p0 s19, $0x3;
	s19 =	simm.s32 $0x80  }
.LBB2_7:
0x12: {  	[bflag:$0x0] =	sbarrier.arrive $0xFFFF  }
0x13: {  	[hbm:s13], [sflag:s11] =	dma.local [spmem:s16], $0x2700  }
0x14: {  	s4 =	sadd.s32 $0x1, s4;
	_ =	swait.ge [sflag:s17], $0x2700  }
0x15: {  	p1 =	sne.s32 s4, s15;
	[sflag:s17] =	ssyncset.done $0x0  }
.Ltmp1:
0x16: {  	s0 =	simm.s32 @!p0 $0x4;
	[sflag:s17] =	ssyncadd.s32 $0xFFFFD900;
	(pc) =	sbr.rel @!p1 .LBB2_8-.Ltmp1, $4  }
0x17: {  	[hbm:s14], [sflag:s11] =	dma.local @!p0 [spmem:s18], $0x100  }
0x18: {  	_ =	swait.ge @!p0 [sflag:s0], $0x100  }
0x19: {  	[sflag:s0] =	ssyncset.done @!p0 $0x0  }
0x1a: {  	[sflag:s0] =	ssyncadd.s32 @!p0 $0xFFFFFF00  }
.LBB2_1:
0x1b: {  	[spmem:s16], [sflag:s11] =	dma.local [hbm:s10], $0x2700  }
0x1c: {  	_ =	swait.ge [sflag:s17], $0x2700  }
0x1d: {  	[sflag:s17] =	ssyncset.done $0x0  }
0x1e: {  	s25 =	simm.s32 @!p0 $0x4;
	[sflag:s17] =	ssyncadd.s32 $0xFFFFD900  }
0x1f: {  	[spmem:s18], [sflag:s11] =	dma.local @!p0 [hbm:s12], $0x100  }
.Ltmp2:
0x20: {  	_ =	swait.ge @!p0 [sflag:s25], $0x100;
	(pc) =	sbr.rel .LBB2_2-.Ltmp2, $4  }
0x21: {  	[sflag:s25] =	ssyncset.done @!p0 $0x0  }
0x22: {  	[sflag:s25] =	ssyncadd.s32 @!p0 $0xFFFFFF00  }
0x23: {  	[bflag:$0x0] =	sbarrier.arrive $0xFFFF  }
0x24: {  	s25 =	simm.s32 $0x0  }
.LBB2_6:
0x25: {  	s25 =	sadd.s32 $0x1, s25  }
0x26: {  	p1 =	sne.s32 s25, $0x4F  }
.Ltmp3:
0x27: {  	_ = 	snop;
	(pc) =	sbr.rel @!p1 .LBB2_7-.Ltmp3, $1  }
0x28: {  	_ =	sdelay $0x3  }
.LBB2_2:
0x29: {  	s26 =	sshll.u32 s25, $0x5  }
0x2a: {  	s26 =	sor.u32 s9, s26  }
0x2b: {  	p1 =	sgt.u32 s26, $0x9C3  }
.Ltmp4:
0x2c: {  	_ = 	snop;
	(pc) =	sbr.rel @p1 .LBB2_6-.Ltmp4, $1  }
0x2d: {  	_ =	sdelay $0x3  }
0x2e: {  	s26 =	sor.u32 s8, s26  }
0x2f: {  	s26 =	sshll.u32 s26, $0x4  }
0x30: {  	s28 =	simm.s32 $0x0;
	s29 =	sadd.s32 s6, s26  }
0x31: {  	[tilespmem:s28], [sflag:$0x2] =	stream.linear.gather [hbm4b:s29+s28], $0x80, $0x38;
	[tilespmem:$0x17A00] =	vst v63  }
0x32: {  	s29 =	sadd.s32 s7, s26  }
0x33: {  	[tilespmem:s19], [sflag:$0x3] =	stream.linear.gather [hbm4b:s29+s28], $0x80, $0x38;
	[tilespmem:$0x17A00] =	vst v63  }
0x34: {  	s26 =	sadd.s32 s1, s26  }
0x35: {  	[tilespmem:s20], [sflag:$0x3] =	stream.linear.gather [hbm4b:s26+s28], $0x80, $0x38;
	[tilespmem:$0x17A00] =	vst v63  }
0x36: {  	_ =	swait.ge [sflag:s21], $0x80  }
0x37: {  	[sflag:s21] =	ssyncset.done $0x0  }
0x38: {  	[sflag:s21] =	ssyncadd.s32 $0xFFFFFF80  }
0x39: {  	[tilespmem:s22], [sflag:$0x1] =	stream.indirect.gather [hbm4b:s5+s19], $0x80, s28, s19, $0xb8;
	[tilespmem:$0x17A00] =	vst v63  }
0x3a: {  	_ =	swait.ge [sflag:s23], $0x80  }
0x3b: {  	[sflag:s23] =	ssyncset.done $0x0  }
0x3c: {  	v0 =	vmov s28;
	[sflag:s23] =	ssyncadd.s32 $0xFFFFFF80  }
0x3d: {  	v0 =	vand.u32 $0xFFFFFFFC, v0;
	_ =	swait.ge [sflag:s23], $0x80  }
0x3e: {  	v0 =	vbroadcast v0, $0x0;
	[sflag:s23] =	ssyncset.done $0x0  }
0x3f: {  	[sflag:s23] =	ssyncadd.s32 $0xFFFFFF80  }
0x40: {  	_ =	swait.ge [sflag:s24], $0x4000  }
0x41: {  	[sflag:s24] =	ssyncset.done $0x0  }
0x42: {  	s26 =	simm.s32 $0x280;
	[sflag:s24] =	ssyncadd.s32 $0xFFFFC000  }
0x43: {  	v1 =	vld [tilespmem:s26+$0xFFFFFF70]  }
0x44: {  	v0 =	vld.idx.msk [tilespmem:v0+s20+$0x0], $0xffff  }
0x45: {  	v2 =	vld [tilespmem:s26+$0xFFFFFF00]  }
0x46: {  	v3 =	vld [tilespmem:s26+$0xFFFFFF20]  }
0x47: {  	v4 =	vld [tilespmem:s26+$0xFFFFFF50]  }
0x48: {  	v5 =	vld [tilespmem:s26+$0xFFFFFF40]  }
0x49: {  	v6 =	vld [tilespmem:s26+$0xFFFFFF60];
	v1 =	vmul.f32 v1, v0  }
0x4a: {  	s29 =	simm.s32 $0x1;
	v7 =	vld [tilespmem:s26+$0xFFFFFF30];
	v2 =	vmul.f32 v2, v0  }
0x4b: {  	v8 =	vld [tilespmem:s26+$0xFFFFFF10];
	v3 =	vmul.f32 v3, v0;
	[tilespmem:s26+$0xFFFFFF70] =	vst v1;
	v1 =	vmov s29  }
0x4c: {  	v4 =	vmul.f32 v4, v0;
	[tilespmem:s26+$0xFFFFFF00] =	vst v2;
	v1 =	vand.u32 $0xFFFFFFFD, v1  }
0x4d: {  	v2 =	vmul.f32 v5, v0;
	[tilespmem:s26+$0xFFFFFF20] =	vst v3;
	v1 =	vbroadcast v1, $0x0  }
0x4e: {  	v3 =	vmul.f32 v6, v0;
	[tilespmem:s26+$0xFFFFFF50] =	vst v4  }
0x4f: {  	v4 =	vmul.f32 v7, v0;
	[tilespmem:s26+$0xFFFFFF40] =	vst v2  }
0x50: {  	v0 =	vmul.f32 v8, v0;
	[tilespmem:s26+$0xFFFFFF60] =	vst v3  }
0x51: {  	[tilespmem:s26+$0xFFFFFF30] =	vst v4  }
0x52: {  	[tilespmem:s26+$0xFFFFFF10] =	vst v0;
	v0 =	vld [tilespmem:s26+$0xFFFFFF90]  }
0x53: {  	v2 =	vld.idx.msk [tilespmem:v1+s20+$0x0], $0xffff  }
0x54: {  	v1 =	vld [tilespmem:s26+$0xFFFFFFA0]  }
0x55: {  	v3 =	vld [tilespmem:s26+$0xFFFFFF80]  }
0x56: {  	v4 =	vld [tilespmem:s26+$0xFFFFFFB0]  }
0x57: {  	v5 =	vld [tilespmem:s26+$0xFFFFFFC0]  }
0x58: {  	v6 =	vld [tilespmem:s26+$0xFFFFFFD0];
	v0 =	vmul.f32 v0, v2  }
0x59: {  	v7 =	vld [tilespmem:s26+$0xFFFFFFF0];
	s29 =	simm.s32 $0x2;
	v1 =	vmul.f32 v1, v2  }
0x5a: {  	v8 =	vld [tilespmem:s26+$0xFFFFFFE0];
	v3 =	vmul.f32 v3, v2;
	[tilespmem:s26+$0xFFFFFF90] =	vst v0;
	v0 =	vmov s29  }
0x5b: {  	v4 =	vmul.f32 v4, v2;
	[tilespmem:s26+$0xFFFFFFA0] =	vst v1;
	v0 =	vand.u32 $0xFFFFFFFE, v0  }
0x5c: {  	v1 =	vmul.f32 v5, v2;
	[tilespmem:s26+$0xFFFFFF80] =	vst v3;
	v5 =	vld [tilespmem:s26+$0x60];
	v9 =	vbroadcast v0, $0x0  }
0x5d: {  	v3 =	vmul.f32 v6, v2;
	[tilespmem:s26+$0xFFFFFFB0] =	vst v4;
	v6 =	vld [tilespmem:s26+$0x0]  }
0x5e: {  	v4 =	vmul.f32 v7, v2;
	v0 =	vld [tilespmem:s26+$0x20];
	[tilespmem:s26+$0xFFFFFFC0] =	vst v1  }
0x5f: {  	v2 =	vmul.f32 v8, v2;
	v1 =	vld [tilespmem:s26+$0x30];
	[tilespmem:s26+$0xFFFFFFD0] =	vst v3  }
0x60: {  	[tilespmem:s26+$0xFFFFFFF0] =	vst v4;
	v3 =	vld [tilespmem:s26+$0x40]  }
0x61: {  	[tilespmem:s26+$0xFFFFFFE0] =	vst v2;
	v4 =	vld [tilespmem:s26+$0x10]  }
0x62: {  	s30 =	simm.s32 $0x280;
	s29 =	simm.s32 $0x4;
	v2 =	vld.idx.msk [tilespmem:v9+s20+$0x0], $0xffff  }
.LBB2_4:
0x63: {  	p1 =	sne.s32 s29, $0x7C  }
0x64: {  	v7 =	vld [tilespmem:s26+$0x50];
	s30 =	sadd.s32 $0x200, s30;
	s31 =	smov.u32 s29;
	s29 =	sadd.s32 $0x4, s29  }
0x65: {  	v8 =	vld [tilespmem:s26+$0x70];
	_ =	sdelay $0x1  }
0x66: {  	v5 =	vmul.f32 v5, v2;
	v6 =	vmul.f32 v6, v2  }
0x67: {  	v3 =	vmul.f32 v3, v2;
	v4 =	vmul.f32 v4, v2  }
0x68: {  	v0 =	vmul.f32 v0, v2;
	v1 =	vmul.f32 v1, v2;
	[tilespmem:s26+$0x60] =	vst v5  }
0x69: {  	[tilespmem:s26+$0x40] =	vst v3;
	v3 =	vmul.f32 v7, v2;
	v2 =	vmul.f32 v8, v2  }
0x6a: {  	s0 =	sadd.s32 $0x3, s28;
	s28 =	smov.u32 s31;
	[tilespmem:s26+$0x20] =	vst v0;
	v5 =	vld [tilespmem:s26+$0x80]  }
0x6b: {  	v0 =	vld [tilespmem:s30+$0x20];
	[tilespmem:s26+$0x0] =	vst v6;
	v6 =	vmov s0  }
0x6c: {  	[tilespmem:s26+$0x50] =	vst v3;
	v3 =	vld [tilespmem:s26+$0xE0]  }
0x6d: {  	[tilespmem:s26+$0x30] =	vst v1;
	v7 =	vld [tilespmem:s26+$0xC0]  }
0x6e: {  	v1 =	vld [tilespmem:s30+$0x30];
	[tilespmem:s26+$0x10] =	vst v4  }
0x6f: {  	[tilespmem:s26+$0x70] =	vst v2;
	v2 =	vld [tilespmem:s26+$0xA0]  }
0x70: {  	v4 =	vld.idx.msk [tilespmem:v6+s20+$0x0], $0xffff  }
0x71: {  	v6 =	vld [tilespmem:s26+$0x90]  }
0x72: {  	v8 =	vld [tilespmem:s26+$0xB0]  }
0x73: {  	v9 =	vld [tilespmem:s26+$0xD0]  }
0x74: {  	v10 =	vld [tilespmem:s26+$0xF0];
	_ =	sdelay $0x1  }
0x75: {  	v5 =	vmul.f32 v5, v4;
	v6 =	vmul.f32 v6, v4  }
0x76: {  	v2 =	vmul.f32 v2, v4;
	v8 =	vmul.f32 v8, v4  }
0x77: {  	v11 =	vmov s28;
	[tilespmem:s26+$0x80] =	vst v5;
	v5 =	vmul.f32 v7, v4;
	v7 =	vmul.f32 v9, v4  }
0x78: {  	v9 =	vand.u32 $0xFFFFFFFC, v11;
	[tilespmem:s26+$0xA0] =	vst v2;
	v2 =	vmul.f32 v3, v4;
	v3 =	vmul.f32 v10, v4  }
0x79: {  	v4 =	vbroadcast v9, $0x0;
	[tilespmem:s26+$0xC0] =	vst v5  }
0x7a: {  	[tilespmem:s26+$0xF0] =	vst v3  }
0x7b: {  	v3 =	vld [tilespmem:s30+$0xFFFFFF40];
	[tilespmem:s26+$0xE0] =	vst v2  }
0x7c: {  	v2 =	vld [tilespmem:s30+$0xFFFFFF50];
	[tilespmem:s26+$0x90] =	vst v6  }
0x7d: {  	v5 =	vld [tilespmem:s30+$0xFFFFFF60];
	[tilespmem:s26+$0xB0] =	vst v8  }
0x7e: {  	v6 =	vld [tilespmem:s30+$0xFFFFFF70];
	[tilespmem:s26+$0xD0] =	vst v7;
	s26 =	smov.u32 s30  }
0x7f: {  	v4 =	vld.idx.msk [tilespmem:v4+s20+$0x0], $0xffff  }
0x80: {  	v7 =	vld [tilespmem:s30+$0xFFFFFF00]  }
0x81: {  	v8 =	vld [tilespmem:s30+$0xFFFFFF20]  }
0x82: {  	v9 =	vld [tilespmem:s30+$0xFFFFFF10]  }
0x83: {  	v10 =	vld [tilespmem:s30+$0xFFFFFF30];
	_ =	sdelay $0x1  }
0x84: {  	v6 =	vmul.f32 v6, v4;
	v7 =	vmul.f32 v7, v4  }
0x85: {  	s0 =	sadd.s32 $0x1, s28;
	v5 =	vmul.f32 v5, v4;
	v8 =	vmul.f32 v8, v4  }
0x86: {  	v2 =	vmul.f32 v2, v4;
	v9 =	vmul.f32 v9, v4;
	[tilespmem:s30+$0xFFFFFF70] =	vst v6;
	v6 =	vmov s0  }
0x87: {  	v3 =	vmul.f32 v3, v4;
	[tilespmem:s30+$0xFFFFFF00] =	vst v7;
	v7 =	vmul.f32 v10, v4;
	v4 =	vand.u32 $0xFFFFFFFD, v6  }
0x88: {  	[tilespmem:s30+$0xFFFFFF20] =	vst v8;
	v4 =	vbroadcast v4, $0x0  }
0x89: {  	[tilespmem:s30+$0xFFFFFF50] =	vst v2  }
0x8a: {  	[tilespmem:s30+$0xFFFFFF40] =	vst v3;
	v2 =	vld [tilespmem:s30+$0xFFFFFFF0]  }
0x8b: {  	[tilespmem:s30+$0xFFFFFF60] =	vst v5;
	v3 =	vld [tilespmem:s30+$0xFFFFFFC0]  }
0x8c: {  	[tilespmem:s30+$0xFFFFFF30] =	vst v7;
	v5 =	vld [tilespmem:s30+$0xFFFFFFD0]  }
0x8d: {  	[tilespmem:s30+$0xFFFFFF10] =	vst v9;
	v6 =	vld [tilespmem:s30+$0xFFFFFF90]  }
0x8e: {  	v4 =	vld.idx.msk [tilespmem:v4+s20+$0x0], $0xffff  }
0x8f: {  	v7 =	vld [tilespmem:s30+$0xFFFFFF80]  }
0x90: {  	v8 =	vld [tilespmem:s30+$0xFFFFFFA0]  }
0x91: {  	v9 =	vld [tilespmem:s30+$0xFFFFFFB0]  }
0x92: {  	v10 =	vld [tilespmem:s30+$0xFFFFFFE0];
	_ =	sdelay $0x1  }
0x93: {  	v6 =	vmul.f32 v6, v4;
	v7 =	vmul.f32 v7, v4  }
0x94: {  	s0 =	sadd.s32 $0x2, s28;
	v5 =	vmul.f32 v5, v4;
	v8 =	vmul.f32 v8, v4  }
0x95: {  	v3 =	vmul.f32 v3, v4;
	[tilespmem:s30+$0xFFFFFF90] =	vst v6;
	v6 =	vmul.f32 v9, v4;
	v9 =	vmov s0  }
0x96: {  	v2 =	vmul.f32 v2, v4;
	[tilespmem:s30+$0xFFFFFFA0] =	vst v8;
	v8 =	vmul.f32 v10, v4;
	v4 =	vand.u32 $0xFFFFFFFE, v9  }
0x97: {  	[tilespmem:s30+$0xFFFFFF80] =	vst v7;
	v4 =	vbroadcast v4, $0x0  }
0x98: {  	[tilespmem:s30+$0xFFFFFFB0] =	vst v6  }
0x99: {  	[tilespmem:s30+$0xFFFFFFC0] =	vst v3  }
0x9a: {  	[tilespmem:s30+$0xFFFFFFD0] =	vst v5  }
.Ltmp5:
0x9b: {  	[tilespmem:s30+$0xFFFFFFF0] =	vst v2;
	v3 =	vld [tilespmem:s30+$0x40];
	(pc) =	sbr.rel @p1 .LBB2_4-.Ltmp5, $4  }
0x9c: {  	[tilespmem:s30+$0xFFFFFFE0] =	vst v8;
	v5 =	vld [tilespmem:s30+$0x60]  }
0x9d: {  	v2 =	vld.idx.msk [tilespmem:v4+s20+$0x0], $0xffff  }
0x9e: {  	v6 =	vld [tilespmem:s30+$0x0]  }
0x9f: {  	v4 =	vld [tilespmem:s30+$0x10]  }
0xa0: {  	_ =	sdelay $0x1  }
0xa1: {  	v5 =	vmul.f32 v5, v2  }
0xa2: {  	v7 =	vld [tilespmem:s26+$0x50];
	v3 =	vmul.f32 v3, v2  }
0xa3: {  	v8 =	vld [tilespmem:s26+$0x70];
	v0 =	vmul.f32 v0, v2;
	[tilespmem:s26+$0x60] =	vst v5  }
0xa4: {  	v48 =	vmul.f32 v1, v2;
	[tilespmem:s26+$0x40] =	vst v3  }
0xa5: {  	s0 =	sadd.s32 $0x3, s28;
	v46 =	vmul.f32 v6, v2;
	[tilespmem:s26+$0x20] =	vst v0  }
0xa6: {  	v50 =	vmov s0;
	v4 =	vmul.f32 v4, v2;
	[tilespmem:s26+$0x30] =	vst v48  }
0xa7: {  	v47 =	vmul.f32 v7, v2;
	[tilespmem:s26+$0x0] =	vst v46  }
0xa8: {  	v51 =	vmul.f32 v8, v2;
	[tilespmem:s26+$0x10] =	vst v4  }
0xa9: {  	[tilespmem:s26+$0x50] =	vst v47  }
0xaa: {  	v49 =	vld [tilespmem:s26+$0x80];
	[tilespmem:s26+$0x70] =	vst v51  }
0xab: {  	v0 =	vld.idx.msk [tilespmem:v50+s20+$0x0], $0xffff  }
0xac: {  	v52 =	vld [tilespmem:s26+$0xA0]  }
0xad: {  	v53 =	vld [tilespmem:s26+$0xC0]  }
0xae: {  	v54 =	vld [tilespmem:s26+$0xF0]  }
0xaf: {  	v55 =	vld [tilespmem:s26+$0xE0]  }
0xb0: {  	v56 =	vld [tilespmem:s26+$0x90];
	v1 =	vmul.f32 v49, v0  }
0xb1: {  	v57 =	vld [tilespmem:s26+$0xB0];
	v2 =	vmul.f32 v52, v0  }
0xb2: {  	v58 =	vld [tilespmem:s26+$0xD0];
	v59 =	vmul.f32 v53, v0;
	[tilespmem:s26+$0x80] =	vst v1  }
0xb3: {  	v60 =	vmul.f32 v54, v0;
	[tilespmem:s26+$0xA0] =	vst v2  }
0xb4: {  	v61 =	vmul.f32 v55, v0;
	[tilespmem:s26+$0xC0] =	vst v59  }
0xb5: {  	v62 =	vmul.f32 v56, v0;
	[tilespmem:s26+$0xF0] =	vst v60  }
0xb6: {  	v63 =	vmul.f32 v57, v0;
	[tilespmem:s26+$0xE0] =	vst v61  }
0xb7: {  	v0 =	vmul.f32 v58, v0;
	[tilespmem:s26+$0x90] =	vst v62  }
0xb8: {  	[tilespmem:s26+$0xB0] =	vst v63  }
.Ltmp6:
0xb9: {  	[tilespmem:s26+$0xD0] =	vst v0;
	(pc) =	sbr.rel .LBB2_6-.Ltmp6, $4  }
0xba: {  	[spmem:s2] =	stream.indirect.scatter.add.f32 [tilespmem:s22], [sflag:$0x4], $0x80, s19, s19, $0xb8;
	[tilespmem:$0x17A00] =	vst v63  }
0xbb: {  	_ =	swait.ge [sflag:s17], $0x4000  }
0xbc: {  	[sflag:s17] =	ssyncset.done $0x0  }
0xbd: {  	[sflag:s17] =	ssyncadd.s32 $0xFFFFC000  }
.LBB2_8:
0xbe: {  	_ =	sfence.sel $0x180000  }
0xbf: {  	[bflag:$0x0] =	sbarrier.arrive $0xFFFF  }
0xc0: {  	_ =	strace $0x90000047  }
0xc1: {  	[bflag:$0x2] =	sbarrier.arrive $0xFFFF  }
0xc2: {  	p0 =	sne.s32 s3, $0x0;
	s0 =	rddreg [dreg:$0x3]  }
0xc3: {  	s0 =	sadd.s32 @!p0 $0x100000, s0  }
0xc4: {  	[sflag:s0] =	ssyncadd.tile.s32 @!p0 $0x1;
	_ =	shalt  }
.Lfunc_end2:
_tile_overlayer_lowered:
.L_overlay_start_2:
0xc5: {  	(tag) =	ssettag $0x2  }
0xc6: {  	s0 =	rddreg [dreg:$0x0];
	s2 =	stileid.u32  }
0xc7: {  	s1 =	rddreg [dreg:$0x1];
	p0 =	sne.s32 s2, $0x0  }
0xc8: {  	s3 =	rddreg [dreg:$0x2];
	[bflag:$0x3] =	sbarrier.arrive $0xFFFF;
	s2 =	simm.s32 @!p0 $0x1C04  }
0xc9: {  	[timem:s3], [sflag:s2] =	dma.local @!p0 [hbm:s0], s1  }
0xca: {  	s0 =	simm.s32 @!p0 $0x4  }
0xcb: {  	_ =	swait.ge @!p0 [sflag:s0], s1  }
0xcc: {  	s1 =	ssub.s32 @!p0 $0x0, s1;
	[sflag:s0] =	ssyncset.done @!p0 $0x0  }
0xcd: {  	[sflag:s0] =	ssyncadd.s32 @!p0 s1  }
0xce: {  	[bflag:$0x3] =	sbarrier.arrive $0xFFFF  }
0xcf: {  	_ =	shalt  }

</sc_bundles>
